<compile_context>
chip_gen: v7x
topology: tpu7x:2x2x1
jax: 0.10.2.dev20260603
libtpu: 0.0.44.dev20260713+nightly
codegen_flags: <defaults>
</compile_context>

<pallas_src>
import functools

import jax
import jax.numpy as jnp
from jax import lax
from jax.experimental import pallas as pl
from jax.experimental.pallas import tpu as pltpu
from jax.experimental.pallas import tpu_sc as plsc

_N = 10000
_E = 320000
_H = 128
_ED = 16
_NG = 8
_NC = 2
_NS = 16
_NW = _NC * _NS
_CH = 128
_NCHUNK = _E // _CH
_PER_W = _NCHUNK // _NW
_TAILW = _NCHUNK - _PER_W * _NW
_MAIN_E = _PER_W * _CH
_RPT = 624
_REM = _N - _RPT * _NS


def _front_body(x_ref, w1a_ref, w1b_ref, gemb_ref, b1_ref, gamma_ref, beta_ref,
                ea_ref, we_ref, be_ref, h_ref, t_ref):
    @pl.when(pl.program_id(0) == 0)
    def _encode():
        xw = jnp.dot(x_ref[...], w1a_ref[...], preferred_element_type=jnp.float32)
        row = lax.broadcasted_iota(jnp.int32, (_N, _NG), 0)
        gid = jnp.where(row < 32, row // 4, 0)
        lane = lax.broadcasted_iota(jnp.int32, (_N, _NG), 1)
        onehot = (gid == lane).astype(jnp.float32)
        gw = jnp.dot(gemb_ref[...], w1b_ref[...], preferred_element_type=jnp.float32)
        encw = jnp.dot(onehot, gw, preferred_element_type=jnp.float32)
        h1 = jnp.maximum(xw + encw + b1_ref[...], 0.0)
        m = jnp.mean(h1, axis=0, keepdims=True)
        v = jnp.mean((h1 - m) ** 2, axis=0, keepdims=True)
        hn = (h1 - m) * lax.rsqrt(v + 1e-5) * gamma_ref[...] + beta_ref[...]
        h_ref[...] = hn

    t_ref[...] = (
        jnp.dot(ea_ref[...], we_ref[...], preferred_element_type=jnp.float32)
        + be_ref[...]
    ).astype(jnp.bfloat16)


_EB = 8000


def _front(x, w1a, w1b, gemb, b1, gamma, beta, edge_attr, we, be):
    grid = _E // _EB
    const = lambda i: (0, 0)
    return pl.pallas_call(
        _front_body,
        grid=(grid,),
        in_specs=[
            pl.BlockSpec((_N, _H), const),
            pl.BlockSpec((_H, _H), const),
            pl.BlockSpec((_ED, _H), const),
            pl.BlockSpec((_NG, _ED), const),
            pl.BlockSpec((1, _H), const),
            pl.BlockSpec((1, _H), const),
            pl.BlockSpec((1, _H), const),
            pl.BlockSpec((_EB, _ED), lambda i: (i, 0)),
            pl.BlockSpec((_ED, _H), const),
            pl.BlockSpec((1, _H), const),
        ],
        out_specs=(pl.BlockSpec((_N, _H), const),
                   pl.BlockSpec((_EB, _H), lambda i: (i, 0))),
        out_shape=(jax.ShapeDtypeStruct((_N, _H), jnp.float32),
                   jax.ShapeDtypeStruct((_E, _H), jnp.bfloat16)),
    )(x, w1a, w1b, gemb, b1, gamma, beta, edge_attr, we, be)


def _sc_agg_body(h_hbm, t_hbm, src_hbm, dst_hbm, z_hbm, out_hbm,
                 sidx0, sidx1, sidx2, sidx3, didx0, didx1, didx2, didx3,
                 tbuf0, tbuf1, rbuf0, rbuf1, agg_s,
                 sem_i0, sem_i1, sem_i2, sem_i3,
                 sem_t0, sem_t1, sem_r0, sem_r1):
    c = lax.axis_index("c")
    s = lax.axis_index("s")
    w = c * _NS + s
    sidx = (sidx0, sidx1, sidx2, sidx3)
    didx = (didx0, didx1, didx2, didx3)
    tbuf = (tbuf0, tbuf1)
    rbuf = (rbuf0, rbuf1)
    sem_i = (sem_i0, sem_i1, sem_i2, sem_i3)
    sem_t = (sem_t0, sem_t1)
    sem_r = (sem_r0, sem_r1)
    ebase = w * _MAIN_E

    pltpu.sync_copy(z_hbm, agg_s.at[pl.ds(s * _RPT, _RPT)])

    @pl.when(s == _NS - 1)
    def _zero_tail():
        pltpu.sync_copy(z_hbm.at[pl.ds(0, _REM)],
                        agg_s.at[pl.ds(_NS * _RPT, _REM)])

    plsc.subcore_barrier()

    def issue_idx(base, r4):
        pltpu.async_copy(src_hbm.at[pl.ds(base, _CH)], sidx[r4], sem_i[r4])
        pltpu.async_copy(dst_hbm.at[pl.ds(base, _CH)], didx[r4], sem_i[r4])

    def wait_idx(r4):
        pltpu.make_async_copy(src_hbm.at[pl.ds(0, _CH)], sidx[r4], sem_i[r4]).wait()
        pltpu.make_async_copy(dst_hbm.at[pl.ds(0, _CH)], didx[r4], sem_i[r4]).wait()

    def issue_loads(tb, r4, b):
        pltpu.async_copy(t_hbm.at[pl.ds(tb, _CH)], tbuf[b], sem_t[b])
        pltpu.async_copy(h_hbm.at[sidx[r4]], rbuf[b], sem_r[b])

    def wait_loads(r4, b):
        pltpu.make_async_copy(t_hbm.at[pl.ds(0, _CH)], tbuf[b], sem_t[b]).wait()
        pltpu.make_async_copy(h_hbm.at[sidx[r4]], rbuf[b], sem_r[b]).wait()

    def compute(b):
        tb_, rb_ = tbuf[b], rbuf[b]

        def row(r2, carry):
            r = pl.multiple_of(r2 * 2, 2)
            rows = pl.ds(r, 2)
            for j in range(_H // 16):
                sl = pl.ds(j * 16, 16)
                rb_[rows, sl] = jnp.maximum(
                    tb_[rows, sl].astype(jnp.float32) + rb_[rows, sl], 0.0)
            return carry
        lax.fori_loop(0, _CH // 2, row, 0)

    issue_idx(ebase, 0)
    issue_idx(ebase + _CH, 1)
    wait_idx(0)
    issue_loads(ebase, 0, 0)

    def quad(q, carry):
        for j4 in range(4):
            k = 4 * q + j4
            b = j4 & 1

            wait_loads(j4, b)

            @pl.when(k + 2 < _PER_W)
            def _():
                issue_idx(ebase + (k + 2) * _CH, (j4 + 2) % 4)

            @pl.when(k + 1 < _PER_W)
            def _():
                wait_idx((j4 + 1) % 4)
                issue_loads(ebase + (k + 1) * _CH, (j4 + 1) % 4, 1 - b)

            compute(b)
            pltpu.sync_copy(rbuf[b], agg_s.at[didx[j4]], add=True)
        return carry

    lax.fori_loop(0, _PER_W // 4, quad, 0)

    wait_loads(0, 0)
    wait_idx(1)
    issue_loads(ebase + (_PER_W - 1) * _CH, 1, 1)
    compute(0)
    pltpu.sync_copy(rbuf[0], agg_s.at[didx[0]], add=True)

    wait_loads(1, 1)
    compute(1)
    pltpu.sync_copy(rbuf[1], agg_s.at[didx[1]], add=True)

    @pl.when(w < _TAILW)
    def _tail():
        tb = _NW * _MAIN_E + w * _CH
        issue_idx(tb, 0)
        wait_idx(0)
        issue_loads(tb, 0, 0)
        wait_loads(0, 0)
        compute(0)
        pltpu.sync_copy(rbuf[0], agg_s.at[didx[0]], add=True)

    plsc.subcore_barrier()

    pltpu.sync_copy(agg_s.at[pl.ds(s * _RPT, _RPT)],
                    out_hbm.at[pl.ds(c * _N + s * _RPT, _RPT)])

    @pl.when(s == _NS - 1)
    def _write_tail():
        pltpu.sync_copy(agg_s.at[pl.ds(_NS * _RPT, _REM)],
                        out_hbm.at[pl.ds(c * _N + _NS * _RPT, _REM)])


def _sc_aggregate(h, t, src, dst):
    mesh = plsc.VectorSubcoreMesh(
        core_axis_name="c", subcore_axis_name="s",
        num_cores=_NC, num_subcores=_NS)
    zrows = jnp.zeros((_RPT, _H), jnp.float32)
    fn = pl.kernel(
        _sc_agg_body,
        out_type=jax.ShapeDtypeStruct((_NC * _N, _H), jnp.float32),
        mesh=mesh,
        scratch_types=[pltpu.VMEM((_CH,), jnp.int32)] * 8 + [
            pltpu.VMEM((_CH, _H), jnp.bfloat16),
            pltpu.VMEM((_CH, _H), jnp.bfloat16),
            pltpu.VMEM((_CH, _H), jnp.float32),
            pltpu.VMEM((_CH, _H), jnp.float32),
            pltpu.VMEM_SHARED((_N, _H), jnp.float32),
        ] + [pltpu.SemaphoreType.DMA] * 8,
    )
    return fn(h, t, src, dst, zrows)


_NB = 2000


def _finish_body(h_ref, a0_ref, a1_ref, w2_ref, b2_ref, w3_ref, b3_ref, o_ref):
    a = h_ref[...] + a0_ref[...] + a1_ref[...]
    u = jnp.maximum(jnp.dot(a, w2_ref[...], preferred_element_type=jnp.float32)
                    + b2_ref[...], 0.0)
    o = jnp.dot(u, w3_ref[...], preferred_element_type=jnp.float32) + b3_ref[...]
    o_ref[...] = jnp.maximum(o, 0.0)


def _finish(h, a0, a1, w2, b2, w3, b3):
    grid = _N // _NB
    node_spec = pl.BlockSpec((_NB, _H), lambda i: (i, 0))
    mat_spec = pl.BlockSpec((_H, _H), lambda i: (0, 0))
    vec_spec = pl.BlockSpec((1, _H), lambda i: (0, 0))
    return pl.pallas_call(
        _finish_body,
        grid=(grid,),
        in_specs=[node_spec, node_spec, node_spec, mat_spec, vec_spec, mat_spec, vec_spec],
        out_specs=node_spec,
        out_shape=jax.ShapeDtypeStruct((_N, _H), jnp.float32),
    )(h, a0, a1, w2, b2, w3, b3)


def kernel(x, edge_index, edge_attr, group_emb, W1, b1, gamma, beta, We, be, W2, b2, W3, b3):
    ei = edge_index.astype(jnp.int32)
    src = ei[0]
    dst = ei[1]
    w1a = W1[:_H]
    w1b = W1[_H:]
    h, t = _front(x, w1a, w1b, group_emb, b1.reshape(1, _H),
                      gamma.reshape(1, _H), beta.reshape(1, _H),
                      edge_attr, We, be.reshape(1, _H))
    agg = _sc_aggregate(h, t, src, dst)
    out = _finish(h, agg[:_N], agg[_N:], W2, b2.reshape(1, _H), W3, b3.reshape(1, _H))
    return (out, edge_attr)

# --- scband reference (transcript-rebuilt; emitter-appended) ---
"""Pipeline reference for scband-brain-encode-embed-88742614270020 (READ-ONLY COPY).

The authoritative reference and input builder live on the scoring server;
editing this copy changes nothing except your own understanding.
"""

import jax, jax.numpy as jnp
import numpy as np

FUNCTIONAL_GROUPS = {"g0": [0,1,2,3], "g1": [4,5,6,7], "g2": [8,9,10,11], "g3": [12,13,14,15], "g4": [16,17,18,19], "g5": [20,21,22,23], "g6": [24,25,26,27], "g7": [28,29,30,31]}
N_NODES = 10000
N_EDGES = 320000
HIDDEN = 128
EDGE_DIM = 16
EMB_DIM = 16
N_GROUPS = 8


def setup_inputs(seed: int = 0) -> dict:
    key = jax.random.key(seed)
    ks = jax.random.split(key, 14)
    x = jax.random.normal(ks[0], (N_NODES, HIDDEN), dtype=jnp.float32)
    edge_index = jax.random.randint(ks[1], (2, N_EDGES), 0, N_NODES).astype(jnp.int64)
    edge_attr = jax.random.normal(ks[2], (N_EDGES, EDGE_DIM), dtype=jnp.float32)
    # learned parameters
    group_emb = jax.random.normal(ks[3], (N_GROUPS, EMB_DIM), dtype=jnp.float32) * 0.3
    d_in = HIDDEN + EMB_DIM
    W1 = jax.random.normal(ks[4], (d_in, HIDDEN), dtype=jnp.float32) * (1.0 / np.sqrt(d_in))
    b1 = jnp.zeros((HIDDEN,), dtype=jnp.float32)
    gamma = jnp.ones((HIDDEN,), dtype=jnp.float32)
    beta = jnp.zeros((HIDDEN,), dtype=jnp.float32)
    We = jax.random.normal(ks[5], (EDGE_DIM, HIDDEN), dtype=jnp.float32) * (1.0 / np.sqrt(EDGE_DIM))
    be = jnp.zeros((HIDDEN,), dtype=jnp.float32)
    W2 = jax.random.normal(ks[6], (HIDDEN, HIDDEN), dtype=jnp.float32) * (1.0 / np.sqrt(HIDDEN))
    b2 = jnp.zeros((HIDDEN,), dtype=jnp.float32)
    W3 = jax.random.normal(ks[7], (HIDDEN, HIDDEN), dtype=jnp.float32) * (1.0 / np.sqrt(HIDDEN))
    b3 = jnp.zeros((HIDDEN,), dtype=jnp.float32)
    return {"x": x, "edge_index": edge_index, "edge_attr": edge_attr,
            "group_emb": group_emb, "W1": W1, "b1": b1, "gamma": gamma, "beta": beta,
            "We": We, "be": be, "W2": W2, "b2": b2, "W3": W3, "b3": b3}


def reference(x, edge_index, edge_attr, group_emb, W1, b1, gamma, beta, We, be, W2, b2, W3, b3):
    n = x.shape[0]
    # group id assignment (zeros default, scatter-set per functional group)
    group_ids = jnp.zeros((n,), dtype=jnp.int32)
    for gid, nodes in enumerate(FUNCTIONAL_GROUPS.values()):
        group_ids = group_ids.at[jnp.array(nodes, dtype=jnp.int32)].set(gid)
    # embedding lookup + concat
    enc = jnp.take(group_emb, group_ids, axis=0)
    h = jnp.concatenate([x, enc], axis=-1)
    # dropout is identity at inference
    h = jax.nn.relu(h @ W1 + b1)
    # BatchNorm1d (batch statistics, as in torch training-mode forward)
    mean = jnp.mean(h, axis=0)
    var = jnp.var(h, axis=0)
    h = (h - mean) / jnp.sqrt(var + 1e-5) * gamma + beta
    # GINEConv: msg = relu(x_src + lin(edge_attr)); sum-aggregate to dst; nn((1+eps)*x + agg), eps=0
    src = edge_index[0]
    dst = edge_index[1]
    msg = jax.nn.relu(jnp.take(h, src, axis=0) + edge_attr @ We + be)
    agg = jax.ops.segment_sum(msg, dst, num_segments=n)
    out = h + agg
    out = jax.nn.relu(out @ W2 + b2) @ W3 + b3
    out = jax.nn.relu(out)
    return (out, edge_attr)

if __name__ == "__main__":
    import jax
    _d = setup_inputs()
    print(jax.jit(kernel)(*tuple(_d.values())))

</pallas_src>

<mosaic_0001>
#map = affine_map<(d0, d1) -> (0, 0)>
#map1 = affine_map<(d0, d1) -> (0)>
module attributes {stable_mosaic.version = 14 : i64} {
  func.func @_sc_agg_body(%arg0: i32, %arg1: i32, %arg2: memref<10000x128xf32, #tpu.memory_space<hbm>>, %arg3: memref<320000x128xbf16, #tpu.memory_space<hbm>>, %arg4: memref<320000xi32, #tpu.memory_space<hbm>>, %arg5: memref<320000xi32, #tpu.memory_space<hbm>>, %arg6: memref<624x128xf32, #tpu.memory_space<hbm>>, %arg7: memref<20000x128xf32, #tpu.memory_space<hbm>>, %arg8: memref<128xi32, #tpu.memory_space<vmem>>, %arg9: memref<128xi32, #tpu.memory_space<vmem>>, %arg10: memref<128xi32, #tpu.memory_space<vmem>>, %arg11: memref<128xi32, #tpu.memory_space<vmem>>, %arg12: memref<128xi32, #tpu.memory_space<vmem>>, %arg13: memref<128xi32, #tpu.memory_space<vmem>>, %arg14: memref<128xi32, #tpu.memory_space<vmem>>, %arg15: memref<128xi32, #tpu.memory_space<vmem>>, %arg16: memref<128x128xbf16, #tpu.memory_space<vmem>>, %arg17: memref<128x128xbf16, #tpu.memory_space<vmem>>, %arg18: memref<128x128xf32, #tpu.memory_space<vmem>>, %arg19: memref<128x128xf32, #tpu.memory_space<vmem>>, %arg20: memref<10000x128xf32, #tpu.memory_space<vmem_shared>>, %arg21: memref<!tpu.dma_semaphore, #tpu.memory_space<semaphore_mem>>, %arg22: memref<!tpu.dma_semaphore, #tpu.memory_space<semaphore_mem>>, %arg23: memref<!tpu.dma_semaphore, #tpu.memory_space<semaphore_mem>>, %arg24: memref<!tpu.dma_semaphore, #tpu.memory_space<semaphore_mem>>, %arg25: memref<!tpu.dma_semaphore, #tpu.memory_space<semaphore_mem>>, %arg26: memref<!tpu.dma_semaphore, #tpu.memory_space<semaphore_mem>>, %arg27: memref<!tpu.dma_semaphore, #tpu.memory_space<semaphore_mem>>, %arg28: memref<!tpu.dma_semaphore, #tpu.memory_space<semaphore_mem>>) attributes {dimension_semantics = [#tpu.dimension_semantics<core_parallel>, #tpu.dimension_semantics<subcore_parallel>], iteration_bounds = array<i64: 2, 16>, scalar_prefetch = 0 : i64, scratch_operands = 21 : i64, tpu.core_type = #tpu.core_type<sc_vector_subcore>, window_params = [{transform_indices = #map}, {transform_indices = #map}, {transform_indices = #map1}, {transform_indices = #map1}, {transform_indices = #map}, {transform_indices = #map}]} {
    %mul3A = arith.constant 16 : i32
    %mul3A_0 = arith.muli %arg0, %mul3A : i32
    %add3A = arith.addi %mul3A_0, %arg1 : i32
    %mul3A_1 = arith.constant 9984 : i32
    %mul3A_2 = arith.muli %add3A, %mul3A_1 : i32
    %mul3A_3 = arith.constant 624 : i32
    %mul3A_4 = arith.muli %arg1, %mul3A_3 : i32
    "tpu.region"() ({
      %run_scoped3A = tpu.sem_alloc : memref<!tpu.dma_semaphore, #tpu.memory_space<semaphore_mem>>
      %dma_start3A_99 = arith.constant 0 : i32
      %dma_start3A_100 = tpu.memref_slice %arg20[%mul3A_4, %dma_start3A_99] : memref<10000x128xf32, #tpu.memory_space<vmem_shared>> -> memref<624x128xf32, #tpu.memory_space<vmem_shared>>
      tpu.enqueue_dma source(%arg6 : memref<624x128xf32, #tpu.memory_space<hbm>>) target(%dma_start3A_100 : memref<624x128xf32, #tpu.memory_space<vmem_shared>>) target_semaphore(%run_scoped3A : memref<!tpu.dma_semaphore, #tpu.memory_space<semaphore_mem>>)
      %dma_wait3A_101 = arith.constant 0 : i32
      %dma_wait3A_102 = tpu.memref_slice %arg20[%mul3A_4, %dma_wait3A_101] : memref<10000x128xf32, #tpu.memory_space<vmem_shared>> -> memref<624x128xf32, #tpu.memory_space<vmem_shared>>
      tpu.wait_dma2 semaphore(%run_scoped3A : memref<!tpu.dma_semaphore, #tpu.memory_space<semaphore_mem>>) src(%arg6 : memref<624x128xf32, #tpu.memory_space<hbm>>) dst(%dma_wait3A_102 : memref<624x128xf32, #tpu.memory_space<vmem_shared>>)
      tpu.yield
    }) : () -> ()
    %eq3A = arith.constant 15 : i32
    %eq3A_5 = arith.cmpi eq, %arg1, %eq3A : i32
    %convert_element_type3A = arith.extui %eq3A_5 : i1 to i32
    %cond3A = arith.constant 0 : i32
    %cond3A_6 = arith.cmpi ne, %convert_element_type3A, %cond3A : i32
    scf.if %cond3A_6 {
      "tpu.region"() ({
        %run_scoped3A = tpu.sem_alloc : memref<!tpu.dma_semaphore, #tpu.memory_space<semaphore_mem>>
        %dma_start3A_99 = arith.constant 9984 : i32
        %dma_start3A_100 = arith.constant 0 : i32
        %dma_start3A_101 = tpu.memref_slice %arg20[%dma_start3A_99, %dma_start3A_100] : memref<10000x128xf32, #tpu.memory_space<vmem_shared>> -> memref<16x128xf32, #tpu.memory_space<vmem_shared>>
        %dma_start3A_102 = arith.constant 0 : i32
        %dma_start3A_103 = arith.constant 0 : i32
        %dma_start3A_104 = tpu.memref_slice %arg6[%dma_start3A_102, %dma_start3A_103] : memref<624x128xf32, #tpu.memory_space<hbm>> -> memref<16x128xf32, #tpu.memory_space<hbm>>
        tpu.enqueue_dma source(%dma_start3A_104 : memref<16x128xf32, #tpu.memory_space<hbm>>) target(%dma_start3A_101 : memref<16x128xf32, #tpu.memory_space<vmem_shared>>) target_semaphore(%run_scoped3A : memref<!tpu.dma_semaphore, #tpu.memory_space<semaphore_mem>>)
        %dma_wait3A_105 = arith.constant 9984 : i32
        %dma_wait3A_106 = arith.constant 0 : i32
        %dma_wait3A_107 = tpu.memref_slice %arg20[%dma_wait3A_105, %dma_wait3A_106] : memref<10000x128xf32, #tpu.memory_space<vmem_shared>> -> memref<16x128xf32, #tpu.memory_space<vmem_shared>>
        %dma_wait3A_108 = arith.constant 0 : i32
        %dma_wait3A_109 = arith.constant 0 : i32
        %dma_wait3A_110 = tpu.memref_slice %arg6[%dma_wait3A_108, %dma_wait3A_109] : memref<624x128xf32, #tpu.memory_space<hbm>> -> memref<16x128xf32, #tpu.memory_space<hbm>>
        tpu.wait_dma2 semaphore(%run_scoped3A : memref<!tpu.dma_semaphore, #tpu.memory_space<semaphore_mem>>) src(%dma_wait3A_110 : memref<16x128xf32, #tpu.memory_space<hbm>>) dst(%dma_wait3A_107 : memref<16x128xf32, #tpu.memory_space<vmem_shared>>)
        tpu.yield
      }) : () -> ()
    } else {
    }
    %barrier3A = arith.constant 0 : index
    tpu.barrier barrier_id(%barrier3A)
    %dma_start3A = tpu.memref_slice %arg4[%mul3A_2] : memref<320000xi32, #tpu.memory_space<hbm>> -> memref<128xi32, #tpu.memory_space<hbm>>
    %dma_start3A_7 = tpu.memref_slice %arg4[%mul3A_2] : memref<320000xi32, #tpu.memory_space<hbm>> -> memref<128xi32, #tpu.memory_space<hbm>>
    tpu.enqueue_dma source(%dma_start3A_7 : memref<128xi32, #tpu.memory_space<hbm>>) target(%arg8 : memref<128xi32, #tpu.memory_space<vmem>>) target_semaphore(%arg21 : memref<!tpu.dma_semaphore, #tpu.memory_space<semaphore_mem>>)
    %dma_start3A_8 = tpu.memref_slice %arg5[%mul3A_2] : memref<320000xi32, #tpu.memory_space<hbm>> -> memref<128xi32, #tpu.memory_space<hbm>>
    %dma_start3A_9 = tpu.memref_slice %arg5[%mul3A_2] : memref<320000xi32, #tpu.memory_space<hbm>> -> memref<128xi32, #tpu.memory_space<hbm>>
    tpu.enqueue_dma source(%dma_start3A_9 : memref<128xi32, #tpu.memory_space<hbm>>) target(%arg12 : memref<128xi32, #tpu.memory_space<vmem>>) target_semaphore(%arg21 : memref<!tpu.dma_semaphore, #tpu.memory_space<semaphore_mem>>)
    %add3A_10 = arith.constant 128 : i32
    %add3A_11 = arith.addi %mul3A_2, %add3A_10 : i32
    %dma_start3A_12 = tpu.memref_slice %arg4[%add3A_11] : memref<320000xi32, #tpu.memory_space<hbm>> -> memref<128xi32, #tpu.memory_space<hbm>>
    %dma_start3A_13 = tpu.memref_slice %arg4[%add3A_11] : memref<320000xi32, #tpu.memory_space<hbm>> -> memref<128xi32, #tpu.memory_space<hbm>>
    tpu.enqueue_dma source(%dma_start3A_13 : memref<128xi32, #tpu.memory_space<hbm>>) target(%arg9 : memref<128xi32, #tpu.memory_space<vmem>>) target_semaphore(%arg22 : memref<!tpu.dma_semaphore, #tpu.memory_space<semaphore_mem>>)
    %dma_start3A_14 = tpu.memref_slice %arg5[%add3A_11] : memref<320000xi32, #tpu.memory_space<hbm>> -> memref<128xi32, #tpu.memory_space<hbm>>
    %dma_start3A_15 = tpu.memref_slice %arg5[%add3A_11] : memref<320000xi32, #tpu.memory_space<hbm>> -> memref<128xi32, #tpu.memory_space<hbm>>
    tpu.enqueue_dma source(%dma_start3A_15 : memref<128xi32, #tpu.memory_space<hbm>>) target(%arg13 : memref<128xi32, #tpu.memory_space<vmem>>) target_semaphore(%arg22 : memref<!tpu.dma_semaphore, #tpu.memory_space<semaphore_mem>>)
    %dma_wait3A = arith.constant 0 : i32
    %dma_wait3A_16 = tpu.memref_slice %arg4[%dma_wait3A] : memref<320000xi32, #tpu.memory_space<hbm>> -> memref<128xi32, #tpu.memory_space<hbm>>
    %dma_wait3A_17 = arith.constant 0 : i32
    %dma_wait3A_18 = tpu.memref_slice %arg4[%dma_wait3A_17] : memref<320000xi32, #tpu.memory_space<hbm>> -> memref<128xi32, #tpu.memory_space<hbm>>
    tpu.wait_dma2 semaphore(%arg21 : memref<!tpu.dma_semaphore, #tpu.memory_space<semaphore_mem>>) src(%dma_wait3A_18 : memref<128xi32, #tpu.memory_space<hbm>>) dst(%arg8 : memref<128xi32, #tpu.memory_space<vmem>>)
    %dma_wait3A_19 = arith.constant 0 : i32
    %dma_wait3A_20 = tpu.memref_slice %arg5[%dma_wait3A_19] : memref<320000xi32, #tpu.memory_space<hbm>> -> memref<128xi32, #tpu.memory_space<hbm>>
    %dma_wait3A_21 = arith.constant 0 : i32
    %dma_wait3A_22 = tpu.memref_slice %arg5[%dma_wait3A_21] : memref<320000xi32, #tpu.memory_space<hbm>> -> memref<128xi32, #tpu.memory_space<hbm>>
    tpu.wait_dma2 semaphore(%arg21 : memref<!tpu.dma_semaphore, #tpu.memory_space<semaphore_mem>>) src(%dma_wait3A_22 : memref<128xi32, #tpu.memory_space<hbm>>) dst(%arg12 : memref<128xi32, #tpu.memory_space<vmem>>)
    %dma_start3A_23 = arith.constant 0 : i32
    %dma_start3A_24 = tpu.memref_slice %arg3[%mul3A_2, %dma_start3A_23] : memref<320000x128xbf16, #tpu.memory_space<hbm>> -> memref<128x128xbf16, #tpu.memory_space<hbm>>
    %dma_start3A_25 = arith.constant 0 : i32
    %dma_start3A_26 = tpu.memref_slice %arg3[%mul3A_2, %dma_start3A_25] : memref<320000x128xbf16, #tpu.memory_space<hbm>> -> memref<128x128xbf16, #tpu.memory_space<hbm>>
    tpu.enqueue_dma source(%dma_start3A_26 : memref<128x128xbf16, #tpu.memory_space<hbm>>) target(%arg16 : memref<128x128xbf16, #tpu.memory_space<vmem>>) target_semaphore(%arg25 : memref<!tpu.dma_semaphore, #tpu.memory_space<semaphore_mem>>)
    %dma_start3A_27 = arith.constant 0 : i32
    %dma_start3A_28 = arith.constant 0 : i32
    %dma_start3A_29 = tpu.memref_slice %arg2[%dma_start3A_27, %dma_start3A_28] : memref<10000x128xf32, #tpu.memory_space<hbm>> -> memref<10000x128xf32, #tpu.memory_space<hbm>>
    tpu.enqueue_indirect_dma source(%dma_start3A_29 : memref<10000x128xf32, #tpu.memory_space<hbm>>) target(%arg18 : memref<128x128xf32, #tpu.memory_space<vmem>>) offsets(%arg8 : memref<128xi32, #tpu.memory_space<vmem>>) semaphore(%arg27 : memref<!tpu.dma_semaphore, #tpu.memory_space<semaphore_mem>>)
    %scan3A = arith.constant 0 : i32
    %scan3A_30 = arith.constant 0 : i32
    %scan3A_31 = arith.constant 19 : i32
    %scan3A_32 = arith.addi %scan3A_30, %scan3A_31 : i32
    %scan3A_33 = arith.constant 1 : i32
    scf.for %scan3A_99 = %scan3A_30 to %scan3A_32 step %scan3A_33  : i32 {
      %mul3A_100 = arith.constant 4 : i32
      %mul3A_101 = arith.muli %mul3A_100, %scan3A_99 : i32
      %add3A_102 = arith.constant 0 : i32
      %add3A_103 = arith.addi %mul3A_101, %add3A_102 : i32
      %dma_wait3A_104 = arith.constant 0 : i32
      %dma_wait3A_105 = arith.constant 0 : i32
      %dma_wait3A_106 = tpu.memref_slice %arg3[%dma_wait3A_104, %dma_wait3A_105] : memref<320000x128xbf16, #tpu.memory_space<hbm>> -> memref<128x128xbf16, #tpu.memory_space<hbm>>
      %dma_wait3A_107 = arith.constant 0 : i32
      %dma_wait3A_108 = arith.constant 0 : i32
      %dma_wait3A_109 = tpu.memref_slice %arg3[%dma_wait3A_107, %dma_wait3A_108] : memref<320000x128xbf16, #tpu.memory_space<hbm>> -> memref<128x128xbf16, #tpu.memory_space<hbm>>
      tpu.wait_dma2 semaphore(%arg25 : memref<!tpu.dma_semaphore, #tpu.memory_space<semaphore_mem>>) src(%dma_wait3A_109 : memref<128x128xbf16, #tpu.memory_space<hbm>>) dst(%arg16 : memref<128x128xbf16, #tpu.memory_space<vmem>>)
      %dma_wait3A_110 = arith.constant 0 : i32
      %dma_wait3A_111 = arith.constant 0 : i32
      %dma_wait3A_112 = tpu.memref_slice %arg2[%dma_wait3A_110, %dma_wait3A_111] : memref<10000x128xf32, #tpu.memory_space<hbm>> -> memref<10000x128xf32, #tpu.memory_space<hbm>>
      tpu.wait_indirect_dma semaphore(%arg27 : memref<!tpu.dma_semaphore, #tpu.memory_space<semaphore_mem>>) src(%dma_wait3A_112 : memref<10000x128xf32, #tpu.memory_space<hbm>>) dst(%arg18 : memref<128x128xf32, #tpu.memory_space<vmem>>)
      %add3A_113 = arith.constant 2 : i32
      %add3A_114 = arith.addi %add3A_103, %add3A_113 : i32
      %lt3A_115 = arith.constant 78 : i32
      %lt3A_116 = arith.cmpi slt, %add3A_114, %lt3A_115 : i32
      %convert_element_type3A_117 = arith.extui %lt3A_116 : i1 to i32
      %cond3A_118 = arith.constant 0 : i32
      %cond3A_119 = arith.cmpi ne, %convert_element_type3A_117, %cond3A_118 : i32
      scf.if %cond3A_119 {
        %add3A_232 = arith.constant 2 : i32
        %add3A_233 = arith.addi %add3A_103, %add3A_232 : i32
        %mul3A_234 = arith.constant 128 : i32
        %mul3A_235 = arith.muli %add3A_233, %mul3A_234 : i32
        %add3A_236 = arith.addi %mul3A_2, %mul3A_235 : i32
        %dma_start3A_237 = tpu.memref_slice %arg4[%add3A_236] : memref<320000xi32, #tpu.memory_space<hbm>> -> memref<128xi32, #tpu.memory_space<hbm>>
        %dma_start3A_238 = tpu.memref_slice %arg4[%add3A_236] : memref<320000xi32, #tpu.memory_space<hbm>> -> memref<128xi32, #tpu.memory_space<hbm>>
        tpu.enqueue_dma source(%dma_start3A_238 : memref<128xi32, #tpu.memory_space<hbm>>) target(%arg10 : memref<128xi32, #tpu.memory_space<vmem>>) target_semaphore(%arg23 : memref<!tpu.dma_semaphore, #tpu.memory_space<semaphore_mem>>)
        %dma_start3A_239 = tpu.memref_slice %arg5[%add3A_236] : memref<320000xi32, #tpu.memory_space<hbm>> -> memref<128xi32, #tpu.memory_space<hbm>>
        %dma_start3A_240 = tpu.memref_slice %arg5[%add3A_236] : memref<320000xi32, #tpu.memory_space<hbm>> -> memref<128xi32, #tpu.memory_space<hbm>>
        tpu.enqueue_dma source(%dma_start3A_240 : memref<128xi32, #tpu.memory_space<hbm>>) target(%arg14 : memref<128xi32, #tpu.memory_space<vmem>>) target_semaphore(%arg23 : memref<!tpu.dma_semaphore, #tpu.memory_space<semaphore_mem>>)
      } else {
      }
      %add3A_120 = arith.constant 1 : i32
      %add3A_121 = arith.addi %add3A_103, %add3A_120 : i32
      %lt3A_122 = arith.constant 78 : i32
      %lt3A_123 = arith.cmpi slt, %add3A_121, %lt3A_122 : i32
      %convert_element_type3A_124 = arith.extui %lt3A_123 : i1 to i32
      %cond3A_125 = arith.constant 0 : i32
      %cond3A_126 = arith.cmpi ne, %convert_element_type3A_124, %cond3A_125 : i32
      scf.if %cond3A_126 {
        %dma_wait3A_232 = arith.constant 0 : i32
        %dma_wait3A_233 = tpu.memref_slice %arg4[%dma_wait3A_232] : memref<320000xi32, #tpu.memory_space<hbm>> -> memref<128xi32, #tpu.memory_space<hbm>>
        %dma_wait3A_234 = arith.constant 0 : i32
        %dma_wait3A_235 = tpu.memref_slice %arg4[%dma_wait3A_234] : memref<320000xi32, #tpu.memory_space<hbm>> -> memref<128xi32, #tpu.memory_space<hbm>>
        tpu.wait_dma2 semaphore(%arg22 : memref<!tpu.dma_semaphore, #tpu.memory_space<semaphore_mem>>) src(%dma_wait3A_235 : memref<128xi32, #tpu.memory_space<hbm>>) dst(%arg9 : memref<128xi32, #tpu.memory_space<vmem>>)
        %dma_wait3A_236 = arith.constant 0 : i32
        %dma_wait3A_237 = tpu.memref_slice %arg5[%dma_wait3A_236] : memref<320000xi32, #tpu.memory_space<hbm>> -> memref<128xi32, #tpu.memory_space<hbm>>
        %dma_wait3A_238 = arith.constant 0 : i32
        %dma_wait3A_239 = tpu.memref_slice %arg5[%dma_wait3A_238] : memref<320000xi32, #tpu.memory_space<hbm>> -> memref<128xi32, #tpu.memory_space<hbm>>
        tpu.wait_dma2 semaphore(%arg22 : memref<!tpu.dma_semaphore, #tpu.memory_space<semaphore_mem>>) src(%dma_wait3A_239 : memref<128xi32, #tpu.memory_space<hbm>>) dst(%arg13 : memref<128xi32, #tpu.memory_space<vmem>>)
        %add3A_240 = arith.constant 1 : i32
        %add3A_241 = arith.addi %add3A_103, %add3A_240 : i32
        %mul3A_242 = arith.constant 128 : i32
        %mul3A_243 = arith.muli %add3A_241, %mul3A_242 : i32
        %add3A_244 = arith.addi %mul3A_2, %mul3A_243 : i32
        %dma_start3A_245 = arith.constant 0 : i32
        %dma_start3A_246 = tpu.memref_slice %arg3[%add3A_244, %dma_start3A_245] : memref<320000x128xbf16, #tpu.memory_space<hbm>> -> memref<128x128xbf16, #tpu.memory_space<hbm>>
        %dma_start3A_247 = arith.constant 0 : i32
        %dma_start3A_248 = tpu.memref_slice %arg3[%add3A_244, %dma_start3A_247] : memref<320000x128xbf16, #tpu.memory_space<hbm>> -> memref<128x128xbf16, #tpu.memory_space<hbm>>
        tpu.enqueue_dma source(%dma_start3A_248 : memref<128x128xbf16, #tpu.memory_space<hbm>>) target(%arg17 : memref<128x128xbf16, #tpu.memory_space<vmem>>) target_semaphore(%arg26 : memref<!tpu.dma_semaphore, #tpu.memory_space<semaphore_mem>>)
        %dma_start3A_249 = arith.constant 0 : i32
        %dma_start3A_250 = arith.constant 0 : i32
        %dma_start3A_251 = tpu.memref_slice %arg2[%dma_start3A_249, %dma_start3A_250] : memref<10000x128xf32, #tpu.memory_space<hbm>> -> memref<10000x128xf32, #tpu.memory_space<hbm>>
        tpu.enqueue_indirect_dma source(%dma_start3A_251 : memref<10000x128xf32, #tpu.memory_space<hbm>>) target(%arg19 : memref<128x128xf32, #tpu.memory_space<vmem>>) offsets(%arg9 : memref<128xi32, #tpu.memory_space<vmem>>) semaphore(%arg28 : memref<!tpu.dma_semaphore, #tpu.memory_space<semaphore_mem>>)
      } else {
      }
      %scan3A_127 = arith.constant 0 : i32
      %scan3A_128 = arith.constant 0 : i32
      %scan3A_129 = arith.constant 64 : i32
      %scan3A_130 = arith.addi %scan3A_128, %scan3A_129 : i32
      %scan3A_131 = arith.constant 1 : i32
      scf.for %scan3A_232 = %scan3A_128 to %scan3A_130 step %scan3A_131  : i32 {
        %mul3A_233 = arith.constant 2 : i32
        %mul3A_234 = arith.muli %scan3A_232, %mul3A_233 : i32
        %multiple_of3A = tpu.assume_multiple %mul3A_234, 2 : i32
        %get3A = arith.index_cast %multiple_of3A : i32 to index
        %get3A_235 = arith.constant 0 : index
        %get3A_236 = tpu.vector_load %arg16[%get3A, %get3A_235] {strides = array<i32>} : memref<128x128xbf16, #tpu.memory_space<vmem>>, vector<2x16xbf16>,
        %get3A_237 = vector.shape_cast %get3A_236 : vector<2x16xbf16> to vector<2x16xbf16>
        %convert_element_type3A_238 = arith.extf %get3A_237 : vector<2x16xbf16> to vector<2x16xf32>
        %get3A_239 = arith.index_cast %multiple_of3A : i32 to index
        %get3A_240 = arith.constant 0 : index
        %get3A_241 = tpu.vector_load %arg18[%get3A_239, %get3A_240] {strides = array<i32>} : memref<128x128xf32, #tpu.memory_space<vmem>>, vector<2x16xf32>,
        %get3A_242 = vector.shape_cast %get3A_241 : vector<2x16xf32> to vector<2x16xf32>
        %add3A_243 = arith.addf %convert_element_type3A_238, %get3A_242 : vector<2x16xf32>
        %max3A = arith.constant 0.000000e+00 : f32
        %max3A_244 = vector.broadcast %max3A : f32 to vector<2x16xf32>
        %max3A_245 = arith.maximumf %add3A_243, %max3A_244 : vector<2x16xf32>
        %swap3A = arith.index_cast %multiple_of3A : i32 to index
        %swap3A_246 = arith.constant 0 : index
        %swap3A_247 = tpu.vector_load %arg18[%swap3A, %swap3A_246] {strides = array<i32>} : memref<128x128xf32, #tpu.memory_space<vmem>>, vector<2x16xf32>,
        %swap3A_248 = vector.shape_cast %swap3A_247 : vector<2x16xf32> to vector<2x16xf32>
        %swap3A_249 = vector.shape_cast %max3A_245 : vector<2x16xf32> to vector<2x16xf32>
        tpu.vector_store %arg18[%swap3A, %swap3A_246], %swap3A_249 {strides = array<i32>} : memref<128x128xf32, #tpu.memory_space<vmem>>, vector<2x16xf32>,
        %get3A_250 = arith.index_cast %multiple_of3A : i32 to index
        %get3A_251 = arith.constant 16 : index
        %get3A_252 = tpu.vector_load %arg16[%get3A_250, %get3A_251] {strides = array<i32>} : memref<128x128xbf16, #tpu.memory_space<vmem>>, vector<2x16xbf16>,
        %get3A_253 = vector.shape_cast %get3A_252 : vector<2x16xbf16> to vector<2x16xbf16>
        %convert_element_type3A_254 = arith.extf %get3A_253 : vector<2x16xbf16> to vector<2x16xf32>
        %get3A_255 = arith.index_cast %multiple_of3A : i32 to index
        %get3A_256 = arith.constant 16 : index
        %get3A_257 = tpu.vector_load %arg18[%get3A_255, %get3A_256] {strides = array<i32>} : memref<128x128xf32, #tpu.memory_space<vmem>>, vector<2x16xf32>,
        %get3A_258 = vector.shape_cast %get3A_257 : vector<2x16xf32> to vector<2x16xf32>
        %add3A_259 = arith.addf %convert_element_type3A_254, %get3A_258 : vector<2x16xf32>
        %max3A_260 = arith.constant 0.000000e+00 : f32
        %max3A_261 = vector.broadcast %max3A_260 : f32 to vector<2x16xf32>
        %max3A_262 = arith.maximumf %add3A_259, %max3A_261 : vector<2x16xf32>
        %swap3A_263 = arith.index_cast %multiple_of3A : i32 to index
        %swap3A_264 = arith.constant 16 : index
        %swap3A_265 = tpu.vector_load %arg18[%swap3A_263, %swap3A_264] {strides = array<i32>} : memref<128x128xf32, #tpu.memory_space<vmem>>, vector<2x16xf32>,
        %swap3A_266 = vector.shape_cast %swap3A_265 : vector<2x16xf32> to vector<2x16xf32>
        %swap3A_267 = vector.shape_cast %max3A_262 : vector<2x16xf32> to vector<2x16xf32>
        tpu.vector_store %arg18[%swap3A_263, %swap3A_264], %swap3A_267 {strides = array<i32>} : memref<128x128xf32, #tpu.memory_space<vmem>>, vector<2x16xf32>,
        %get3A_268 = arith.index_cast %multiple_of3A : i32 to index
        %get3A_269 = arith.constant 32 : index
        %get3A_270 = tpu.vector_load %arg16[%get3A_268, %get3A_269] {strides = array<i32>} : memref<128x128xbf16, #tpu.memory_space<vmem>>, vector<2x16xbf16>,
        %get3A_271 = vector.shape_cast %get3A_270 : vector<2x16xbf16> to vector<2x16xbf16>
        %convert_element_type3A_272 = arith.extf %get3A_271 : vector<2x16xbf16> to vector<2x16xf32>
        %get3A_273 = arith.index_cast %multiple_of3A : i32 to index
        %get3A_274 = arith.constant 32 : index
        %get3A_275 = tpu.vector_load %arg18[%get3A_273, %get3A_274] {strides = array<i32>} : memref<128x128xf32, #tpu.memory_space<vmem>>, vector<2x16xf32>,
        %get3A_276 = vector.shape_cast %get3A_275 : vector<2x16xf32> to vector<2x16xf32>
        %add3A_277 = arith.addf %convert_element_type3A_272, %get3A_276 : vector<2x16xf32>
        %max3A_278 = arith.constant 0.000000e+00 : f32
        %max3A_279 = vector.broadcast %max3A_278 : f32 to vector<2x16xf32>
        %max3A_280 = arith.maximumf %add3A_277, %max3A_279 : vector<2x16xf32>
        %swap3A_281 = arith.index_cast %multiple_of3A : i32 to index
        %swap3A_282 = arith.constant 32 : index
        %swap3A_283 = tpu.vector_load %arg18[%swap3A_281, %swap3A_282] {strides = array<i32>} : memref<128x128xf32, #tpu.memory_space<vmem>>, vector<2x16xf32>,
        %swap3A_284 = vector.shape_cast %swap3A_283 : vector<2x16xf32> to vector<2x16xf32>
        %swap3A_285 = vector.shape_cast %max3A_280 : vector<2x16xf32> to vector<2x16xf32>
        tpu.vector_store %arg18[%swap3A_281, %swap3A_282], %swap3A_285 {strides = array<i32>} : memref<128x128xf32, #tpu.memory_space<vmem>>, vector<2x16xf32>,
        %get3A_286 = arith.index_cast %multiple_of3A : i32 to index
        %get3A_287 = arith.constant 48 : index
        %get3A_288 = tpu.vector_load %arg16[%get3A_286, %get3A_287] {strides = array<i32>} : memref<128x128xbf16, #tpu.memory_space<vmem>>, vector<2x16xbf16>,
        %get3A_289 = vector.shape_cast %get3A_288 : vector<2x16xbf16> to vector<2x16xbf16>
        %convert_element_type3A_290 = arith.extf %get3A_289 : vector<2x16xbf16> to vector<2x16xf32>
        %get3A_291 = arith.index_cast %multiple_of3A : i32 to index
        %get3A_292 = arith.constant 48 : index
        %get3A_293 = tpu.vector_load %arg18[%get3A_291, %get3A_292] {strides = array<i32>} : memref<128x128xf32, #tpu.memory_space<vmem>>, vector<2x16xf32>,
        %get3A_294 = vector.shape_cast %get3A_293 : vector<2x16xf32> to vector<2x16xf32>
        %add3A_295 = arith.addf %convert_element_type3A_290, %get3A_294 : vector<2x16xf32>
        %max3A_296 = arith.constant 0.000000e+00 : f32
        %max3A_297 = vector.broadcast %max3A_296 : f32 to vector<2x16xf32>
        %max3A_298 = arith.maximumf %add3A_295, %max3A_297 : vector<2x16xf32>
        %swap3A_299 = arith.index_cast %multiple_of3A : i32 to index
        %swap3A_300 = arith.constant 48 : index
        %swap3A_301 = tpu.vector_load %arg18[%swap3A_299, %swap3A_300] {strides = array<i32>} : memref<128x128xf32, #tpu.memory_space<vmem>>, vector<2x16xf32>,
        %swap3A_302 = vector.shape_cast %swap3A_301 : vector<2x16xf32> to vector<2x16xf32>
        %swap3A_303 = vector.shape_cast %max3A_298 : vector<2x16xf32> to vector<2x16xf32>
        tpu.vector_store %arg18[%swap3A_299, %swap3A_300], %swap3A_303 {strides = array<i32>} : memref<128x128xf32, #tpu.memory_space<vmem>>, vector<2x16xf32>,
        %get3A_304 = arith.index_cast %multiple_of3A : i32 to index
        %get3A_305 = arith.constant 64 : index
        %get3A_306 = tpu.vector_load %arg16[%get3A_304, %get3A_305] {strides = array<i32>} : memref<128x128xbf16, #tpu.memory_space<vmem>>, vector<2x16xbf16>,
        %get3A_307 = vector.shape_cast %get3A_306 : vector<2x16xbf16> to vector<2x16xbf16>
        %convert_element_type3A_308 = arith.extf %get3A_307 : vector<2x16xbf16> to vector<2x16xf32>
        %get3A_309 = arith.index_cast %multiple_of3A : i32 to index
        %get3A_310 = arith.constant 64 : index
        %get3A_311 = tpu.vector_load %arg18[%get3A_309, %get3A_310] {strides = array<i32>} : memref<128x128xf32, #tpu.memory_space<vmem>>, vector<2x16xf32>,
        %get3A_312 = vector.shape_cast %get3A_311 : vector<2x16xf32> to vector<2x16xf32>
        %add3A_313 = arith.addf %convert_element_type3A_308, %get3A_312 : vector<2x16xf32>
        %max3A_314 = arith.constant 0.000000e+00 : f32
        %max3A_315 = vector.broadcast %max3A_314 : f32 to vector<2x16xf32>
        %max3A_316 = arith.maximumf %add3A_313, %max3A_315 : vector<2x16xf32>
        %swap3A_317 = arith.index_cast %multiple_of3A : i32 to index
        %swap3A_318 = arith.constant 64 : index
        %swap3A_319 = tpu.vector_load %arg18[%swap3A_317, %swap3A_318] {strides = array<i32>} : memref<128x128xf32, #tpu.memory_space<vmem>>, vector<2x16xf32>,
        %swap3A_320 = vector.shape_cast %swap3A_319 : vector<2x16xf32> to vector<2x16xf32>
        %swap3A_321 = vector.shape_cast %max3A_316 : vector<2x16xf32> to vector<2x16xf32>
        tpu.vector_store %arg18[%swap3A_317, %swap3A_318], %swap3A_321 {strides = array<i32>} : memref<128x128xf32, #tpu.memory_space<vmem>>, vector<2x16xf32>,
        %get3A_322 = arith.index_cast %multiple_of3A : i32 to index
        %get3A_323 = arith.constant 80 : index
        %get3A_324 = tpu.vector_load %arg16[%get3A_322, %get3A_323] {strides = array<i32>} : memref<128x128xbf16, #tpu.memory_space<vmem>>, vector<2x16xbf16>,
        %get3A_325 = vector.shape_cast %get3A_324 : vector<2x16xbf16> to vector<2x16xbf16>
        %convert_element_type3A_326 = arith.extf %get3A_325 : vector<2x16xbf16> to vector<2x16xf32>
        %get3A_327 = arith.index_cast %multiple_of3A : i32 to index
        %get3A_328 = arith.constant 80 : index
        %get3A_329 = tpu.vector_load %arg18[%get3A_327, %get3A_328] {strides = array<i32>} : memref<128x128xf32, #tpu.memory_space<vmem>>, vector<2x16xf32>,
        %get3A_330 = vector.shape_cast %get3A_329 : vector<2x16xf32> to vector<2x16xf32>
        %add3A_331 = arith.addf %convert_element_type3A_326, %get3A_330 : vector<2x16xf32>
        %max3A_332 = arith.constant 0.000000e+00 : f32
        %max3A_333 = vector.broadcast %max3A_332 : f32 to vector<2x16xf32>
        %max3A_334 = arith.maximumf %add3A_331, %max3A_333 : vector<2x16xf32>
        %swap3A_335 = arith.index_cast %multiple_of3A : i32 to index
        %swap3A_336 = arith.constant 80 : index
        %swap3A_337 = tpu.vector_load %arg18[%swap3A_335, %swap3A_336] {strides = array<i32>} : memref<128x128xf32, #tpu.memory_space<vmem>>, vector<2x16xf32>,
        %swap3A_338 = vector.shape_cast %swap3A_337 : vector<2x16xf32> to vector<2x16xf32>
        %swap3A_339 = vector.shape_cast %max3A_334 : vector<2x16xf32> to vector<2x16xf32>
        tpu.vector_store %arg18[%swap3A_335, %swap3A_336], %swap3A_339 {strides = array<i32>} : memref<128x128xf32, #tpu.memory_space<vmem>>, vector<2x16xf32>,
        %get3A_340 = arith.index_cast %multiple_of3A : i32 to index
        %get3A_341 = arith.constant 96 : index
        %get3A_342 = tpu.vector_load %arg16[%get3A_340, %get3A_341] {strides = array<i32>} : memref<128x128xbf16, #tpu.memory_space<vmem>>, vector<2x16xbf16>,
        %get3A_343 = vector.shape_cast %get3A_342 : vector<2x16xbf16> to vector<2x16xbf16>
        %convert_element_type3A_344 = arith.extf %get3A_343 : vector<2x16xbf16> to vector<2x16xf32>
        %get3A_345 = arith.index_cast %multiple_of3A : i32 to index
        %get3A_346 = arith.constant 96 : index
        %get3A_347 = tpu.vector_load %arg18[%get3A_345, %get3A_346] {strides = array<i32>} : memref<128x128xf32, #tpu.memory_space<vmem>>, vector<2x16xf32>,
        %get3A_348 = vector.shape_cast %get3A_347 : vector<2x16xf32> to vector<2x16xf32>
        %add3A_349 = arith.addf %convert_element_type3A_344, %get3A_348 : vector<2x16xf32>
        %max3A_350 = arith.constant 0.000000e+00 : f32
        %max3A_351 = vector.broadcast %max3A_350 : f32 to vector<2x16xf32>
        %max3A_352 = arith.maximumf %add3A_349, %max3A_351 : vector<2x16xf32>
        %swap3A_353 = arith.index_cast %multiple_of3A : i32 to index
        %swap3A_354 = arith.constant 96 : index
        %swap3A_355 = tpu.vector_load %arg18[%swap3A_353, %swap3A_354] {strides = array<i32>} : memref<128x128xf32, #tpu.memory_space<vmem>>, vector<2x16xf32>,
        %swap3A_356 = vector.shape_cast %swap3A_355 : vector<2x16xf32> to vector<2x16xf32>
        %swap3A_357 = vector.shape_cast %max3A_352 : vector<2x16xf32> to vector<2x16xf32>
        tpu.vector_store %arg18[%swap3A_353, %swap3A_354], %swap3A_357 {strides = array<i32>} : memref<128x128xf32, #tpu.memory_space<vmem>>, vector<2x16xf32>,
        %get3A_358 = arith.index_cast %multiple_of3A : i32 to index
        %get3A_359 = arith.constant 112 : index
        %get3A_360 = tpu.vector_load %arg16[%get3A_358, %get3A_359] {strides = array<i32>} : memref<128x128xbf16, #tpu.memory_space<vmem>>, vector<2x16xbf16>,
        %get3A_361 = vector.shape_cast %get3A_360 : vector<2x16xbf16> to vector<2x16xbf16>
        %convert_element_type3A_362 = arith.extf %get3A_361 : vector<2x16xbf16> to vector<2x16xf32>
        %get3A_363 = arith.index_cast %multiple_of3A : i32 to index
        %get3A_364 = arith.constant 112 : index
        %get3A_365 = tpu.vector_load %arg18[%get3A_363, %get3A_364] {strides = array<i32>} : memref<128x128xf32, #tpu.memory_space<vmem>>, vector<2x16xf32>,
        %get3A_366 = vector.shape_cast %get3A_365 : vector<2x16xf32> to vector<2x16xf32>
        %add3A_367 = arith.addf %convert_element_type3A_362, %get3A_366 : vector<2x16xf32>
        %max3A_368 = arith.constant 0.000000e+00 : f32
        %max3A_369 = vector.broadcast %max3A_368 : f32 to vector<2x16xf32>
        %max3A_370 = arith.maximumf %add3A_367, %max3A_369 : vector<2x16xf32>
        %swap3A_371 = arith.index_cast %multiple_of3A : i32 to index
        %swap3A_372 = arith.constant 112 : index
        %swap3A_373 = tpu.vector_load %arg18[%swap3A_371, %swap3A_372] {strides = array<i32>} : memref<128x128xf32, #tpu.memory_space<vmem>>, vector<2x16xf32>,
        %swap3A_374 = vector.shape_cast %swap3A_373 : vector<2x16xf32> to vector<2x16xf32>
        %swap3A_375 = vector.shape_cast %max3A_370 : vector<2x16xf32> to vector<2x16xf32>
        tpu.vector_store %arg18[%swap3A_371, %swap3A_372], %swap3A_375 {strides = array<i32>} : memref<128x128xf32, #tpu.memory_space<vmem>>, vector<2x16xf32>,
      }
      %scan3A_132 = arith.constant 64 : i32
      "tpu.region"() ({
        %run_scoped3A = tpu.sem_alloc : memref<!tpu.dma_semaphore, #tpu.memory_space<semaphore_mem>>
        %dma_start3A_232 = arith.constant 0 : i32
        %dma_start3A_233 = arith.constant 0 : i32
        %dma_start3A_234 = tpu.memref_slice %arg20[%dma_start3A_232, %dma_start3A_233] : memref<10000x128xf32, #tpu.memory_space<vmem_shared>> -> memref<10000x128xf32, #tpu.memory_space<vmem_shared>>
        tpu.enqueue_indirect_dma source(%arg18 : memref<128x128xf32, #tpu.memory_space<vmem>>) target(%dma_start3A_234 : memref<10000x128xf32, #tpu.memory_space<vmem_shared>>) offsets(%arg12 : memref<128xi32, #tpu.memory_space<vmem>>) semaphore(%run_scoped3A : memref<!tpu.dma_semaphore, #tpu.memory_space<semaphore_mem>>) {add = true}
        %dma_wait3A_235 = arith.constant 0 : i32
        %dma_wait3A_236 = arith.constant 0 : i32
        %dma_wait3A_237 = tpu.memref_slice %arg20[%dma_wait3A_235, %dma_wait3A_236] : memref<10000x128xf32, #tpu.memory_space<vmem_shared>> -> memref<10000x128xf32, #tpu.memory_space<vmem_shared>>
        tpu.wait_indirect_dma semaphore(%run_scoped3A : memref<!tpu.dma_semaphore, #tpu.memory_space<semaphore_mem>>) src(%arg18 : memref<128x128xf32, #tpu.memory_space<vmem>>) dst(%dma_wait3A_237 : memref<10000x128xf32, #tpu.memory_space<vmem_shared>>)
        tpu.yield
      }) : () -> ()
      %mul3A_133 = arith.constant 4 : i32
      %mul3A_134 = arith.muli %mul3A_133, %scan3A_99 : i32
      %add3A_135 = arith.constant 1 : i32
      %add3A_136 = arith.addi %mul3A_134, %add3A_135 : i32
      %dma_wait3A_137 = arith.constant 0 : i32
      %dma_wait3A_138 = arith.constant 0 : i32
      %dma_wait3A_139 = tpu.memref_slice %arg3[%dma_wait3A_137, %dma_wait3A_138] : memref<320000x128xbf16, #tpu.memory_space<hbm>> -> memref<128x128xbf16, #tpu.memory_space<hbm>>
      %dma_wait3A_140 = arith.constant 0 : i32
      %dma_wait3A_141 = arith.constant 0 : i32
      %dma_wait3A_142 = tpu.memref_slice %arg3[%dma_wait3A_140, %dma_wait3A_141] : memref<320000x128xbf16, #tpu.memory_space<hbm>> -> memref<128x128xbf16, #tpu.memory_space<hbm>>
      tpu.wait_dma2 semaphore(%arg26 : memref<!tpu.dma_semaphore, #tpu.memory_space<semaphore_mem>>) src(%dma_wait3A_142 : memref<128x128xbf16, #tpu.memory_space<hbm>>) dst(%arg17 : memref<128x128xbf16, #tpu.memory_space<vmem>>)
      %dma_wait3A_143 = arith.constant 0 : i32
      %dma_wait3A_144 = arith.constant 0 : i32
      %dma_wait3A_145 = tpu.memref_slice %arg2[%dma_wait3A_143, %dma_wait3A_144] : memref<10000x128xf32, #tpu.memory_space<hbm>> -> memref<10000x128xf32, #tpu.memory_space<hbm>>
      tpu.wait_indirect_dma semaphore(%arg28 : memref<!tpu.dma_semaphore, #tpu.memory_space<semaphore_mem>>) src(%dma_wait3A_145 : memref<10000x128xf32, #tpu.memory_space<hbm>>) dst(%arg19 : memref<128x128xf32, #tpu.memory_space<vmem>>)
      %add3A_146 = arith.constant 2 : i32
      %add3A_147 = arith.addi %add3A_136, %add3A_146 : i32
      %lt3A_148 = arith.constant 78 : i32
      %lt3A_149 = arith.cmpi slt, %add3A_147, %lt3A_148 : i32
      %convert_element_type3A_150 = arith.extui %lt3A_149 : i1 to i32
      %cond3A_151 = arith.constant 0 : i32
      %cond3A_152 = arith.cmpi ne, %convert_element_type3A_150, %cond3A_151 : i32
      scf.if %cond3A_152 {
        %add3A_232 = arith.constant 2 : i32
        %add3A_233 = arith.addi %add3A_136, %add3A_232 : i32
        %mul3A_234 = arith.constant 128 : i32
        %mul3A_235 = arith.muli %add3A_233, %mul3A_234 : i32
        %add3A_236 = arith.addi %mul3A_2, %mul3A_235 : i32
        %dma_start3A_237 = tpu.memref_slice %arg4[%add3A_236] : memref<320000xi32, #tpu.memory_space<hbm>> -> memref<128xi32, #tpu.memory_space<hbm>>
        %dma_start3A_238 = tpu.memref_slice %arg4[%add3A_236] : memref<320000xi32, #tpu.memory_space<hbm>> -> memref<128xi32, #tpu.memory_space<hbm>>
        tpu.enqueue_dma source(%dma_start3A_238 : memref<128xi32, #tpu.memory_space<hbm>>) target(%arg11 : memref<128xi32, #tpu.memory_space<vmem>>) target_semaphore(%arg24 : memref<!tpu.dma_semaphore, #tpu.memory_space<semaphore_mem>>)
        %dma_start3A_239 = tpu.memref_slice %arg5[%add3A_236] : memref<320000xi32, #tpu.memory_space<hbm>> -> memref<128xi32, #tpu.memory_space<hbm>>
        %dma_start3A_240 = tpu.memref_slice %arg5[%add3A_236] : memref<320000xi32, #tpu.memory_space<hbm>> -> memref<128xi32, #tpu.memory_space<hbm>>
        tpu.enqueue_dma source(%dma_start3A_240 : memref<128xi32, #tpu.memory_space<hbm>>) target(%arg15 : memref<128xi32, #tpu.memory_space<vmem>>) target_semaphore(%arg24 : memref<!tpu.dma_semaphore, #tpu.memory_space<semaphore_mem>>)
      } else {
      }
      %add3A_153 = arith.constant 1 : i32
      %add3A_154 = arith.addi %add3A_136, %add3A_153 : i32
      %lt3A_155 = arith.constant 78 : i32
      %lt3A_156 = arith.cmpi slt, %add3A_154, %lt3A_155 : i32
      %convert_element_type3A_157 = arith.extui %lt3A_156 : i1 to i32
      %cond3A_158 = arith.constant 0 : i32
      %cond3A_159 = arith.cmpi ne, %convert_element_type3A_157, %cond3A_158 : i32
      scf.if %cond3A_159 {
        %dma_wait3A_232 = arith.constant 0 : i32
        %dma_wait3A_233 = tpu.memref_slice %arg4[%dma_wait3A_232] : memref<320000xi32, #tpu.memory_space<hbm>> -> memref<128xi32, #tpu.memory_space<hbm>>
        %dma_wait3A_234 = arith.constant 0 : i32
        %dma_wait3A_235 = tpu.memref_slice %arg4[%dma_wait3A_234] : memref<320000xi32, #tpu.memory_space<hbm>> -> memref<128xi32, #tpu.memory_space<hbm>>
        tpu.wait_dma2 semaphore(%arg23 : memref<!tpu.dma_semaphore, #tpu.memory_space<semaphore_mem>>) src(%dma_wait3A_235 : memref<128xi32, #tpu.memory_space<hbm>>) dst(%arg10 : memref<128xi32, #tpu.memory_space<vmem>>)
        %dma_wait3A_236 = arith.constant 0 : i32
        %dma_wait3A_237 = tpu.memref_slice %arg5[%dma_wait3A_236] : memref<320000xi32, #tpu.memory_space<hbm>> -> memref<128xi32, #tpu.memory_space<hbm>>
        %dma_wait3A_238 = arith.constant 0 : i32
        %dma_wait3A_239 = tpu.memref_slice %arg5[%dma_wait3A_238] : memref<320000xi32, #tpu.memory_space<hbm>> -> memref<128xi32, #tpu.memory_space<hbm>>
        tpu.wait_dma2 semaphore(%arg23 : memref<!tpu.dma_semaphore, #tpu.memory_space<semaphore_mem>>) src(%dma_wait3A_239 : memref<128xi32, #tpu.memory_space<hbm>>) dst(%arg14 : memref<128xi32, #tpu.memory_space<vmem>>)
        %add3A_240 = arith.constant 1 : i32
        %add3A_241 = arith.addi %add3A_136, %add3A_240 : i32
        %mul3A_242 = arith.constant 128 : i32
        %mul3A_243 = arith.muli %add3A_241, %mul3A_242 : i32
        %add3A_244 = arith.addi %mul3A_2, %mul3A_243 : i32
        %dma_start3A_245 = arith.constant 0 : i32
        %dma_start3A_246 = tpu.memref_slice %arg3[%add3A_244, %dma_start3A_245] : memref<320000x128xbf16, #tpu.memory_space<hbm>> -> memref<128x128xbf16, #tpu.memory_space<hbm>>
        %dma_start3A_247 = arith.constant 0 : i32
        %dma_start3A_248 = tpu.memref_slice %arg3[%add3A_244, %dma_start3A_247] : memref<320000x128xbf16, #tpu.memory_space<hbm>> -> memref<128x128xbf16, #tpu.memory_space<hbm>>
        tpu.enqueue_dma source(%dma_start3A_248 : memref<128x128xbf16, #tpu.memory_space<hbm>>) target(%arg16 : memref<128x128xbf16, #tpu.memory_space<vmem>>) target_semaphore(%arg25 : memref<!tpu.dma_semaphore, #tpu.memory_space<semaphore_mem>>)
        %dma_start3A_249 = arith.constant 0 : i32
        %dma_start3A_250 = arith.constant 0 : i32
        %dma_start3A_251 = tpu.memref_slice %arg2[%dma_start3A_249, %dma_start3A_250] : memref<10000x128xf32, #tpu.memory_space<hbm>> -> memref<10000x128xf32, #tpu.memory_space<hbm>>
        tpu.enqueue_indirect_dma source(%dma_start3A_251 : memref<10000x128xf32, #tpu.memory_space<hbm>>) target(%arg18 : memref<128x128xf32, #tpu.memory_space<vmem>>) offsets(%arg10 : memref<128xi32, #tpu.memory_space<vmem>>) semaphore(%arg27 : memref<!tpu.dma_semaphore, #tpu.memory_space<semaphore_mem>>)
      } else {
      }
      %scan3A_160 = arith.constant 0 : i32
      %scan3A_161 = arith.constant 0 : i32
      %scan3A_162 = arith.constant 64 : i32
      %scan3A_163 = arith.addi %scan3A_161, %scan3A_162 : i32
      %scan3A_164 = arith.constant 1 : i32
      scf.for %scan3A_232 = %scan3A_161 to %scan3A_163 step %scan3A_164  : i32 {
        %mul3A_233 = arith.constant 2 : i32
        %mul3A_234 = arith.muli %scan3A_232, %mul3A_233 : i32
        %multiple_of3A = tpu.assume_multiple %mul3A_234, 2 : i32
        %get3A = arith.index_cast %multiple_of3A : i32 to index
        %get3A_235 = arith.constant 0 : index
        %get3A_236 = tpu.vector_load %arg17[%get3A, %get3A_235] {strides = array<i32>} : memref<128x128xbf16, #tpu.memory_space<vmem>>, vector<2x16xbf16>,
        %get3A_237 = vector.shape_cast %get3A_236 : vector<2x16xbf16> to vector<2x16xbf16>
        %convert_element_type3A_238 = arith.extf %get3A_237 : vector<2x16xbf16> to vector<2x16xf32>
        %get3A_239 = arith.index_cast %multiple_of3A : i32 to index
        %get3A_240 = arith.constant 0 : index
        %get3A_241 = tpu.vector_load %arg19[%get3A_239, %get3A_240] {strides = array<i32>} : memref<128x128xf32, #tpu.memory_space<vmem>>, vector<2x16xf32>,
        %get3A_242 = vector.shape_cast %get3A_241 : vector<2x16xf32> to vector<2x16xf32>
        %add3A_243 = arith.addf %convert_element_type3A_238, %get3A_242 : vector<2x16xf32>
        %max3A = arith.constant 0.000000e+00 : f32
        %max3A_244 = vector.broadcast %max3A : f32 to vector<2x16xf32>
        %max3A_245 = arith.maximumf %add3A_243, %max3A_244 : vector<2x16xf32>
        %swap3A = arith.index_cast %multiple_of3A : i32 to index
        %swap3A_246 = arith.constant 0 : index
        %swap3A_247 = tpu.vector_load %arg19[%swap3A, %swap3A_246] {strides = array<i32>} : memref<128x128xf32, #tpu.memory_space<vmem>>, vector<2x16xf32>,
        %swap3A_248 = vector.shape_cast %swap3A_247 : vector<2x16xf32> to vector<2x16xf32>
        %swap3A_249 = vector.shape_cast %max3A_245 : vector<2x16xf32> to vector<2x16xf32>
        tpu.vector_store %arg19[%swap3A, %swap3A_246], %swap3A_249 {strides = array<i32>} : memref<128x128xf32, #tpu.memory_space<vmem>>, vector<2x16xf32>,
        %get3A_250 = arith.index_cast %multiple_of3A : i32 to index
        %get3A_251 = arith.constant 16 : index
        %get3A_252 = tpu.vector_load %arg17[%get3A_250, %get3A_251] {strides = array<i32>} : memref<128x128xbf16, #tpu.memory_space<vmem>>, vector<2x16xbf16>,
        %get3A_253 = vector.shape_cast %get3A_252 : vector<2x16xbf16> to vector<2x16xbf16>
        %convert_element_type3A_254 = arith.extf %get3A_253 : vector<2x16xbf16> to vector<2x16xf32>
        %get3A_255 = arith.index_cast %multiple_of3A : i32 to index
        %get3A_256 = arith.constant 16 : index
        %get3A_257 = tpu.vector_load %arg19[%get3A_255, %get3A_256] {strides = array<i32>} : memref<128x128xf32, #tpu.memory_space<vmem>>, vector<2x16xf32>,
        %get3A_258 = vector.shape_cast %get3A_257 : vector<2x16xf32> to vector<2x16xf32>
        %add3A_259 = arith.addf %convert_element_type3A_254, %get3A_258 : vector<2x16xf32>
        %max3A_260 = arith.constant 0.000000e+00 : f32
        %max3A_261 = vector.broadcast %max3A_260 : f32 to vector<2x16xf32>
        %max3A_262 = arith.maximumf %add3A_259, %max3A_261 : vector<2x16xf32>
        %swap3A_263 = arith.index_cast %multiple_of3A : i32 to index
        %swap3A_264 = arith.constant 16 : index
        %swap3A_265 = tpu.vector_load %arg19[%swap3A_263, %swap3A_264] {strides = array<i32>} : memref<128x128xf32, #tpu.memory_space<vmem>>, vector<2x16xf32>,
        %swap3A_266 = vector.shape_cast %swap3A_265 : vector<2x16xf32> to vector<2x16xf32>
        %swap3A_267 = vector.shape_cast %max3A_262 : vector<2x16xf32> to vector<2x16xf32>
        tpu.vector_store %arg19[%swap3A_263, %swap3A_264], %swap3A_267 {strides = array<i32>} : memref<128x128xf32, #tpu.memory_space<vmem>>, vector<2x16xf32>,
        %get3A_268 = arith.index_cast %multiple_of3A : i32 to index
        %get3A_269 = arith.constant 32 : index
        %get3A_270 = tpu.vector_load %arg17[%get3A_268, %get3A_269] {strides = array<i32>} : memref<128x128xbf16, #tpu.memory_space<vmem>>, vector<2x16xbf16>,
        %get3A_271 = vector.shape_cast %get3A_270 : vector<2x16xbf16> to vector<2x16xbf16>
        %convert_element_type3A_272 = arith.extf %get3A_271 : vector<2x16xbf16> to vector<2x16xf32>
        %get3A_273 = arith.index_cast %multiple_of3A : i32 to index
        %get3A_274 = arith.constant 32 : index
        %get3A_275 = tpu.vector_load %arg19[%get3A_273, %get3A_274] {strides = array<i32>} : memref<128x128xf32, #tpu.memory_space<vmem>>, vector<2x16xf32>,
        %get3A_276 = vector.shape_cast %get3A_275 : vector<2x16xf32> to vector<2x16xf32>
        %add3A_277 = arith.addf %convert_element_type3A_272, %get3A_276 : vector<2x16xf32>
        %max3A_278 = arith.constant 0.000000e+00 : f32
        %max3A_279 = vector.broadcast %max3A_278 : f32 to vector<2x16xf32>
        %max3A_280 = arith.maximumf %add3A_277, %max3A_279 : vector<2x16xf32>
        %swap3A_281 = arith.index_cast %multiple_of3A : i32 to index
        %swap3A_282 = arith.constant 32 : index
        %swap3A_283 = tpu.vector_load %arg19[%swap3A_281, %swap3A_282] {strides = array<i32>} : memref<128x128xf32, #tpu.memory_space<vmem>>, vector<2x16xf32>,
        %swap3A_284 = vector.shape_cast %swap3A_283 : vector<2x16xf32> to vector<2x16xf32>
        %swap3A_285 = vector.shape_cast %max3A_280 : vector<2x16xf32> to vector<2x16xf32>
        tpu.vector_store %arg19[%swap3A_281, %swap3A_282], %swap3A_285 {strides = array<i32>} : memref<128x128xf32, #tpu.memory_space<vmem>>, vector<2x16xf32>,
        %get3A_286 = arith.index_cast %multiple_of3A : i32 to index
        %get3A_287 = arith.constant 48 : index
        %get3A_288 = tpu.vector_load %arg17[%get3A_286, %get3A_287] {strides = array<i32>} : memref<128x128xbf16, #tpu.memory_space<vmem>>, vector<2x16xbf16>,
        %get3A_289 = vector.shape_cast %get3A_288 : vector<2x16xbf16> to vector<2x16xbf16>
        %convert_element_type3A_290 = arith.extf %get3A_289 : vector<2x16xbf16> to vector<2x16xf32>
        %get3A_291 = arith.index_cast %multiple_of3A : i32 to index
        %get3A_292 = arith.constant 48 : index
        %get3A_293 = tpu.vector_load %arg19[%get3A_291, %get3A_292] {strides = array<i32>} : memref<128x128xf32, #tpu.memory_space<vmem>>, vector<2x16xf32>,
        %get3A_294 = vector.shape_cast %get3A_293 : vector<2x16xf32> to vector<2x16xf32>
        %add3A_295 = arith.addf %convert_element_type3A_290, %get3A_294 : vector<2x16xf32>
        %max3A_296 = arith.constant 0.000000e+00 : f32
        %max3A_297 = vector.broadcast %max3A_296 : f32 to vector<2x16xf32>
        %max3A_298 = arith.maximumf %add3A_295, %max3A_297 : vector<2x16xf32>
        %swap3A_299 = arith.index_cast %multiple_of3A : i32 to index
        %swap3A_300 = arith.constant 48 : index
        %swap3A_301 = tpu.vector_load %arg19[%swap3A_299, %swap3A_300] {strides = array<i32>} : memref<128x128xf32, #tpu.memory_space<vmem>>, vector<2x16xf32>,
        %swap3A_302 = vector.shape_cast %swap3A_301 : vector<2x16xf32> to vector<2x16xf32>
        %swap3A_303 = vector.shape_cast %max3A_298 : vector<2x16xf32> to vector<2x16xf32>
        tpu.vector_store %arg19[%swap3A_299, %swap3A_300], %swap3A_303 {strides = array<i32>} : memref<128x128xf32, #tpu.memory_space<vmem>>, vector<2x16xf32>,
        %get3A_304 = arith.index_cast %multiple_of3A : i32 to index
        %get3A_305 = arith.constant 64 : index
        %get3A_306 = tpu.vector_load %arg17[%get3A_304, %get3A_305] {strides = array<i32>} : memref<128x128xbf16, #tpu.memory_space<vmem>>, vector<2x16xbf16>,
        %get3A_307 = vector.shape_cast %get3A_306 : vector<2x16xbf16> to vector<2x16xbf16>
        %convert_element_type3A_308 = arith.extf %get3A_307 : vector<2x16xbf16> to vector<2x16xf32>
        %get3A_309 = arith.index_cast %multiple_of3A : i32 to index
        %get3A_310 = arith.constant 64 : index
        %get3A_311 = tpu.vector_load %arg19[%get3A_309, %get3A_310] {strides = array<i32>} : memref<128x128xf32, #tpu.memory_space<vmem>>, vector<2x16xf32>,
        %get3A_312 = vector.shape_cast %get3A_311 : vector<2x16xf32> to vector<2x16xf32>
        %add3A_313 = arith.addf %convert_element_type3A_308, %get3A_312 : vector<2x16xf32>
        %max3A_314 = arith.constant 0.000000e+00 : f32
        %max3A_315 = vector.broadcast %max3A_314 : f32 to vector<2x16xf32>
        %max3A_316 = arith.maximumf %add3A_313, %max3A_315 : vector<2x16xf32>
        %swap3A_317 = arith.index_cast %multiple_of3A : i32 to index
        %swap3A_318 = arith.constant 64 : index
        %swap3A_319 = tpu.vector_load %arg19[%swap3A_317, %swap3A_318] {strides = array<i32>} : memref<128x128xf32, #tpu.memory_space<vmem>>, vector<2x16xf32>,
        %swap3A_320 = vector.shape_cast %swap3A_319 : vector<2x16xf32> to vector<2x16xf32>
        %swap3A_321 = vector.shape_cast %max3A_316 : vector<2x16xf32> to vector<2x16xf32>
        tpu.vector_store %arg19[%swap3A_317, %swap3A_318], %swap3A_321 {strides = array<i32>} : memref<128x128xf32, #tpu.memory_space<vmem>>, vector<2x16xf32>,
        %get3A_322 = arith.index_cast %multiple_of3A : i32 to index
        %get3A_323 = arith.constant 80 : index
        %get3A_324 = tpu.vector_load %arg17[%get3A_322, %get3A_323] {strides = array<i32>} : memref<128x128xbf16, #tpu.memory_space<vmem>>, vector<2x16xbf16>,
        %get3A_325 = vector.shape_cast %get3A_324 : vector<2x16xbf16> to vector<2x16xbf16>
        %convert_element_type3A_326 = arith.extf %get3A_325 : vector<2x16xbf16> to vector<2x16xf32>
        %get3A_327 = arith.index_cast %multiple_of3A : i32 to index
        %get3A_328 = arith.constant 80 : index
        %get3A_329 = tpu.vector_load %arg19[%get3A_327, %get3A_328] {strides = array<i32>} : memref<128x128xf32, #tpu.memory_space<vmem>>, vector<2x16xf32>,
        %get3A_330 = vector.shape_cast %get3A_329 : vector<2x16xf32> to vector<2x16xf32>
        %add3A_331 = arith.addf %convert_element_type3A_326, %get3A_330 : vector<2x16xf32>
        %max3A_332 = arith.constant 0.000000e+00 : f32
        %max3A_333 = vector.broadcast %max3A_332 : f32 to vector<2x16xf32>
        %max3A_334 = arith.maximumf %add3A_331, %max3A_333 : vector<2x16xf32>
        %swap3A_335 = arith.index_cast %multiple_of3A : i32 to index
        %swap3A_336 = arith.constant 80 : index
        %swap3A_337 = tpu.vector_load %arg19[%swap3A_335, %swap3A_336] {strides = array<i32>} : memref<128x128xf32, #tpu.memory_space<vmem>>, vector<2x16xf32>,
        %swap3A_338 = vector.shape_cast %swap3A_337 : vector<2x16xf32> to vector<2x16xf32>
        %swap3A_339 = vector.shape_cast %max3A_334 : vector<2x16xf32> to vector<2x16xf32>
        tpu.vector_store %arg19[%swap3A_335, %swap3A_336], %swap3A_339 {strides = array<i32>} : memref<128x128xf32, #tpu.memory_space<vmem>>, vector<2x16xf32>,
        %get3A_340 = arith.index_cast %multiple_of3A : i32 to index
        %get3A_341 = arith.constant 96 : index
        %get3A_342 = tpu.vector_load %arg17[%get3A_340, %get3A_341] {strides = array<i32>} : memref<128x128xbf16, #tpu.memory_space<vmem>>, vector<2x16xbf16>,
        %get3A_343 = vector.shape_cast %get3A_342 : vector<2x16xbf16> to vector<2x16xbf16>
        %convert_element_type3A_344 = arith.extf %get3A_343 : vector<2x16xbf16> to vector<2x16xf32>
        %get3A_345 = arith.index_cast %multiple_of3A : i32 to index
        %get3A_346 = arith.constant 96 : index
        %get3A_347 = tpu.vector_load %arg19[%get3A_345, %get3A_346] {strides = array<i32>} : memref<128x128xf32, #tpu.memory_space<vmem>>, vector<2x16xf32>,
        %get3A_348 = vector.shape_cast %get3A_347 : vector<2x16xf32> to vector<2x16xf32>
        %add3A_349 = arith.addf %convert_element_type3A_344, %get3A_348 : vector<2x16xf32>
        %max3A_350 = arith.constant 0.000000e+00 : f32
        %max3A_351 = vector.broadcast %max3A_350 : f32 to vector<2x16xf32>
        %max3A_352 = arith.maximumf %add3A_349, %max3A_351 : vector<2x16xf32>
        %swap3A_353 = arith.index_cast %multiple_of3A : i32 to index
        %swap3A_354 = arith.constant 96 : index
        %swap3A_355 = tpu.vector_load %arg19[%swap3A_353, %swap3A_354] {strides = array<i32>} : memref<128x128xf32, #tpu.memory_space<vmem>>, vector<2x16xf32>,
        %swap3A_356 = vector.shape_cast %swap3A_355 : vector<2x16xf32> to vector<2x16xf32>
        %swap3A_357 = vector.shape_cast %max3A_352 : vector<2x16xf32> to vector<2x16xf32>
        tpu.vector_store %arg19[%swap3A_353, %swap3A_354], %swap3A_357 {strides = array<i32>} : memref<128x128xf32, #tpu.memory_space<vmem>>, vector<2x16xf32>,
        %get3A_358 = arith.index_cast %multiple_of3A : i32 to index
        %get3A_359 = arith.constant 112 : index
        %get3A_360 = tpu.vector_load %arg17[%get3A_358, %get3A_359] {strides = array<i32>} : memref<128x128xbf16, #tpu.memory_space<vmem>>, vector<2x16xbf16>,
        %get3A_361 = vector.shape_cast %get3A_360 : vector<2x16xbf16> to vector<2x16xbf16>
        %convert_element_type3A_362 = arith.extf %get3A_361 : vector<2x16xbf16> to vector<2x16xf32>
        %get3A_363 = arith.index_cast %multiple_of3A : i32 to index
        %get3A_364 = arith.constant 112 : index
        %get3A_365 = tpu.vector_load %arg19[%get3A_363, %get3A_364] {strides = array<i32>} : memref<128x128xf32, #tpu.memory_space<vmem>>, vector<2x16xf32>,
        %get3A_366 = vector.shape_cast %get3A_365 : vector<2x16xf32> to vector<2x16xf32>
        %add3A_367 = arith.addf %convert_element_type3A_362, %get3A_366 : vector<2x16xf32>
        %max3A_368 = arith.constant 0.000000e+00 : f32
        %max3A_369 = vector.broadcast %max3A_368 : f32 to vector<2x16xf32>
        %max3A_370 = arith.maximumf %add3A_367, %max3A_369 : vector<2x16xf32>
        %swap3A_371 = arith.index_cast %multiple_of3A : i32 to index
        %swap3A_372 = arith.constant 112 : index
        %swap3A_373 = tpu.vector_load %arg19[%swap3A_371, %swap3A_372] {strides = array<i32>} : memref<128x128xf32, #tpu.memory_space<vmem>>, vector<2x16xf32>,
        %swap3A_374 = vector.shape_cast %swap3A_373 : vector<2x16xf32> to vector<2x16xf32>
        %swap3A_375 = vector.shape_cast %max3A_370 : vector<2x16xf32> to vector<2x16xf32>
        tpu.vector_store %arg19[%swap3A_371, %swap3A_372], %swap3A_375 {strides = array<i32>} : memref<128x128xf32, #tpu.memory_space<vmem>>, vector<2x16xf32>,
      }
      %scan3A_165 = arith.constant 64 : i32
      "tpu.region"() ({
        %run_scoped3A = tpu.sem_alloc : memref<!tpu.dma_semaphore, #tpu.memory_space<semaphore_mem>>
        %dma_start3A_232 = arith.constant 0 : i32
        %dma_start3A_233 = arith.constant 0 : i32
        %dma_start3A_234 = tpu.memref_slice %arg20[%dma_start3A_232, %dma_start3A_233] : memref<10000x128xf32, #tpu.memory_space<vmem_shared>> -> memref<10000x128xf32, #tpu.memory_space<vmem_shared>>
        tpu.enqueue_indirect_dma source(%arg19 : memref<128x128xf32, #tpu.memory_space<vmem>>) target(%dma_start3A_234 : memref<10000x128xf32, #tpu.memory_space<vmem_shared>>) offsets(%arg13 : memref<128xi32, #tpu.memory_space<vmem>>) semaphore(%run_scoped3A : memref<!tpu.dma_semaphore, #tpu.memory_space<semaphore_mem>>) {add = true}
        %dma_wait3A_235 = arith.constant 0 : i32
        %dma_wait3A_236 = arith.constant 0 : i32
        %dma_wait3A_237 = tpu.memref_slice %arg20[%dma_wait3A_235, %dma_wait3A_236] : memref<10000x128xf32, #tpu.memory_space<vmem_shared>> -> memref<10000x128xf32, #tpu.memory_space<vmem_shared>>
        tpu.wait_indirect_dma semaphore(%run_scoped3A : memref<!tpu.dma_semaphore, #tpu.memory_space<semaphore_mem>>) src(%arg19 : memref<128x128xf32, #tpu.memory_space<vmem>>) dst(%dma_wait3A_237 : memref<10000x128xf32, #tpu.memory_space<vmem_shared>>)
        tpu.yield
      }) : () -> ()
      %mul3A_166 = arith.constant 4 : i32
      %mul3A_167 = arith.muli %mul3A_166, %scan3A_99 : i32
      %add3A_168 = arith.constant 2 : i32
      %add3A_169 = arith.addi %mul3A_167, %add3A_168 : i32
      %dma_wait3A_170 = arith.constant 0 : i32
      %dma_wait3A_171 = arith.constant 0 : i32
      %dma_wait3A_172 = tpu.memref_slice %arg3[%dma_wait3A_170, %dma_wait3A_171] : memref<320000x128xbf16, #tpu.memory_space<hbm>> -> memref<128x128xbf16, #tpu.memory_space<hbm>>
      %dma_wait3A_173 = arith.constant 0 : i32
      %dma_wait3A_174 = arith.constant 0 : i32
      %dma_wait3A_175 = tpu.memref_slice %arg3[%dma_wait3A_173, %dma_wait3A_174] : memref<320000x128xbf16, #tpu.memory_space<hbm>> -> memref<128x128xbf16, #tpu.memory_space<hbm>>
      tpu.wait_dma2 semaphore(%arg25 : memref<!tpu.dma_semaphore, #tpu.memory_space<semaphore_mem>>) src(%dma_wait3A_175 : memref<128x128xbf16, #tpu.memory_space<hbm>>) dst(%arg16 : memref<128x128xbf16, #tpu.memory_space<vmem>>)
      %dma_wait3A_176 = arith.constant 0 : i32
      %dma_wait3A_177 = arith.constant 0 : i32
      %dma_wait3A_178 = tpu.memref_slice %arg2[%dma_wait3A_176, %dma_wait3A_177] : memref<10000x128xf32, #tpu.memory_space<hbm>> -> memref<10000x128xf32, #tpu.memory_space<hbm>>
      tpu.wait_indirect_dma semaphore(%arg27 : memref<!tpu.dma_semaphore, #tpu.memory_space<semaphore_mem>>) src(%dma_wait3A_178 : memref<10000x128xf32, #tpu.memory_space<hbm>>) dst(%arg18 : memref<128x128xf32, #tpu.memory_space<vmem>>)
      %add3A_179 = arith.constant 2 : i32
      %add3A_180 = arith.addi %add3A_169, %add3A_179 : i32
      %lt3A_181 = arith.constant 78 : i32
      %lt3A_182 = arith.cmpi slt, %add3A_180, %lt3A_181 : i32
      %convert_element_type3A_183 = arith.extui %lt3A_182 : i1 to i32
      %cond3A_184 = arith.constant 0 : i32
      %cond3A_185 = arith.cmpi ne, %convert_element_type3A_183, %cond3A_184 : i32
      scf.if %cond3A_185 {
        %add3A_232 = arith.constant 2 : i32
        %add3A_233 = arith.addi %add3A_169, %add3A_232 : i32
        %mul3A_234 = arith.constant 128 : i32
        %mul3A_235 = arith.muli %add3A_233, %mul3A_234 : i32
        %add3A_236 = arith.addi %mul3A_2, %mul3A_235 : i32
        %dma_start3A_237 = tpu.memref_slice %arg4[%add3A_236] : memref<320000xi32, #tpu.memory_space<hbm>> -> memref<128xi32, #tpu.memory_space<hbm>>
        %dma_start3A_238 = tpu.memref_slice %arg4[%add3A_236] : memref<320000xi32, #tpu.memory_space<hbm>> -> memref<128xi32, #tpu.memory_space<hbm>>
        tpu.enqueue_dma source(%dma_start3A_238 : memref<128xi32, #tpu.memory_space<hbm>>) target(%arg8 : memref<128xi32, #tpu.memory_space<vmem>>) target_semaphore(%arg21 : memref<!tpu.dma_semaphore, #tpu.memory_space<semaphore_mem>>)
        %dma_start3A_239 = tpu.memref_slice %arg5[%add3A_236] : memref<320000xi32, #tpu.memory_space<hbm>> -> memref<128xi32, #tpu.memory_space<hbm>>
        %dma_start3A_240 = tpu.memref_slice %arg5[%add3A_236] : memref<320000xi32, #tpu.memory_space<hbm>> -> memref<128xi32, #tpu.memory_space<hbm>>
        tpu.enqueue_dma source(%dma_start3A_240 : memref<128xi32, #tpu.memory_space<hbm>>) target(%arg12 : memref<128xi32, #tpu.memory_space<vmem>>) target_semaphore(%arg21 : memref<!tpu.dma_semaphore, #tpu.memory_space<semaphore_mem>>)
      } else {
      }
      %add3A_186 = arith.constant 1 : i32
      %add3A_187 = arith.addi %add3A_169, %add3A_186 : i32
      %lt3A_188 = arith.constant 78 : i32
      %lt3A_189 = arith.cmpi slt, %add3A_187, %lt3A_188 : i32
      %convert_element_type3A_190 = arith.extui %lt3A_189 : i1 to i32
      %cond3A_191 = arith.constant 0 : i32
      %cond3A_192 = arith.cmpi ne, %convert_element_type3A_190, %cond3A_191 : i32
      scf.if %cond3A_192 {
        %dma_wait3A_232 = arith.constant 0 : i32
        %dma_wait3A_233 = tpu.memref_slice %arg4[%dma_wait3A_232] : memref<320000xi32, #tpu.memory_space<hbm>> -> memref<128xi32, #tpu.memory_space<hbm>>
        %dma_wait3A_234 = arith.constant 0 : i32
        %dma_wait3A_235 = tpu.memref_slice %arg4[%dma_wait3A_234] : memref<320000xi32, #tpu.memory_space<hbm>> -> memref<128xi32, #tpu.memory_space<hbm>>
        tpu.wait_dma2 semaphore(%arg24 : memref<!tpu.dma_semaphore, #tpu.memory_space<semaphore_mem>>) src(%dma_wait3A_235 : memref<128xi32, #tpu.memory_space<hbm>>) dst(%arg11 : memref<128xi32, #tpu.memory_space<vmem>>)
        %dma_wait3A_236 = arith.constant 0 : i32
        %dma_wait3A_237 = tpu.memref_slice %arg5[%dma_wait3A_236] : memref<320000xi32, #tpu.memory_space<hbm>> -> memref<128xi32, #tpu.memory_space<hbm>>
        %dma_wait3A_238 = arith.constant 0 : i32
        %dma_wait3A_239 = tpu.memref_slice %arg5[%dma_wait3A_238] : memref<320000xi32, #tpu.memory_space<hbm>> -> memref<128xi32, #tpu.memory_space<hbm>>
        tpu.wait_dma2 semaphore(%arg24 : memref<!tpu.dma_semaphore, #tpu.memory_space<semaphore_mem>>) src(%dma_wait3A_239 : memref<128xi32, #tpu.memory_space<hbm>>) dst(%arg15 : memref<128xi32, #tpu.memory_space<vmem>>)
        %add3A_240 = arith.constant 1 : i32
        %add3A_241 = arith.addi %add3A_169, %add3A_240 : i32
        %mul3A_242 = arith.constant 128 : i32
        %mul3A_243 = arith.muli %add3A_241, %mul3A_242 : i32
        %add3A_244 = arith.addi %mul3A_2, %mul3A_243 : i32
        %dma_start3A_245 = arith.constant 0 : i32
        %dma_start3A_246 = tpu.memref_slice %arg3[%add3A_244, %dma_start3A_245] : memref<320000x128xbf16, #tpu.memory_space<hbm>> -> memref<128x128xbf16, #tpu.memory_space<hbm>>
        %dma_start3A_247 = arith.constant 0 : i32
        %dma_start3A_248 = tpu.memref_slice %arg3[%add3A_244, %dma_start3A_247] : memref<320000x128xbf16, #tpu.memory_space<hbm>> -> memref<128x128xbf16, #tpu.memory_space<hbm>>
        tpu.enqueue_dma source(%dma_start3A_248 : memref<128x128xbf16, #tpu.memory_space<hbm>>) target(%arg17 : memref<128x128xbf16, #tpu.memory_space<vmem>>) target_semaphore(%arg26 : memref<!tpu.dma_semaphore, #tpu.memory_space<semaphore_mem>>)
        %dma_start3A_249 = arith.constant 0 : i32
        %dma_start3A_250 = arith.constant 0 : i32
        %dma_start3A_251 = tpu.memref_slice %arg2[%dma_start3A_249, %dma_start3A_250] : memref<10000x128xf32, #tpu.memory_space<hbm>> -> memref<10000x128xf32, #tpu.memory_space<hbm>>
        tpu.enqueue_indirect_dma source(%dma_start3A_251 : memref<10000x128xf32, #tpu.memory_space<hbm>>) target(%arg19 : memref<128x128xf32, #tpu.memory_space<vmem>>) offsets(%arg11 : memref<128xi32, #tpu.memory_space<vmem>>) semaphore(%arg28 : memref<!tpu.dma_semaphore, #tpu.memory_space<semaphore_mem>>)
      } else {
      }
      %scan3A_193 = arith.constant 0 : i32
      %scan3A_194 = arith.constant 0 : i32
      %scan3A_195 = arith.constant 64 : i32
      %scan3A_196 = arith.addi %scan3A_194, %scan3A_195 : i32
      %scan3A_197 = arith.constant 1 : i32
      scf.for %scan3A_232 = %scan3A_194 to %scan3A_196 step %scan3A_197  : i32 {
        %mul3A_233 = arith.constant 2 : i32
        %mul3A_234 = arith.muli %scan3A_232, %mul3A_233 : i32
        %multiple_of3A = tpu.assume_multiple %mul3A_234, 2 : i32
        %get3A = arith.index_cast %multiple_of3A : i32 to index
        %get3A_235 = arith.constant 0 : index
        %get3A_236 = tpu.vector_load %arg16[%get3A, %get3A_235] {strides = array<i32>} : memref<128x128xbf16, #tpu.memory_space<vmem>>, vector<2x16xbf16>,
        %get3A_237 = vector.shape_cast %get3A_236 : vector<2x16xbf16> to vector<2x16xbf16>
        %convert_element_type3A_238 = arith.extf %get3A_237 : vector<2x16xbf16> to vector<2x16xf32>
        %get3A_239 = arith.index_cast %multiple_of3A : i32 to index
        %get3A_240 = arith.constant 0 : index
        %get3A_241 = tpu.vector_load %arg18[%get3A_239, %get3A_240] {strides = array<i32>} : memref<128x128xf32, #tpu.memory_space<vmem>>, vector<2x16xf32>,
        %get3A_242 = vector.shape_cast %get3A_241 : vector<2x16xf32> to vector<2x16xf32>
        %add3A_243 = arith.addf %convert_element_type3A_238, %get3A_242 : vector<2x16xf32>
        %max3A = arith.constant 0.000000e+00 : f32
        %max3A_244 = vector.broadcast %max3A : f32 to vector<2x16xf32>
        %max3A_245 = arith.maximumf %add3A_243, %max3A_244 : vector<2x16xf32>
        %swap3A = arith.index_cast %multiple_of3A : i32 to index
        %swap3A_246 = arith.constant 0 : index
        %swap3A_247 = tpu.vector_load %arg18[%swap3A, %swap3A_246] {strides = array<i32>} : memref<128x128xf32, #tpu.memory_space<vmem>>, vector<2x16xf32>,
        %swap3A_248 = vector.shape_cast %swap3A_247 : vector<2x16xf32> to vector<2x16xf32>
        %swap3A_249 = vector.shape_cast %max3A_245 : vector<2x16xf32> to vector<2x16xf32>
        tpu.vector_store %arg18[%swap3A, %swap3A_246], %swap3A_249 {strides = array<i32>} : memref<128x128xf32, #tpu.memory_space<vmem>>, vector<2x16xf32>,
        %get3A_250 = arith.index_cast %multiple_of3A : i32 to index
        %get3A_251 = arith.constant 16 : index
        %get3A_252 = tpu.vector_load %arg16[%get3A_250, %get3A_251] {strides = array<i32>} : memref<128x128xbf16, #tpu.memory_space<vmem>>, vector<2x16xbf16>,
        %get3A_253 = vector.shape_cast %get3A_252 : vector<2x16xbf16> to vector<2x16xbf16>
        %convert_element_type3A_254 = arith.extf %get3A_253 : vector<2x16xbf16> to vector<2x16xf32>
        %get3A_255 = arith.index_cast %multiple_of3A : i32 to index
        %get3A_256 = arith.constant 16 : index
        %get3A_257 = tpu.vector_load %arg18[%get3A_255, %get3A_256] {strides = array<i32>} : memref<128x128xf32, #tpu.memory_space<vmem>>, vector<2x16xf32>,
        %get3A_258 = vector.shape_cast %get3A_257 : vector<2x16xf32> to vector<2x16xf32>
        %add3A_259 = arith.addf %convert_element_type3A_254, %get3A_258 : vector<2x16xf32>
        %max3A_260 = arith.constant 0.000000e+00 : f32
        %max3A_261 = vector.broadcast %max3A_260 : f32 to vector<2x16xf32>
        %max3A_262 = arith.maximumf %add3A_259, %max3A_261 : vector<2x16xf32>
        %swap3A_263 = arith.index_cast %multiple_of3A : i32 to index
        %swap3A_264 = arith.constant 16 : index
        %swap3A_265 = tpu.vector_load %arg18[%swap3A_263, %swap3A_264] {strides = array<i32>} : memref<128x128xf32, #tpu.memory_space<vmem>>, vector<2x16xf32>,
        %swap3A_266 = vector.shape_cast %swap3A_265 : vector<2x16xf32> to vector<2x16xf32>
        %swap3A_267 = vector.shape_cast %max3A_262 : vector<2x16xf32> to vector<2x16xf32>
        tpu.vector_store %arg18[%swap3A_263, %swap3A_264], %swap3A_267 {strides = array<i32>} : memref<128x128xf32, #tpu.memory_space<vmem>>, vector<2x16xf32>,
        %get3A_268 = arith.index_cast %multiple_of3A : i32 to index
        %get3A_269 = arith.constant 32 : index
        %get3A_270 = tpu.vector_load %arg16[%get3A_268, %get3A_269] {strides = array<i32>} : memref<128x128xbf16, #tpu.memory_space<vmem>>, vector<2x16xbf16>,
        %get3A_271 = vector.shape_cast %get3A_270 : vector<2x16xbf16> to vector<2x16xbf16>
        %convert_element_type3A_272 = arith.extf %get3A_271 : vector<2x16xbf16> to vector<2x16xf32>
        %get3A_273 = arith.index_cast %multiple_of3A : i32 to index
        %get3A_274 = arith.constant 32 : index
        %get3A_275 = tpu.vector_load %arg18[%get3A_273, %get3A_274] {strides = array<i32>} : memref<128x128xf32, #tpu.memory_space<vmem>>, vector<2x16xf32>,
        %get3A_276 = vector.shape_cast %get3A_275 : vector<2x16xf32> to vector<2x16xf32>
        %add3A_277 = arith.addf %convert_element_type3A_272, %get3A_276 : vector<2x16xf32>
        %max3A_278 = arith.constant 0.000000e+00 : f32
        %max3A_279 = vector.broadcast %max3A_278 : f32 to vector<2x16xf32>
        %max3A_280 = arith.maximumf %add3A_277, %max3A_279 : vector<2x16xf32>
        %swap3A_281 = arith.index_cast %multiple_of3A : i32 to index
        %swap3A_282 = arith.constant 32 : index
        %swap3A_283 = tpu.vector_load %arg18[%swap3A_281, %swap3A_282] {strides = array<i32>} : memref<128x128xf32, #tpu.memory_space<vmem>>, vector<2x16xf32>,
        %swap3A_284 = vector.shape_cast %swap3A_283 : vector<2x16xf32> to vector<2x16xf32>
        %swap3A_285 = vector.shape_cast %max3A_280 : vector<2x16xf32> to vector<2x16xf32>
        tpu.vector_store %arg18[%swap3A_281, %swap3A_282], %swap3A_285 {strides = array<i32>} : memref<128x128xf32, #tpu.memory_space<vmem>>, vector<2x16xf32>,
        %get3A_286 = arith.index_cast %multiple_of3A : i32 to index
        %get3A_287 = arith.constant 48 : index
        %get3A_288 = tpu.vector_load %arg16[%get3A_286, %get3A_287] {strides = array<i32>} : memref<128x128xbf16, #tpu.memory_space<vmem>>, vector<2x16xbf16>,
        %get3A_289 = vector.shape_cast %get3A_288 : vector<2x16xbf16> to vector<2x16xbf16>
        %convert_element_type3A_290 = arith.extf %get3A_289 : vector<2x16xbf16> to vector<2x16xf32>
        %get3A_291 = arith.index_cast %multiple_of3A : i32 to index
        %get3A_292 = arith.constant 48 : index
        %get3A_293 = tpu.vector_load %arg18[%get3A_291, %get3A_292] {strides = array<i32>} : memref<128x128xf32, #tpu.memory_space<vmem>>, vector<2x16xf32>,
        %get3A_294 = vector.shape_cast %get3A_293 : vector<2x16xf32> to vector<2x16xf32>
        %add3A_295 = arith.addf %convert_element_type3A_290, %get3A_294 : vector<2x16xf32>
        %max3A_296 = arith.constant 0.000000e+00 : f32
        %max3A_297 = vector.broadcast %max3A_296 : f32 to vector<2x16xf32>
        %max3A_298 = arith.maximumf %add3A_295, %max3A_297 : vector<2x16xf32>
        %swap3A_299 = arith.index_cast %multiple_of3A : i32 to index
        %swap3A_300 = arith.constant 48 : index
        %swap3A_301 = tpu.vector_load %arg18[%swap3A_299, %swap3A_300] {strides = array<i32>} : memref<128x128xf32, #tpu.memory_space<vmem>>, vector<2x16xf32>,
        %swap3A_302 = vector.shape_cast %swap3A_301 : vector<2x16xf32> to vector<2x16xf32>
        %swap3A_303 = vector.shape_cast %max3A_298 : vector<2x16xf32> to vector<2x16xf32>
        tpu.vector_store %arg18[%swap3A_299, %swap3A_300], %swap3A_303 {strides = array<i32>} : memref<128x128xf32, #tpu.memory_space<vmem>>, vector<2x16xf32>,
        %get3A_304 = arith.index_cast %multiple_of3A : i32 to index
        %get3A_305 = arith.constant 64 : index
        %get3A_306 = tpu.vector_load %arg16[%get3A_304, %get3A_305] {strides = array<i32>} : memref<128x128xbf16, #tpu.memory_space<vmem>>, vector<2x16xbf16>,
        %get3A_307 = vector.shape_cast %get3A_306 : vector<2x16xbf16> to vector<2x16xbf16>
        %convert_element_type3A_308 = arith.extf %get3A_307 : vector<2x16xbf16> to vector<2x16xf32>
        %get3A_309 = arith.index_cast %multiple_of3A : i32 to index
        %get3A_310 = arith.constant 64 : index
        %get3A_311 = tpu.vector_load %arg18[%get3A_309, %get3A_310] {strides = array<i32>} : memref<128x128xf32, #tpu.memory_space<vmem>>, vector<2x16xf32>,
        %get3A_312 = vector.shape_cast %get3A_311 : vector<2x16xf32> to vector<2x16xf32>
        %add3A_313 = arith.addf %convert_element_type3A_308, %get3A_312 : vector<2x16xf32>
        %max3A_314 = arith.constant 0.000000e+00 : f32
        %max3A_315 = vector.broadcast %max3A_314 : f32 to vector<2x16xf32>
        %max3A_316 = arith.maximumf %add3A_313, %max3A_315 : vector<2x16xf32>
        %swap3A_317 = arith.index_cast %multiple_of3A : i32 to index
        %swap3A_318 = arith.constant 64 : index
        %swap3A_319 = tpu.vector_load %arg18[%swap3A_317, %swap3A_318] {strides = array<i32>} : memref<128x128xf32, #tpu.memory_space<vmem>>, vector<2x16xf32>,
        %swap3A_320 = vector.shape_cast %swap3A_319 : vector<2x16xf32> to vector<2x16xf32>
        %swap3A_321 = vector.shape_cast %max3A_316 : vector<2x16xf32> to vector<2x16xf32>
        tpu.vector_store %arg18[%swap3A_317, %swap3A_318], %swap3A_321 {strides = array<i32>} : memref<128x128xf32, #tpu.memory_space<vmem>>, vector<2x16xf32>,
        %get3A_322 = arith.index_cast %multiple_of3A : i32 to index
        %get3A_323 = arith.constant 80 : index
        %get3A_324 = tpu.vector_load %arg16[%get3A_322, %get3A_323] {strides = array<i32>} : memref<128x128xbf16, #tpu.memory_space<vmem>>, vector<2x16xbf16>,
        %get3A_325 = vector.shape_cast %get3A_324 : vector<2x16xbf16> to vector<2x16xbf16>
        %convert_element_type3A_326 = arith.extf %get3A_325 : vector<2x16xbf16> to vector<2x16xf32>
        %get3A_327 = arith.index_cast %multiple_of3A : i32 to index
        %get3A_328 = arith.constant 80 : index
        %get3A_329 = tpu.vector_load %arg18[%get3A_327, %get3A_328] {strides = array<i32>} : memref<128x128xf32, #tpu.memory_space<vmem>>, vector<2x16xf32>,
        %get3A_330 = vector.shape_cast %get3A_329 : vector<2x16xf32> to vector<2x16xf32>
        %add3A_331 = arith.addf %convert_element_type3A_326, %get3A_330 : vector<2x16xf32>
        %max3A_332 = arith.constant 0.000000e+00 : f32
        %max3A_333 = vector.broadcast %max3A_332 : f32 to vector<2x16xf32>
        %max3A_334 = arith.maximumf %add3A_331, %max3A_333 : vector<2x16xf32>
        %swap3A_335 = arith.index_cast %multiple_of3A : i32 to index
        %swap3A_336 = arith.constant 80 : index
        %swap3A_337 = tpu.vector_load %arg18[%swap3A_335, %swap3A_336] {strides = array<i32>} : memref<128x128xf32, #tpu.memory_space<vmem>>, vector<2x16xf32>,
        %swap3A_338 = vector.shape_cast %swap3A_337 : vector<2x16xf32> to vector<2x16xf32>
        %swap3A_339 = vector.shape_cast %max3A_334 : vector<2x16xf32> to vector<2x16xf32>
        tpu.vector_store %arg18[%swap3A_335, %swap3A_336], %swap3A_339 {strides = array<i32>} : memref<128x128xf32, #tpu.memory_space<vmem>>, vector<2x16xf32>,
        %get3A_340 = arith.index_cast %multiple_of3A : i32 to index
        %get3A_341 = arith.constant 96 : index
        %get3A_342 = tpu.vector_load %arg16[%get3A_340, %get3A_341] {strides = array<i32>} : memref<128x128xbf16, #tpu.memory_space<vmem>>, vector<2x16xbf16>,
        %get3A_343 = vector.shape_cast %get3A_342 : vector<2x16xbf16> to vector<2x16xbf16>
        %convert_element_type3A_344 = arith.extf %get3A_343 : vector<2x16xbf16> to vector<2x16xf32>
        %get3A_345 = arith.index_cast %multiple_of3A : i32 to index
        %get3A_346 = arith.constant 96 : index
        %get3A_347 = tpu.vector_load %arg18[%get3A_345, %get3A_346] {strides = array<i32>} : memref<128x128xf32, #tpu.memory_space<vmem>>, vector<2x16xf32>,
        %get3A_348 = vector.shape_cast %get3A_347 : vector<2x16xf32> to vector<2x16xf32>
        %add3A_349 = arith.addf %convert_element_type3A_344, %get3A_348 : vector<2x16xf32>
        %max3A_350 = arith.constant 0.000000e+00 : f32
        %max3A_351 = vector.broadcast %max3A_350 : f32 to vector<2x16xf32>
        %max3A_352 = arith.maximumf %add3A_349, %max3A_351 : vector<2x16xf32>
        %swap3A_353 = arith.index_cast %multiple_of3A : i32 to index
        %swap3A_354 = arith.constant 96 : index
        %swap3A_355 = tpu.vector_load %arg18[%swap3A_353, %swap3A_354] {strides = array<i32>} : memref<128x128xf32, #tpu.memory_space<vmem>>, vector<2x16xf32>,
        %swap3A_356 = vector.shape_cast %swap3A_355 : vector<2x16xf32> to vector<2x16xf32>
        %swap3A_357 = vector.shape_cast %max3A_352 : vector<2x16xf32> to vector<2x16xf32>
        tpu.vector_store %arg18[%swap3A_353, %swap3A_354], %swap3A_357 {strides = array<i32>} : memref<128x128xf32, #tpu.memory_space<vmem>>, vector<2x16xf32>,
        %get3A_358 = arith.index_cast %multiple_of3A : i32 to index
        %get3A_359 = arith.constant 112 : index
        %get3A_360 = tpu.vector_load %arg16[%get3A_358, %get3A_359] {strides = array<i32>} : memref<128x128xbf16, #tpu.memory_space<vmem>>, vector<2x16xbf16>,
        %get3A_361 = vector.shape_cast %get3A_360 : vector<2x16xbf16> to vector<2x16xbf16>
        %convert_element_type3A_362 = arith.extf %get3A_361 : vector<2x16xbf16> to vector<2x16xf32>
        %get3A_363 = arith.index_cast %multiple_of3A : i32 to index
        %get3A_364 = arith.constant 112 : index
        %get3A_365 = tpu.vector_load %arg18[%get3A_363, %get3A_364] {strides = array<i32>} : memref<128x128xf32, #tpu.memory_space<vmem>>, vector<2x16xf32>,
        %get3A_366 = vector.shape_cast %get3A_365 : vector<2x16xf32> to vector<2x16xf32>
        %add3A_367 = arith.addf %convert_element_type3A_362, %get3A_366 : vector<2x16xf32>
        %max3A_368 = arith.constant 0.000000e+00 : f32
        %max3A_369 = vector.broadcast %max3A_368 : f32 to vector<2x16xf32>
        %max3A_370 = arith.maximumf %add3A_367, %max3A_369 : vector<2x16xf32>
        %swap3A_371 = arith.index_cast %multiple_of3A : i32 to index
        %swap3A_372 = arith.constant 112 : index
        %swap3A_373 = tpu.vector_load %arg18[%swap3A_371, %swap3A_372] {strides = array<i32>} : memref<128x128xf32, #tpu.memory_space<vmem>>, vector<2x16xf32>,
        %swap3A_374 = vector.shape_cast %swap3A_373 : vector<2x16xf32> to vector<2x16xf32>
        %swap3A_375 = vector.shape_cast %max3A_370 : vector<2x16xf32> to vector<2x16xf32>
        tpu.vector_store %arg18[%swap3A_371, %swap3A_372], %swap3A_375 {strides = array<i32>} : memref<128x128xf32, #tpu.memory_space<vmem>>, vector<2x16xf32>,
      }
      %scan3A_198 = arith.constant 64 : i32
      "tpu.region"() ({
        %run_scoped3A = tpu.sem_alloc : memref<!tpu.dma_semaphore, #tpu.memory_space<semaphore_mem>>
        %dma_start3A_232 = arith.constant 0 : i32
        %dma_start3A_233 = arith.constant 0 : i32
        %dma_start3A_234 = tpu.memref_slice %arg20[%dma_start3A_232, %dma_start3A_233] : memref<10000x128xf32, #tpu.memory_space<vmem_shared>> -> memref<10000x128xf32, #tpu.memory_space<vmem_shared>>
        tpu.enqueue_indirect_dma source(%arg18 : memref<128x128xf32, #tpu.memory_space<vmem>>) target(%dma_start3A_234 : memref<10000x128xf32, #tpu.memory_space<vmem_shared>>) offsets(%arg14 : memref<128xi32, #tpu.memory_space<vmem>>) semaphore(%run_scoped3A : memref<!tpu.dma_semaphore, #tpu.memory_space<semaphore_mem>>) {add = true}
        %dma_wait3A_235 = arith.constant 0 : i32
        %dma_wait3A_236 = arith.constant 0 : i32
        %dma_wait3A_237 = tpu.memref_slice %arg20[%dma_wait3A_235, %dma_wait3A_236] : memref<10000x128xf32, #tpu.memory_space<vmem_shared>> -> memref<10000x128xf32, #tpu.memory_space<vmem_shared>>
        tpu.wait_indirect_dma semaphore(%run_scoped3A : memref<!tpu.dma_semaphore, #tpu.memory_space<semaphore_mem>>) src(%arg18 : memref<128x128xf32, #tpu.memory_space<vmem>>) dst(%dma_wait3A_237 : memref<10000x128xf32, #tpu.memory_space<vmem_shared>>)
        tpu.yield
      }) : () -> ()
      %mul3A_199 = arith.constant 4 : i32
      %mul3A_200 = arith.muli %mul3A_199, %scan3A_99 : i32
      %add3A_201 = arith.constant 3 : i32
      %add3A_202 = arith.addi %mul3A_200, %add3A_201 : i32
      %dma_wait3A_203 = arith.constant 0 : i32
      %dma_wait3A_204 = arith.constant 0 : i32
      %dma_wait3A_205 = tpu.memref_slice %arg3[%dma_wait3A_203, %dma_wait3A_204] : memref<320000x128xbf16, #tpu.memory_space<hbm>> -> memref<128x128xbf16, #tpu.memory_space<hbm>>
      %dma_wait3A_206 = arith.constant 0 : i32
      %dma_wait3A_207 = arith.constant 0 : i32
      %dma_wait3A_208 = tpu.memref_slice %arg3[%dma_wait3A_206, %dma_wait3A_207] : memref<320000x128xbf16, #tpu.memory_space<hbm>> -> memref<128x128xbf16, #tpu.memory_space<hbm>>
      tpu.wait_dma2 semaphore(%arg26 : memref<!tpu.dma_semaphore, #tpu.memory_space<semaphore_mem>>) src(%dma_wait3A_208 : memref<128x128xbf16, #tpu.memory_space<hbm>>) dst(%arg17 : memref<128x128xbf16, #tpu.memory_space<vmem>>)
      %dma_wait3A_209 = arith.constant 0 : i32
      %dma_wait3A_210 = arith.constant 0 : i32
      %dma_wait3A_211 = tpu.memref_slice %arg2[%dma_wait3A_209, %dma_wait3A_210] : memref<10000x128xf32, #tpu.memory_space<hbm>> -> memref<10000x128xf32, #tpu.memory_space<hbm>>
      tpu.wait_indirect_dma semaphore(%arg28 : memref<!tpu.dma_semaphore, #tpu.memory_space<semaphore_mem>>) src(%dma_wait3A_211 : memref<10000x128xf32, #tpu.memory_space<hbm>>) dst(%arg19 : memref<128x128xf32, #tpu.memory_space<vmem>>)
      %add3A_212 = arith.constant 2 : i32
      %add3A_213 = arith.addi %add3A_202, %add3A_212 : i32
      %lt3A_214 = arith.constant 78 : i32
      %lt3A_215 = arith.cmpi slt, %add3A_213, %lt3A_214 : i32
      %convert_element_type3A_216 = arith.extui %lt3A_215 : i1 to i32
      %cond3A_217 = arith.constant 0 : i32
      %cond3A_218 = arith.cmpi ne, %convert_element_type3A_216, %cond3A_217 : i32
      scf.if %cond3A_218 {
        %add3A_232 = arith.constant 2 : i32
        %add3A_233 = arith.addi %add3A_202, %add3A_232 : i32
        %mul3A_234 = arith.constant 128 : i32
        %mul3A_235 = arith.muli %add3A_233, %mul3A_234 : i32
        %add3A_236 = arith.addi %mul3A_2, %mul3A_235 : i32
        %dma_start3A_237 = tpu.memref_slice %arg4[%add3A_236] : memref<320000xi32, #tpu.memory_space<hbm>> -> memref<128xi32, #tpu.memory_space<hbm>>
        %dma_start3A_238 = tpu.memref_slice %arg4[%add3A_236] : memref<320000xi32, #tpu.memory_space<hbm>> -> memref<128xi32, #tpu.memory_space<hbm>>
        tpu.enqueue_dma source(%dma_start3A_238 : memref<128xi32, #tpu.memory_space<hbm>>) target(%arg9 : memref<128xi32, #tpu.memory_space<vmem>>) target_semaphore(%arg22 : memref<!tpu.dma_semaphore, #tpu.memory_space<semaphore_mem>>)
        %dma_start3A_239 = tpu.memref_slice %arg5[%add3A_236] : memref<320000xi32, #tpu.memory_space<hbm>> -> memref<128xi32, #tpu.memory_space<hbm>>
        %dma_start3A_240 = tpu.memref_slice %arg5[%add3A_236] : memref<320000xi32, #tpu.memory_space<hbm>> -> memref<128xi32, #tpu.memory_space<hbm>>
        tpu.enqueue_dma source(%dma_start3A_240 : memref<128xi32, #tpu.memory_space<hbm>>) target(%arg13 : memref<128xi32, #tpu.memory_space<vmem>>) target_semaphore(%arg22 : memref<!tpu.dma_semaphore, #tpu.memory_space<semaphore_mem>>)
      } else {
      }
      %add3A_219 = arith.constant 1 : i32
      %add3A_220 = arith.addi %add3A_202, %add3A_219 : i32
      %lt3A_221 = arith.constant 78 : i32
      %lt3A_222 = arith.cmpi slt, %add3A_220, %lt3A_221 : i32
      %convert_element_type3A_223 = arith.extui %lt3A_222 : i1 to i32
      %cond3A_224 = arith.constant 0 : i32
      %cond3A_225 = arith.cmpi ne, %convert_element_type3A_223, %cond3A_224 : i32
      scf.if %cond3A_225 {
        %dma_wait3A_232 = arith.constant 0 : i32
        %dma_wait3A_233 = tpu.memref_slice %arg4[%dma_wait3A_232] : memref<320000xi32, #tpu.memory_space<hbm>> -> memref<128xi32, #tpu.memory_space<hbm>>
        %dma_wait3A_234 = arith.constant 0 : i32
        %dma_wait3A_235 = tpu.memref_slice %arg4[%dma_wait3A_234] : memref<320000xi32, #tpu.memory_space<hbm>> -> memref<128xi32, #tpu.memory_space<hbm>>
        tpu.wait_dma2 semaphore(%arg21 : memref<!tpu.dma_semaphore, #tpu.memory_space<semaphore_mem>>) src(%dma_wait3A_235 : memref<128xi32, #tpu.memory_space<hbm>>) dst(%arg8 : memref<128xi32, #tpu.memory_space<vmem>>)
        %dma_wait3A_236 = arith.constant 0 : i32
        %dma_wait3A_237 = tpu.memref_slice %arg5[%dma_wait3A_236] : memref<320000xi32, #tpu.memory_space<hbm>> -> memref<128xi32, #tpu.memory_space<hbm>>
        %dma_wait3A_238 = arith.constant 0 : i32
        %dma_wait3A_239 = tpu.memref_slice %arg5[%dma_wait3A_238] : memref<320000xi32, #tpu.memory_space<hbm>> -> memref<128xi32, #tpu.memory_space<hbm>>
        tpu.wait_dma2 semaphore(%arg21 : memref<!tpu.dma_semaphore, #tpu.memory_space<semaphore_mem>>) src(%dma_wait3A_239 : memref<128xi32, #tpu.memory_space<hbm>>) dst(%arg12 : memref<128xi32, #tpu.memory_space<vmem>>)
        %add3A_240 = arith.constant 1 : i32
        %add3A_241 = arith.addi %add3A_202, %add3A_240 : i32
        %mul3A_242 = arith.constant 128 : i32
        %mul3A_243 = arith.muli %add3A_241, %mul3A_242 : i32
        %add3A_244 = arith.addi %mul3A_2, %mul3A_243 : i32
        %dma_start3A_245 = arith.constant 0 : i32
        %dma_start3A_246 = tpu.memref_slice %arg3[%add3A_244, %dma_start3A_245] : memref<320000x128xbf16, #tpu.memory_space<hbm>> -> memref<128x128xbf16, #tpu.memory_space<hbm>>
        %dma_start3A_247 = arith.constant 0 : i32
        %dma_start3A_248 = tpu.memref_slice %arg3[%add3A_244, %dma_start3A_247] : memref<320000x128xbf16, #tpu.memory_space<hbm>> -> memref<128x128xbf16, #tpu.memory_space<hbm>>
        tpu.enqueue_dma source(%dma_start3A_248 : memref<128x128xbf16, #tpu.memory_space<hbm>>) target(%arg16 : memref<128x128xbf16, #tpu.memory_space<vmem>>) target_semaphore(%arg25 : memref<!tpu.dma_semaphore, #tpu.memory_space<semaphore_mem>>)
        %dma_start3A_249 = arith.constant 0 : i32
        %dma_start3A_250 = arith.constant 0 : i32
        %dma_start3A_251 = tpu.memref_slice %arg2[%dma_start3A_249, %dma_start3A_250] : memref<10000x128xf32, #tpu.memory_space<hbm>> -> memref<10000x128xf32, #tpu.memory_space<hbm>>
        tpu.enqueue_indirect_dma source(%dma_start3A_251 : memref<10000x128xf32, #tpu.memory_space<hbm>>) target(%arg18 : memref<128x128xf32, #tpu.memory_space<vmem>>) offsets(%arg8 : memref<128xi32, #tpu.memory_space<vmem>>) semaphore(%arg27 : memref<!tpu.dma_semaphore, #tpu.memory_space<semaphore_mem>>)
      } else {
      }
      %scan3A_226 = arith.constant 0 : i32
      %scan3A_227 = arith.constant 0 : i32
      %scan3A_228 = arith.constant 64 : i32
      %scan3A_229 = arith.addi %scan3A_227, %scan3A_228 : i32
      %scan3A_230 = arith.constant 1 : i32
      scf.for %scan3A_232 = %scan3A_227 to %scan3A_229 step %scan3A_230  : i32 {
        %mul3A_233 = arith.constant 2 : i32
        %mul3A_234 = arith.muli %scan3A_232, %mul3A_233 : i32
        %multiple_of3A = tpu.assume_multiple %mul3A_234, 2 : i32
        %get3A = arith.index_cast %multiple_of3A : i32 to index
        %get3A_235 = arith.constant 0 : index
        %get3A_236 = tpu.vector_load %arg17[%get3A, %get3A_235] {strides = array<i32>} : memref<128x128xbf16, #tpu.memory_space<vmem>>, vector<2x16xbf16>,
        %get3A_237 = vector.shape_cast %get3A_236 : vector<2x16xbf16> to vector<2x16xbf16>
        %convert_element_type3A_238 = arith.extf %get3A_237 : vector<2x16xbf16> to vector<2x16xf32>
        %get3A_239 = arith.index_cast %multiple_of3A : i32 to index
        %get3A_240 = arith.constant 0 : index
        %get3A_241 = tpu.vector_load %arg19[%get3A_239, %get3A_240] {strides = array<i32>} : memref<128x128xf32, #tpu.memory_space<vmem>>, vector<2x16xf32>,
        %get3A_242 = vector.shape_cast %get3A_241 : vector<2x16xf32> to vector<2x16xf32>
        %add3A_243 = arith.addf %convert_element_type3A_238, %get3A_242 : vector<2x16xf32>
        %max3A = arith.constant 0.000000e+00 : f32
        %max3A_244 = vector.broadcast %max3A : f32 to vector<2x16xf32>
        %max3A_245 = arith.maximumf %add3A_243, %max3A_244 : vector<2x16xf32>
        %swap3A = arith.index_cast %multiple_of3A : i32 to index
        %swap3A_246 = arith.constant 0 : index
        %swap3A_247 = tpu.vector_load %arg19[%swap3A, %swap3A_246] {strides = array<i32>} : memref<128x128xf32, #tpu.memory_space<vmem>>, vector<2x16xf32>,
        %swap3A_248 = vector.shape_cast %swap3A_247 : vector<2x16xf32> to vector<2x16xf32>
        %swap3A_249 = vector.shape_cast %max3A_245 : vector<2x16xf32> to vector<2x16xf32>
        tpu.vector_store %arg19[%swap3A, %swap3A_246], %swap3A_249 {strides = array<i32>} : memref<128x128xf32, #tpu.memory_space<vmem>>, vector<2x16xf32>,
        %get3A_250 = arith.index_cast %multiple_of3A : i32 to index
        %get3A_251 = arith.constant 16 : index
        %get3A_252 = tpu.vector_load %arg17[%get3A_250, %get3A_251] {strides = array<i32>} : memref<128x128xbf16, #tpu.memory_space<vmem>>, vector<2x16xbf16>,
        %get3A_253 = vector.shape_cast %get3A_252 : vector<2x16xbf16> to vector<2x16xbf16>
        %convert_element_type3A_254 = arith.extf %get3A_253 : vector<2x16xbf16> to vector<2x16xf32>
        %get3A_255 = arith.index_cast %multiple_of3A : i32 to index
        %get3A_256 = arith.constant 16 : index
        %get3A_257 = tpu.vector_load %arg19[%get3A_255, %get3A_256] {strides = array<i32>} : memref<128x128xf32, #tpu.memory_space<vmem>>, vector<2x16xf32>,
        %get3A_258 = vector.shape_cast %get3A_257 : vector<2x16xf32> to vector<2x16xf32>
        %add3A_259 = arith.addf %convert_element_type3A_254, %get3A_258 : vector<2x16xf32>
        %max3A_260 = arith.constant 0.000000e+00 : f32
        %max3A_261 = vector.broadcast %max3A_260 : f32 to vector<2x16xf32>
        %max3A_262 = arith.maximumf %add3A_259, %max3A_261 : vector<2x16xf32>
        %swap3A_263 = arith.index_cast %multiple_of3A : i32 to index
        %swap3A_264 = arith.constant 16 : index
        %swap3A_265 = tpu.vector_load %arg19[%swap3A_263, %swap3A_264] {strides = array<i32>} : memref<128x128xf32, #tpu.memory_space<vmem>>, vector<2x16xf32>,
        %swap3A_266 = vector.shape_cast %swap3A_265 : vector<2x16xf32> to vector<2x16xf32>
        %swap3A_267 = vector.shape_cast %max3A_262 : vector<2x16xf32> to vector<2x16xf32>
        tpu.vector_store %arg19[%swap3A_263, %swap3A_264], %swap3A_267 {strides = array<i32>} : memref<128x128xf32, #tpu.memory_space<vmem>>, vector<2x16xf32>,
        %get3A_268 = arith.index_cast %multiple_of3A : i32 to index
        %get3A_269 = arith.constant 32 : index
        %get3A_270 = tpu.vector_load %arg17[%get3A_268, %get3A_269] {strides = array<i32>} : memref<128x128xbf16, #tpu.memory_space<vmem>>, vector<2x16xbf16>,
        %get3A_271 = vector.shape_cast %get3A_270 : vector<2x16xbf16> to vector<2x16xbf16>
        %convert_element_type3A_272 = arith.extf %get3A_271 : vector<2x16xbf16> to vector<2x16xf32>
        %get3A_273 = arith.index_cast %multiple_of3A : i32 to index
        %get3A_274 = arith.constant 32 : index
        %get3A_275 = tpu.vector_load %arg19[%get3A_273, %get3A_274] {strides = array<i32>} : memref<128x128xf32, #tpu.memory_space<vmem>>, vector<2x16xf32>,
        %get3A_276 = vector.shape_cast %get3A_275 : vector<2x16xf32> to vector<2x16xf32>
        %add3A_277 = arith.addf %convert_element_type3A_272, %get3A_276 : vector<2x16xf32>
        %max3A_278 = arith.constant 0.000000e+00 : f32
        %max3A_279 = vector.broadcast %max3A_278 : f32 to vector<2x16xf32>
        %max3A_280 = arith.maximumf %add3A_277, %max3A_279 : vector<2x16xf32>
        %swap3A_281 = arith.index_cast %multiple_of3A : i32 to index
        %swap3A_282 = arith.constant 32 : index
        %swap3A_283 = tpu.vector_load %arg19[%swap3A_281, %swap3A_282] {strides = array<i32>} : memref<128x128xf32, #tpu.memory_space<vmem>>, vector<2x16xf32>,
        %swap3A_284 = vector.shape_cast %swap3A_283 : vector<2x16xf32> to vector<2x16xf32>
        %swap3A_285 = vector.shape_cast %max3A_280 : vector<2x16xf32> to vector<2x16xf32>
        tpu.vector_store %arg19[%swap3A_281, %swap3A_282], %swap3A_285 {strides = array<i32>} : memref<128x128xf32, #tpu.memory_space<vmem>>, vector<2x16xf32>,
        %get3A_286 = arith.index_cast %multiple_of3A : i32 to index
        %get3A_287 = arith.constant 48 : index
        %get3A_288 = tpu.vector_load %arg17[%get3A_286, %get3A_287] {strides = array<i32>} : memref<128x128xbf16, #tpu.memory_space<vmem>>, vector<2x16xbf16>,
        %get3A_289 = vector.shape_cast %get3A_288 : vector<2x16xbf16> to vector<2x16xbf16>
        %convert_element_type3A_290 = arith.extf %get3A_289 : vector<2x16xbf16> to vector<2x16xf32>
        %get3A_291 = arith.index_cast %multiple_of3A : i32 to index
        %get3A_292 = arith.constant 48 : index
        %get3A_293 = tpu.vector_load %arg19[%get3A_291, %get3A_292] {strides = array<i32>} : memref<128x128xf32, #tpu.memory_space<vmem>>, vector<2x16xf32>,
        %get3A_294 = vector.shape_cast %get3A_293 : vector<2x16xf32> to vector<2x16xf32>
        %add3A_295 = arith.addf %convert_element_type3A_290, %get3A_294 : vector<2x16xf32>
        %max3A_296 = arith.constant 0.000000e+00 : f32
        %max3A_297 = vector.broadcast %max3A_296 : f32 to vector<2x16xf32>
        %max3A_298 = arith.maximumf %add3A_295, %max3A_297 : vector<2x16xf32>
        %swap3A_299 = arith.index_cast %multiple_of3A : i32 to index
        %swap3A_300 = arith.constant 48 : index
        %swap3A_301 = tpu.vector_load %arg19[%swap3A_299, %swap3A_300] {strides = array<i32>} : memref<128x128xf32, #tpu.memory_space<vmem>>, vector<2x16xf32>,
        %swap3A_302 = vector.shape_cast %swap3A_301 : vector<2x16xf32> to vector<2x16xf32>
        %swap3A_303 = vector.shape_cast %max3A_298 : vector<2x16xf32> to vector<2x16xf32>
        tpu.vector_store %arg19[%swap3A_299, %swap3A_300], %swap3A_303 {strides = array<i32>} : memref<128x128xf32, #tpu.memory_space<vmem>>, vector<2x16xf32>,
        %get3A_304 = arith.index_cast %multiple_of3A : i32 to index
        %get3A_305 = arith.constant 64 : index
        %get3A_306 = tpu.vector_load %arg17[%get3A_304, %get3A_305] {strides = array<i32>} : memref<128x128xbf16, #tpu.memory_space<vmem>>, vector<2x16xbf16>,
        %get3A_307 = vector.shape_cast %get3A_306 : vector<2x16xbf16> to vector<2x16xbf16>
        %convert_element_type3A_308 = arith.extf %get3A_307 : vector<2x16xbf16> to vector<2x16xf32>
        %get3A_309 = arith.index_cast %multiple_of3A : i32 to index
        %get3A_310 = arith.constant 64 : index
        %get3A_311 = tpu.vector_load %arg19[%get3A_309, %get3A_310] {strides = array<i32>} : memref<128x128xf32, #tpu.memory_space<vmem>>, vector<2x16xf32>,
        %get3A_312 = vector.shape_cast %get3A_311 : vector<2x16xf32> to vector<2x16xf32>
        %add3A_313 = arith.addf %convert_element_type3A_308, %get3A_312 : vector<2x16xf32>
        %max3A_314 = arith.constant 0.000000e+00 : f32
        %max3A_315 = vector.broadcast %max3A_314 : f32 to vector<2x16xf32>
        %max3A_316 = arith.maximumf %add3A_313, %max3A_315 : vector<2x16xf32>
        %swap3A_317 = arith.index_cast %multiple_of3A : i32 to index
        %swap3A_318 = arith.constant 64 : index
        %swap3A_319 = tpu.vector_load %arg19[%swap3A_317, %swap3A_318] {strides = array<i32>} : memref<128x128xf32, #tpu.memory_space<vmem>>, vector<2x16xf32>,
        %swap3A_320 = vector.shape_cast %swap3A_319 : vector<2x16xf32> to vector<2x16xf32>
        %swap3A_321 = vector.shape_cast %max3A_316 : vector<2x16xf32> to vector<2x16xf32>
        tpu.vector_store %arg19[%swap3A_317, %swap3A_318], %swap3A_321 {strides = array<i32>} : memref<128x128xf32, #tpu.memory_space<vmem>>, vector<2x16xf32>,
        %get3A_322 = arith.index_cast %multiple_of3A : i32 to index
        %get3A_323 = arith.constant 80 : index
        %get3A_324 = tpu.vector_load %arg17[%get3A_322, %get3A_323] {strides = array<i32>} : memref<128x128xbf16, #tpu.memory_space<vmem>>, vector<2x16xbf16>,
        %get3A_325 = vector.shape_cast %get3A_324 : vector<2x16xbf16> to vector<2x16xbf16>
        %convert_element_type3A_326 = arith.extf %get3A_325 : vector<2x16xbf16> to vector<2x16xf32>
        %get3A_327 = arith.index_cast %multiple_of3A : i32 to index
        %get3A_328 = arith.constant 80 : index
        %get3A_329 = tpu.vector_load %arg19[%get3A_327, %get3A_328] {strides = array<i32>} : memref<128x128xf32, #tpu.memory_space<vmem>>, vector<2x16xf32>,
        %get3A_330 = vector.shape_cast %get3A_329 : vector<2x16xf32> to vector<2x16xf32>
        %add3A_331 = arith.addf %convert_element_type3A_326, %get3A_330 : vector<2x16xf32>
        %max3A_332 = arith.constant 0.000000e+00 : f32
        %max3A_333 = vector.broadcast %max3A_332 : f32 to vector<2x16xf32>
        %max3A_334 = arith.maximumf %add3A_331, %max3A_333 : vector<2x16xf32>
        %swap3A_335 = arith.index_cast %multiple_of3A : i32 to index
        %swap3A_336 = arith.constant 80 : index
        %swap3A_337 = tpu.vector_load %arg19[%swap3A_335, %swap3A_336] {strides = array<i32>} : memref<128x128xf32, #tpu.memory_space<vmem>>, vector<2x16xf32>,
        %swap3A_338 = vector.shape_cast %swap3A_337 : vector<2x16xf32> to vector<2x16xf32>
        %swap3A_339 = vector.shape_cast %max3A_334 : vector<2x16xf32> to vector<2x16xf32>
        tpu.vector_store %arg19[%swap3A_335, %swap3A_336], %swap3A_339 {strides = array<i32>} : memref<128x128xf32, #tpu.memory_space<vmem>>, vector<2x16xf32>,
        %get3A_340 = arith.index_cast %multiple_of3A : i32 to index
        %get3A_341 = arith.constant 96 : index
        %get3A_342 = tpu.vector_load %arg17[%get3A_340, %get3A_341] {strides = array<i32>} : memref<128x128xbf16, #tpu.memory_space<vmem>>, vector<2x16xbf16>,
        %get3A_343 = vector.shape_cast %get3A_342 : vector<2x16xbf16> to vector<2x16xbf16>
        %convert_element_type3A_344 = arith.extf %get3A_343 : vector<2x16xbf16> to vector<2x16xf32>
        %get3A_345 = arith.index_cast %multiple_of3A : i32 to index
        %get3A_346 = arith.constant 96 : index
        %get3A_347 = tpu.vector_load %arg19[%get3A_345, %get3A_346] {strides = array<i32>} : memref<128x128xf32, #tpu.memory_space<vmem>>, vector<2x16xf32>,
        %get3A_348 = vector.shape_cast %get3A_347 : vector<2x16xf32> to vector<2x16xf32>
        %add3A_349 = arith.addf %convert_element_type3A_344, %get3A_348 : vector<2x16xf32>
        %max3A_350 = arith.constant 0.000000e+00 : f32
        %max3A_351 = vector.broadcast %max3A_350 : f32 to vector<2x16xf32>
        %max3A_352 = arith.maximumf %add3A_349, %max3A_351 : vector<2x16xf32>
        %swap3A_353 = arith.index_cast %multiple_of3A : i32 to index
        %swap3A_354 = arith.constant 96 : index
        %swap3A_355 = tpu.vector_load %arg19[%swap3A_353, %swap3A_354] {strides = array<i32>} : memref<128x128xf32, #tpu.memory_space<vmem>>, vector<2x16xf32>,
        %swap3A_356 = vector.shape_cast %swap3A_355 : vector<2x16xf32> to vector<2x16xf32>
        %swap3A_357 = vector.shape_cast %max3A_352 : vector<2x16xf32> to vector<2x16xf32>
        tpu.vector_store %arg19[%swap3A_353, %swap3A_354], %swap3A_357 {strides = array<i32>} : memref<128x128xf32, #tpu.memory_space<vmem>>, vector<2x16xf32>,
        %get3A_358 = arith.index_cast %multiple_of3A : i32 to index
        %get3A_359 = arith.constant 112 : index
        %get3A_360 = tpu.vector_load %arg17[%get3A_358, %get3A_359] {strides = array<i32>} : memref<128x128xbf16, #tpu.memory_space<vmem>>, vector<2x16xbf16>,
        %get3A_361 = vector.shape_cast %get3A_360 : vector<2x16xbf16> to vector<2x16xbf16>
        %convert_element_type3A_362 = arith.extf %get3A_361 : vector<2x16xbf16> to vector<2x16xf32>
        %get3A_363 = arith.index_cast %multiple_of3A : i32 to index
        %get3A_364 = arith.constant 112 : index
        %get3A_365 = tpu.vector_load %arg19[%get3A_363, %get3A_364] {strides = array<i32>} : memref<128x128xf32, #tpu.memory_space<vmem>>, vector<2x16xf32>,
        %get3A_366 = vector.shape_cast %get3A_365 : vector<2x16xf32> to vector<2x16xf32>
        %add3A_367 = arith.addf %convert_element_type3A_362, %get3A_366 : vector<2x16xf32>
        %max3A_368 = arith.constant 0.000000e+00 : f32
        %max3A_369 = vector.broadcast %max3A_368 : f32 to vector<2x16xf32>
        %max3A_370 = arith.maximumf %add3A_367, %max3A_369 : vector<2x16xf32>
        %swap3A_371 = arith.index_cast %multiple_of3A : i32 to index
        %swap3A_372 = arith.constant 112 : index
        %swap3A_373 = tpu.vector_load %arg19[%swap3A_371, %swap3A_372] {strides = array<i32>} : memref<128x128xf32, #tpu.memory_space<vmem>>, vector<2x16xf32>,
        %swap3A_374 = vector.shape_cast %swap3A_373 : vector<2x16xf32> to vector<2x16xf32>
        %swap3A_375 = vector.shape_cast %max3A_370 : vector<2x16xf32> to vector<2x16xf32>
        tpu.vector_store %arg19[%swap3A_371, %swap3A_372], %swap3A_375 {strides = array<i32>} : memref<128x128xf32, #tpu.memory_space<vmem>>, vector<2x16xf32>,
      }
      %scan3A_231 = arith.constant 64 : i32
      "tpu.region"() ({
        %run_scoped3A = tpu.sem_alloc : memref<!tpu.dma_semaphore, #tpu.memory_space<semaphore_mem>>
        %dma_start3A_232 = arith.constant 0 : i32
        %dma_start3A_233 = arith.constant 0 : i32
        %dma_start3A_234 = tpu.memref_slice %arg20[%dma_start3A_232, %dma_start3A_233] : memref<10000x128xf32, #tpu.memory_space<vmem_shared>> -> memref<10000x128xf32, #tpu.memory_space<vmem_shared>>
        tpu.enqueue_indirect_dma source(%arg19 : memref<128x128xf32, #tpu.memory_space<vmem>>) target(%dma_start3A_234 : memref<10000x128xf32, #tpu.memory_space<vmem_shared>>) offsets(%arg15 : memref<128xi32, #tpu.memory_space<vmem>>) semaphore(%run_scoped3A : memref<!tpu.dma_semaphore, #tpu.memory_space<semaphore_mem>>) {add = true}
        %dma_wait3A_235 = arith.constant 0 : i32
        %dma_wait3A_236 = arith.constant 0 : i32
        %dma_wait3A_237 = tpu.memref_slice %arg20[%dma_wait3A_235, %dma_wait3A_236] : memref<10000x128xf32, #tpu.memory_space<vmem_shared>> -> memref<10000x128xf32, #tpu.memory_space<vmem_shared>>
        tpu.wait_indirect_dma semaphore(%run_scoped3A : memref<!tpu.dma_semaphore, #tpu.memory_space<semaphore_mem>>) src(%arg19 : memref<128x128xf32, #tpu.memory_space<vmem>>) dst(%dma_wait3A_237 : memref<10000x128xf32, #tpu.memory_space<vmem_shared>>)
        tpu.yield
      }) : () -> ()
    }
    %scan3A_34 = arith.constant 19 : i32
    %dma_wait3A_35 = arith.constant 0 : i32
    %dma_wait3A_36 = arith.constant 0 : i32
    %dma_wait3A_37 = tpu.memref_slice %arg3[%dma_wait3A_35, %dma_wait3A_36] : memref<320000x128xbf16, #tpu.memory_space<hbm>> -> memref<128x128xbf16, #tpu.memory_space<hbm>>
    %dma_wait3A_38 = arith.constant 0 : i32
    %dma_wait3A_39 = arith.constant 0 : i32
    %dma_wait3A_40 = tpu.memref_slice %arg3[%dma_wait3A_38, %dma_wait3A_39] : memref<320000x128xbf16, #tpu.memory_space<hbm>> -> memref<128x128xbf16, #tpu.memory_space<hbm>>
    tpu.wait_dma2 semaphore(%arg25 : memref<!tpu.dma_semaphore, #tpu.memory_space<semaphore_mem>>) src(%dma_wait3A_40 : memref<128x128xbf16, #tpu.memory_space<hbm>>) dst(%arg16 : memref<128x128xbf16, #tpu.memory_space<vmem>>)
    %dma_wait3A_41 = arith.constant 0 : i32
    %dma_wait3A_42 = arith.constant 0 : i32
    %dma_wait3A_43 = tpu.memref_slice %arg2[%dma_wait3A_41, %dma_wait3A_42] : memref<10000x128xf32, #tpu.memory_space<hbm>> -> memref<10000x128xf32, #tpu.memory_space<hbm>>
    tpu.wait_indirect_dma semaphore(%arg27 : memref<!tpu.dma_semaphore, #tpu.memory_space<semaphore_mem>>) src(%dma_wait3A_43 : memref<10000x128xf32, #tpu.memory_space<hbm>>) dst(%arg18 : memref<128x128xf32, #tpu.memory_space<vmem>>)
    %dma_wait3A_44 = arith.constant 0 : i32
    %dma_wait3A_45 = tpu.memref_slice %arg4[%dma_wait3A_44] : memref<320000xi32, #tpu.memory_space<hbm>> -> memref<128xi32, #tpu.memory_space<hbm>>
    %dma_wait3A_46 = arith.constant 0 : i32
    %dma_wait3A_47 = tpu.memref_slice %arg4[%dma_wait3A_46] : memref<320000xi32, #tpu.memory_space<hbm>> -> memref<128xi32, #tpu.memory_space<hbm>>
    tpu.wait_dma2 semaphore(%arg22 : memref<!tpu.dma_semaphore, #tpu.memory_space<semaphore_mem>>) src(%dma_wait3A_47 : memref<128xi32, #tpu.memory_space<hbm>>) dst(%arg9 : memref<128xi32, #tpu.memory_space<vmem>>)
    %dma_wait3A_48 = arith.constant 0 : i32
    %dma_wait3A_49 = tpu.memref_slice %arg5[%dma_wait3A_48] : memref<320000xi32, #tpu.memory_space<hbm>> -> memref<128xi32, #tpu.memory_space<hbm>>
    %dma_wait3A_50 = arith.constant 0 : i32
    %dma_wait3A_51 = tpu.memref_slice %arg5[%dma_wait3A_50] : memref<320000xi32, #tpu.memory_space<hbm>> -> memref<128xi32, #tpu.memory_space<hbm>>
    tpu.wait_dma2 semaphore(%arg22 : memref<!tpu.dma_semaphore, #tpu.memory_space<semaphore_mem>>) src(%dma_wait3A_51 : memref<128xi32, #tpu.memory_space<hbm>>) dst(%arg13 : memref<128xi32, #tpu.memory_space<vmem>>)
    %add3A_52 = arith.constant 9856 : i32
    %add3A_53 = arith.addi %mul3A_2, %add3A_52 : i32
    %dma_start3A_54 = arith.constant 0 : i32
    %dma_start3A_55 = tpu.memref_slice %arg3[%add3A_53, %dma_start3A_54] : memref<320000x128xbf16, #tpu.memory_space<hbm>> -> memref<128x128xbf16, #tpu.memory_space<hbm>>
    %dma_start3A_56 = arith.constant 0 : i32
    %dma_start3A_57 = tpu.memref_slice %arg3[%add3A_53, %dma_start3A_56] : memref<320000x128xbf16, #tpu.memory_space<hbm>> -> memref<128x128xbf16, #tpu.memory_space<hbm>>
    tpu.enqueue_dma source(%dma_start3A_57 : memref<128x128xbf16, #tpu.memory_space<hbm>>) target(%arg17 : memref<128x128xbf16, #tpu.memory_space<vmem>>) target_semaphore(%arg26 : memref<!tpu.dma_semaphore, #tpu.memory_space<semaphore_mem>>)
    %dma_start3A_58 = arith.constant 0 : i32
    %dma_start3A_59 = arith.constant 0 : i32
    %dma_start3A_60 = tpu.memref_slice %arg2[%dma_start3A_58, %dma_start3A_59] : memref<10000x128xf32, #tpu.memory_space<hbm>> -> memref<10000x128xf32, #tpu.memory_space<hbm>>
    tpu.enqueue_indirect_dma source(%dma_start3A_60 : memref<10000x128xf32, #tpu.memory_space<hbm>>) target(%arg19 : memref<128x128xf32, #tpu.memory_space<vmem>>) offsets(%arg9 : memref<128xi32, #tpu.memory_space<vmem>>) semaphore(%arg28 : memref<!tpu.dma_semaphore, #tpu.memory_space<semaphore_mem>>)
    %scan3A_61 = arith.constant 0 : i32
    %scan3A_62 = arith.constant 0 : i32
    %scan3A_63 = arith.constant 64 : i32
    %scan3A_64 = arith.addi %scan3A_62, %scan3A_63 : i32
    %scan3A_65 = arith.constant 1 : i32
    scf.for %scan3A_99 = %scan3A_62 to %scan3A_64 step %scan3A_65  : i32 {
      %mul3A_100 = arith.constant 2 : i32
      %mul3A_101 = arith.muli %scan3A_99, %mul3A_100 : i32
      %multiple_of3A = tpu.assume_multiple %mul3A_101, 2 : i32
      %get3A = arith.index_cast %multiple_of3A : i32 to index
      %get3A_102 = arith.constant 0 : index
      %get3A_103 = tpu.vector_load %arg16[%get3A, %get3A_102] {strides = array<i32>} : memref<128x128xbf16, #tpu.memory_space<vmem>>, vector<2x16xbf16>,
      %get3A_104 = vector.shape_cast %get3A_103 : vector<2x16xbf16> to vector<2x16xbf16>
      %convert_element_type3A_105 = arith.extf %get3A_104 : vector<2x16xbf16> to vector<2x16xf32>
      %get3A_106 = arith.index_cast %multiple_of3A : i32 to index
      %get3A_107 = arith.constant 0 : index
      %get3A_108 = tpu.vector_load %arg18[%get3A_106, %get3A_107] {strides = array<i32>} : memref<128x128xf32, #tpu.memory_space<vmem>>, vector<2x16xf32>,
      %get3A_109 = vector.shape_cast %get3A_108 : vector<2x16xf32> to vector<2x16xf32>
      %add3A_110 = arith.addf %convert_element_type3A_105, %get3A_109 : vector<2x16xf32>
      %max3A = arith.constant 0.000000e+00 : f32
      %max3A_111 = vector.broadcast %max3A : f32 to vector<2x16xf32>
      %max3A_112 = arith.maximumf %add3A_110, %max3A_111 : vector<2x16xf32>
      %swap3A = arith.index_cast %multiple_of3A : i32 to index
      %swap3A_113 = arith.constant 0 : index
      %swap3A_114 = tpu.vector_load %arg18[%swap3A, %swap3A_113] {strides = array<i32>} : memref<128x128xf32, #tpu.memory_space<vmem>>, vector<2x16xf32>,
      %swap3A_115 = vector.shape_cast %swap3A_114 : vector<2x16xf32> to vector<2x16xf32>
      %swap3A_116 = vector.shape_cast %max3A_112 : vector<2x16xf32> to vector<2x16xf32>
      tpu.vector_store %arg18[%swap3A, %swap3A_113], %swap3A_116 {strides = array<i32>} : memref<128x128xf32, #tpu.memory_space<vmem>>, vector<2x16xf32>,
      %get3A_117 = arith.index_cast %multiple_of3A : i32 to index
      %get3A_118 = arith.constant 16 : index
      %get3A_119 = tpu.vector_load %arg16[%get3A_117, %get3A_118] {strides = array<i32>} : memref<128x128xbf16, #tpu.memory_space<vmem>>, vector<2x16xbf16>,
      %get3A_120 = vector.shape_cast %get3A_119 : vector<2x16xbf16> to vector<2x16xbf16>
      %convert_element_type3A_121 = arith.extf %get3A_120 : vector<2x16xbf16> to vector<2x16xf32>
      %get3A_122 = arith.index_cast %multiple_of3A : i32 to index
      %get3A_123 = arith.constant 16 : index
      %get3A_124 = tpu.vector_load %arg18[%get3A_122, %get3A_123] {strides = array<i32>} : memref<128x128xf32, #tpu.memory_space<vmem>>, vector<2x16xf32>,
      %get3A_125 = vector.shape_cast %get3A_124 : vector<2x16xf32> to vector<2x16xf32>
      %add3A_126 = arith.addf %convert_element_type3A_121, %get3A_125 : vector<2x16xf32>
      %max3A_127 = arith.constant 0.000000e+00 : f32
      %max3A_128 = vector.broadcast %max3A_127 : f32 to vector<2x16xf32>
      %max3A_129 = arith.maximumf %add3A_126, %max3A_128 : vector<2x16xf32>
      %swap3A_130 = arith.index_cast %multiple_of3A : i32 to index
      %swap3A_131 = arith.constant 16 : index
      %swap3A_132 = tpu.vector_load %arg18[%swap3A_130, %swap3A_131] {strides = array<i32>} : memref<128x128xf32, #tpu.memory_space<vmem>>, vector<2x16xf32>,
      %swap3A_133 = vector.shape_cast %swap3A_132 : vector<2x16xf32> to vector<2x16xf32>
      %swap3A_134 = vector.shape_cast %max3A_129 : vector<2x16xf32> to vector<2x16xf32>
      tpu.vector_store %arg18[%swap3A_130, %swap3A_131], %swap3A_134 {strides = array<i32>} : memref<128x128xf32, #tpu.memory_space<vmem>>, vector<2x16xf32>,
      %get3A_135 = arith.index_cast %multiple_of3A : i32 to index
      %get3A_136 = arith.constant 32 : index
      %get3A_137 = tpu.vector_load %arg16[%get3A_135, %get3A_136] {strides = array<i32>} : memref<128x128xbf16, #tpu.memory_space<vmem>>, vector<2x16xbf16>,
      %get3A_138 = vector.shape_cast %get3A_137 : vector<2x16xbf16> to vector<2x16xbf16>
      %convert_element_type3A_139 = arith.extf %get3A_138 : vector<2x16xbf16> to vector<2x16xf32>
      %get3A_140 = arith.index_cast %multiple_of3A : i32 to index
      %get3A_141 = arith.constant 32 : index
      %get3A_142 = tpu.vector_load %arg18[%get3A_140, %get3A_141] {strides = array<i32>} : memref<128x128xf32, #tpu.memory_space<vmem>>, vector<2x16xf32>,
      %get3A_143 = vector.shape_cast %get3A_142 : vector<2x16xf32> to vector<2x16xf32>
      %add3A_144 = arith.addf %convert_element_type3A_139, %get3A_143 : vector<2x16xf32>
      %max3A_145 = arith.constant 0.000000e+00 : f32
      %max3A_146 = vector.broadcast %max3A_145 : f32 to vector<2x16xf32>
      %max3A_147 = arith.maximumf %add3A_144, %max3A_146 : vector<2x16xf32>
      %swap3A_148 = arith.index_cast %multiple_of3A : i32 to index
      %swap3A_149 = arith.constant 32 : index
      %swap3A_150 = tpu.vector_load %arg18[%swap3A_148, %swap3A_149] {strides = array<i32>} : memref<128x128xf32, #tpu.memory_space<vmem>>, vector<2x16xf32>,
      %swap3A_151 = vector.shape_cast %swap3A_150 : vector<2x16xf32> to vector<2x16xf32>
      %swap3A_152 = vector.shape_cast %max3A_147 : vector<2x16xf32> to vector<2x16xf32>
      tpu.vector_store %arg18[%swap3A_148, %swap3A_149], %swap3A_152 {strides = array<i32>} : memref<128x128xf32, #tpu.memory_space<vmem>>, vector<2x16xf32>,
      %get3A_153 = arith.index_cast %multiple_of3A : i32 to index
      %get3A_154 = arith.constant 48 : index
      %get3A_155 = tpu.vector_load %arg16[%get3A_153, %get3A_154] {strides = array<i32>} : memref<128x128xbf16, #tpu.memory_space<vmem>>, vector<2x16xbf16>,
      %get3A_156 = vector.shape_cast %get3A_155 : vector<2x16xbf16> to vector<2x16xbf16>
      %convert_element_type3A_157 = arith.extf %get3A_156 : vector<2x16xbf16> to vector<2x16xf32>
      %get3A_158 = arith.index_cast %multiple_of3A : i32 to index
      %get3A_159 = arith.constant 48 : index
      %get3A_160 = tpu.vector_load %arg18[%get3A_158, %get3A_159] {strides = array<i32>} : memref<128x128xf32, #tpu.memory_space<vmem>>, vector<2x16xf32>,
      %get3A_161 = vector.shape_cast %get3A_160 : vector<2x16xf32> to vector<2x16xf32>
      %add3A_162 = arith.addf %convert_element_type3A_157, %get3A_161 : vector<2x16xf32>
      %max3A_163 = arith.constant 0.000000e+00 : f32
      %max3A_164 = vector.broadcast %max3A_163 : f32 to vector<2x16xf32>
      %max3A_165 = arith.maximumf %add3A_162, %max3A_164 : vector<2x16xf32>
      %swap3A_166 = arith.index_cast %multiple_of3A : i32 to index
      %swap3A_167 = arith.constant 48 : index
      %swap3A_168 = tpu.vector_load %arg18[%swap3A_166, %swap3A_167] {strides = array<i32>} : memref<128x128xf32, #tpu.memory_space<vmem>>, vector<2x16xf32>,
      %swap3A_169 = vector.shape_cast %swap3A_168 : vector<2x16xf32> to vector<2x16xf32>
      %swap3A_170 = vector.shape_cast %max3A_165 : vector<2x16xf32> to vector<2x16xf32>
      tpu.vector_store %arg18[%swap3A_166, %swap3A_167], %swap3A_170 {strides = array<i32>} : memref<128x128xf32, #tpu.memory_space<vmem>>, vector<2x16xf32>,
      %get3A_171 = arith.index_cast %multiple_of3A : i32 to index
      %get3A_172 = arith.constant 64 : index
      %get3A_173 = tpu.vector_load %arg16[%get3A_171, %get3A_172] {strides = array<i32>} : memref<128x128xbf16, #tpu.memory_space<vmem>>, vector<2x16xbf16>,
      %get3A_174 = vector.shape_cast %get3A_173 : vector<2x16xbf16> to vector<2x16xbf16>
      %convert_element_type3A_175 = arith.extf %get3A_174 : vector<2x16xbf16> to vector<2x16xf32>
      %get3A_176 = arith.index_cast %multiple_of3A : i32 to index
      %get3A_177 = arith.constant 64 : index
      %get3A_178 = tpu.vector_load %arg18[%get3A_176, %get3A_177] {strides = array<i32>} : memref<128x128xf32, #tpu.memory_space<vmem>>, vector<2x16xf32>,
      %get3A_179 = vector.shape_cast %get3A_178 : vector<2x16xf32> to vector<2x16xf32>
      %add3A_180 = arith.addf %convert_element_type3A_175, %get3A_179 : vector<2x16xf32>
      %max3A_181 = arith.constant 0.000000e+00 : f32
      %max3A_182 = vector.broadcast %max3A_181 : f32 to vector<2x16xf32>
      %max3A_183 = arith.maximumf %add3A_180, %max3A_182 : vector<2x16xf32>
      %swap3A_184 = arith.index_cast %multiple_of3A : i32 to index
      %swap3A_185 = arith.constant 64 : index
      %swap3A_186 = tpu.vector_load %arg18[%swap3A_184, %swap3A_185] {strides = array<i32>} : memref<128x128xf32, #tpu.memory_space<vmem>>, vector<2x16xf32>,
      %swap3A_187 = vector.shape_cast %swap3A_186 : vector<2x16xf32> to vector<2x16xf32>
      %swap3A_188 = vector.shape_cast %max3A_183 : vector<2x16xf32> to vector<2x16xf32>
      tpu.vector_store %arg18[%swap3A_184, %swap3A_185], %swap3A_188 {strides = array<i32>} : memref<128x128xf32, #tpu.memory_space<vmem>>, vector<2x16xf32>,
      %get3A_189 = arith.index_cast %multiple_of3A : i32 to index
      %get3A_190 = arith.constant 80 : index
      %get3A_191 = tpu.vector_load %arg16[%get3A_189, %get3A_190] {strides = array<i32>} : memref<128x128xbf16, #tpu.memory_space<vmem>>, vector<2x16xbf16>,
      %get3A_192 = vector.shape_cast %get3A_191 : vector<2x16xbf16> to vector<2x16xbf16>
      %convert_element_type3A_193 = arith.extf %get3A_192 : vector<2x16xbf16> to vector<2x16xf32>
      %get3A_194 = arith.index_cast %multiple_of3A : i32 to index
      %get3A_195 = arith.constant 80 : index
      %get3A_196 = tpu.vector_load %arg18[%get3A_194, %get3A_195] {strides = array<i32>} : memref<128x128xf32, #tpu.memory_space<vmem>>, vector<2x16xf32>,
      %get3A_197 = vector.shape_cast %get3A_196 : vector<2x16xf32> to vector<2x16xf32>
      %add3A_198 = arith.addf %convert_element_type3A_193, %get3A_197 : vector<2x16xf32>
      %max3A_199 = arith.constant 0.000000e+00 : f32
      %max3A_200 = vector.broadcast %max3A_199 : f32 to vector<2x16xf32>
      %max3A_201 = arith.maximumf %add3A_198, %max3A_200 : vector<2x16xf32>
      %swap3A_202 = arith.index_cast %multiple_of3A : i32 to index
      %swap3A_203 = arith.constant 80 : index
      %swap3A_204 = tpu.vector_load %arg18[%swap3A_202, %swap3A_203] {strides = array<i32>} : memref<128x128xf32, #tpu.memory_space<vmem>>, vector<2x16xf32>,
      %swap3A_205 = vector.shape_cast %swap3A_204 : vector<2x16xf32> to vector<2x16xf32>
      %swap3A_206 = vector.shape_cast %max3A_201 : vector<2x16xf32> to vector<2x16xf32>
      tpu.vector_store %arg18[%swap3A_202, %swap3A_203], %swap3A_206 {strides = array<i32>} : memref<128x128xf32, #tpu.memory_space<vmem>>, vector<2x16xf32>,
      %get3A_207 = arith.index_cast %multiple_of3A : i32 to index
      %get3A_208 = arith.constant 96 : index
      %get3A_209 = tpu.vector_load %arg16[%get3A_207, %get3A_208] {strides = array<i32>} : memref<128x128xbf16, #tpu.memory_space<vmem>>, vector<2x16xbf16>,
      %get3A_210 = vector.shape_cast %get3A_209 : vector<2x16xbf16> to vector<2x16xbf16>
      %convert_element_type3A_211 = arith.extf %get3A_210 : vector<2x16xbf16> to vector<2x16xf32>
      %get3A_212 = arith.index_cast %multiple_of3A : i32 to index
      %get3A_213 = arith.constant 96 : index
      %get3A_214 = tpu.vector_load %arg18[%get3A_212, %get3A_213] {strides = array<i32>} : memref<128x128xf32, #tpu.memory_space<vmem>>, vector<2x16xf32>,
      %get3A_215 = vector.shape_cast %get3A_214 : vector<2x16xf32> to vector<2x16xf32>
      %add3A_216 = arith.addf %convert_element_type3A_211, %get3A_215 : vector<2x16xf32>
      %max3A_217 = arith.constant 0.000000e+00 : f32
      %max3A_218 = vector.broadcast %max3A_217 : f32 to vector<2x16xf32>
      %max3A_219 = arith.maximumf %add3A_216, %max3A_218 : vector<2x16xf32>
      %swap3A_220 = arith.index_cast %multiple_of3A : i32 to index
      %swap3A_221 = arith.constant 96 : index
      %swap3A_222 = tpu.vector_load %arg18[%swap3A_220, %swap3A_221] {strides = array<i32>} : memref<128x128xf32, #tpu.memory_space<vmem>>, vector<2x16xf32>,
      %swap3A_223 = vector.shape_cast %swap3A_222 : vector<2x16xf32> to vector<2x16xf32>
      %swap3A_224 = vector.shape_cast %max3A_219 : vector<2x16xf32> to vector<2x16xf32>
      tpu.vector_store %arg18[%swap3A_220, %swap3A_221], %swap3A_224 {strides = array<i32>} : memref<128x128xf32, #tpu.memory_space<vmem>>, vector<2x16xf32>,
      %get3A_225 = arith.index_cast %multiple_of3A : i32 to index
      %get3A_226 = arith.constant 112 : index
      %get3A_227 = tpu.vector_load %arg16[%get3A_225, %get3A_226] {strides = array<i32>} : memref<128x128xbf16, #tpu.memory_space<vmem>>, vector<2x16xbf16>,
      %get3A_228 = vector.shape_cast %get3A_227 : vector<2x16xbf16> to vector<2x16xbf16>
      %convert_element_type3A_229 = arith.extf %get3A_228 : vector<2x16xbf16> to vector<2x16xf32>
      %get3A_230 = arith.index_cast %multiple_of3A : i32 to index
      %get3A_231 = arith.constant 112 : index
      %get3A_232 = tpu.vector_load %arg18[%get3A_230, %get3A_231] {strides = array<i32>} : memref<128x128xf32, #tpu.memory_space<vmem>>, vector<2x16xf32>,
      %get3A_233 = vector.shape_cast %get3A_232 : vector<2x16xf32> to vector<2x16xf32>
      %add3A_234 = arith.addf %convert_element_type3A_229, %get3A_233 : vector<2x16xf32>
      %max3A_235 = arith.constant 0.000000e+00 : f32
      %max3A_236 = vector.broadcast %max3A_235 : f32 to vector<2x16xf32>
      %max3A_237 = arith.maximumf %add3A_234, %max3A_236 : vector<2x16xf32>
      %swap3A_238 = arith.index_cast %multiple_of3A : i32 to index
      %swap3A_239 = arith.constant 112 : index
      %swap3A_240 = tpu.vector_load %arg18[%swap3A_238, %swap3A_239] {strides = array<i32>} : memref<128x128xf32, #tpu.memory_space<vmem>>, vector<2x16xf32>,
      %swap3A_241 = vector.shape_cast %swap3A_240 : vector<2x16xf32> to vector<2x16xf32>
      %swap3A_242 = vector.shape_cast %max3A_237 : vector<2x16xf32> to vector<2x16xf32>
      tpu.vector_store %arg18[%swap3A_238, %swap3A_239], %swap3A_242 {strides = array<i32>} : memref<128x128xf32, #tpu.memory_space<vmem>>, vector<2x16xf32>,
    }
    %scan3A_66 = arith.constant 64 : i32
    "tpu.region"() ({
      %run_scoped3A = tpu.sem_alloc : memref<!tpu.dma_semaphore, #tpu.memory_space<semaphore_mem>>
      %dma_start3A_99 = arith.constant 0 : i32
      %dma_start3A_100 = arith.constant 0 : i32
      %dma_start3A_101 = tpu.memref_slice %arg20[%dma_start3A_99, %dma_start3A_100] : memref<10000x128xf32, #tpu.memory_space<vmem_shared>> -> memref<10000x128xf32, #tpu.memory_space<vmem_shared>>
      tpu.enqueue_indirect_dma source(%arg18 : memref<128x128xf32, #tpu.memory_space<vmem>>) target(%dma_start3A_101 : memref<10000x128xf32, #tpu.memory_space<vmem_shared>>) offsets(%arg12 : memref<128xi32, #tpu.memory_space<vmem>>) semaphore(%run_scoped3A : memref<!tpu.dma_semaphore, #tpu.memory_space<semaphore_mem>>) {add = true}
      %dma_wait3A_102 = arith.constant 0 : i32
      %dma_wait3A_103 = arith.constant 0 : i32
      %dma_wait3A_104 = tpu.memref_slice %arg20[%dma_wait3A_102, %dma_wait3A_103] : memref<10000x128xf32, #tpu.memory_space<vmem_shared>> -> memref<10000x128xf32, #tpu.memory_space<vmem_shared>>
      tpu.wait_indirect_dma semaphore(%run_scoped3A : memref<!tpu.dma_semaphore, #tpu.memory_space<semaphore_mem>>) src(%arg18 : memref<128x128xf32, #tpu.memory_space<vmem>>) dst(%dma_wait3A_104 : memref<10000x128xf32, #tpu.memory_space<vmem_shared>>)
      tpu.yield
    }) : () -> ()
    %dma_wait3A_67 = arith.constant 0 : i32
    %dma_wait3A_68 = arith.constant 0 : i32
    %dma_wait3A_69 = tpu.memref_slice %arg3[%dma_wait3A_67, %dma_wait3A_68] : memref<320000x128xbf16, #tpu.memory_space<hbm>> -> memref<128x128xbf16, #tpu.memory_space<hbm>>
    %dma_wait3A_70 = arith.constant 0 : i32
    %dma_wait3A_71 = arith.constant 0 : i32
    %dma_wait3A_72 = tpu.memref_slice %arg3[%dma_wait3A_70, %dma_wait3A_71] : memref<320000x128xbf16, #tpu.memory_space<hbm>> -> memref<128x128xbf16, #tpu.memory_space<hbm>>
    tpu.wait_dma2 semaphore(%arg26 : memref<!tpu.dma_semaphore, #tpu.memory_space<semaphore_mem>>) src(%dma_wait3A_72 : memref<128x128xbf16, #tpu.memory_space<hbm>>) dst(%arg17 : memref<128x128xbf16, #tpu.memory_space<vmem>>)
    %dma_wait3A_73 = arith.constant 0 : i32
    %dma_wait3A_74 = arith.constant 0 : i32
    %dma_wait3A_75 = tpu.memref_slice %arg2[%dma_wait3A_73, %dma_wait3A_74] : memref<10000x128xf32, #tpu.memory_space<hbm>> -> memref<10000x128xf32, #tpu.memory_space<hbm>>
    tpu.wait_indirect_dma semaphore(%arg28 : memref<!tpu.dma_semaphore, #tpu.memory_space<semaphore_mem>>) src(%dma_wait3A_75 : memref<10000x128xf32, #tpu.memory_space<hbm>>) dst(%arg19 : memref<128x128xf32, #tpu.memory_space<vmem>>)
    %scan3A_76 = arith.constant 0 : i32
    %scan3A_77 = arith.constant 0 : i32
    %scan3A_78 = arith.constant 64 : i32
    %scan3A_79 = arith.addi %scan3A_77, %scan3A_78 : i32
    %scan3A_80 = arith.constant 1 : i32
    scf.for %scan3A_99 = %scan3A_77 to %scan3A_79 step %scan3A_80  : i32 {
      %mul3A_100 = arith.constant 2 : i32
      %mul3A_101 = arith.muli %scan3A_99, %mul3A_100 : i32
      %multiple_of3A = tpu.assume_multiple %mul3A_101, 2 : i32
      %get3A = arith.index_cast %multiple_of3A : i32 to index
      %get3A_102 = arith.constant 0 : index
      %get3A_103 = tpu.vector_load %arg17[%get3A, %get3A_102] {strides = array<i32>} : memref<128x128xbf16, #tpu.memory_space<vmem>>, vector<2x16xbf16>,
      %get3A_104 = vector.shape_cast %get3A_103 : vector<2x16xbf16> to vector<2x16xbf16>
      %convert_element_type3A_105 = arith.extf %get3A_104 : vector<2x16xbf16> to vector<2x16xf32>
      %get3A_106 = arith.index_cast %multiple_of3A : i32 to index
      %get3A_107 = arith.constant 0 : index
      %get3A_108 = tpu.vector_load %arg19[%get3A_106, %get3A_107] {strides = array<i32>} : memref<128x128xf32, #tpu.memory_space<vmem>>, vector<2x16xf32>,
      %get3A_109 = vector.shape_cast %get3A_108 : vector<2x16xf32> to vector<2x16xf32>
      %add3A_110 = arith.addf %convert_element_type3A_105, %get3A_109 : vector<2x16xf32>
      %max3A = arith.constant 0.000000e+00 : f32
      %max3A_111 = vector.broadcast %max3A : f32 to vector<2x16xf32>
      %max3A_112 = arith.maximumf %add3A_110, %max3A_111 : vector<2x16xf32>
      %swap3A = arith.index_cast %multiple_of3A : i32 to index
      %swap3A_113 = arith.constant 0 : index
      %swap3A_114 = tpu.vector_load %arg19[%swap3A, %swap3A_113] {strides = array<i32>} : memref<128x128xf32, #tpu.memory_space<vmem>>, vector<2x16xf32>,
      %swap3A_115 = vector.shape_cast %swap3A_114 : vector<2x16xf32> to vector<2x16xf32>
      %swap3A_116 = vector.shape_cast %max3A_112 : vector<2x16xf32> to vector<2x16xf32>
      tpu.vector_store %arg19[%swap3A, %swap3A_113], %swap3A_116 {strides = array<i32>} : memref<128x128xf32, #tpu.memory_space<vmem>>, vector<2x16xf32>,
      %get3A_117 = arith.index_cast %multiple_of3A : i32 to index
      %get3A_118 = arith.constant 16 : index
      %get3A_119 = tpu.vector_load %arg17[%get3A_117, %get3A_118] {strides = array<i32>} : memref<128x128xbf16, #tpu.memory_space<vmem>>, vector<2x16xbf16>,
      %get3A_120 = vector.shape_cast %get3A_119 : vector<2x16xbf16> to vector<2x16xbf16>
      %convert_element_type3A_121 = arith.extf %get3A_120 : vector<2x16xbf16> to vector<2x16xf32>
      %get3A_122 = arith.index_cast %multiple_of3A : i32 to index
      %get3A_123 = arith.constant 16 : index
      %get3A_124 = tpu.vector_load %arg19[%get3A_122, %get3A_123] {strides = array<i32>} : memref<128x128xf32, #tpu.memory_space<vmem>>, vector<2x16xf32>,
      %get3A_125 = vector.shape_cast %get3A_124 : vector<2x16xf32> to vector<2x16xf32>
      %add3A_126 = arith.addf %convert_element_type3A_121, %get3A_125 : vector<2x16xf32>
      %max3A_127 = arith.constant 0.000000e+00 : f32
      %max3A_128 = vector.broadcast %max3A_127 : f32 to vector<2x16xf32>
      %max3A_129 = arith.maximumf %add3A_126, %max3A_128 : vector<2x16xf32>
      %swap3A_130 = arith.index_cast %multiple_of3A : i32 to index
      %swap3A_131 = arith.constant 16 : index
      %swap3A_132 = tpu.vector_load %arg19[%swap3A_130, %swap3A_131] {strides = array<i32>} : memref<128x128xf32, #tpu.memory_space<vmem>>, vector<2x16xf32>,
      %swap3A_133 = vector.shape_cast %swap3A_132 : vector<2x16xf32> to vector<2x16xf32>
      %swap3A_134 = vector.shape_cast %max3A_129 : vector<2x16xf32> to vector<2x16xf32>
      tpu.vector_store %arg19[%swap3A_130, %swap3A_131], %swap3A_134 {strides = array<i32>} : memref<128x128xf32, #tpu.memory_space<vmem>>, vector<2x16xf32>,
      %get3A_135 = arith.index_cast %multiple_of3A : i32 to index
      %get3A_136 = arith.constant 32 : index
      %get3A_137 = tpu.vector_load %arg17[%get3A_135, %get3A_136] {strides = array<i32>} : memref<128x128xbf16, #tpu.memory_space<vmem>>, vector<2x16xbf16>,
      %get3A_138 = vector.shape_cast %get3A_137 : vector<2x16xbf16> to vector<2x16xbf16>
      %convert_element_type3A_139 = arith.extf %get3A_138 : vector<2x16xbf16> to vector<2x16xf32>
      %get3A_140 = arith.index_cast %multiple_of3A : i32 to index
      %get3A_141 = arith.constant 32 : index
      %get3A_142 = tpu.vector_load %arg19[%get3A_140, %get3A_141] {strides = array<i32>} : memref<128x128xf32, #tpu.memory_space<vmem>>, vector<2x16xf32>,
      %get3A_143 = vector.shape_cast %get3A_142 : vector<2x16xf32> to vector<2x16xf32>
      %add3A_144 = arith.addf %convert_element_type3A_139, %get3A_143 : vector<2x16xf32>
      %max3A_145 = arith.constant 0.000000e+00 : f32
      %max3A_146 = vector.broadcast %max3A_145 : f32 to vector<2x16xf32>
      %max3A_147 = arith.maximumf %add3A_144, %max3A_146 : vector<2x16xf32>
      %swap3A_148 = arith.index_cast %multiple_of3A : i32 to index
      %swap3A_149 = arith.constant 32 : index
      %swap3A_150 = tpu.vector_load %arg19[%swap3A_148, %swap3A_149] {strides = array<i32>} : memref<128x128xf32, #tpu.memory_space<vmem>>, vector<2x16xf32>,
      %swap3A_151 = vector.shape_cast %swap3A_150 : vector<2x16xf32> to vector<2x16xf32>
      %swap3A_152 = vector.shape_cast %max3A_147 : vector<2x16xf32> to vector<2x16xf32>
      tpu.vector_store %arg19[%swap3A_148, %swap3A_149], %swap3A_152 {strides = array<i32>} : memref<128x128xf32, #tpu.memory_space<vmem>>, vector<2x16xf32>,
      %get3A_153 = arith.index_cast %multiple_of3A : i32 to index
      %get3A_154 = arith.constant 48 : index
      %get3A_155 = tpu.vector_load %arg17[%get3A_153, %get3A_154] {strides = array<i32>} : memref<128x128xbf16, #tpu.memory_space<vmem>>, vector<2x16xbf16>,
      %get3A_156 = vector.shape_cast %get3A_155 : vector<2x16xbf16> to vector<2x16xbf16>
      %convert_element_type3A_157 = arith.extf %get3A_156 : vector<2x16xbf16> to vector<2x16xf32>
      %get3A_158 = arith.index_cast %multiple_of3A : i32 to index
      %get3A_159 = arith.constant 48 : index
      %get3A_160 = tpu.vector_load %arg19[%get3A_158, %get3A_159] {strides = array<i32>} : memref<128x128xf32, #tpu.memory_space<vmem>>, vector<2x16xf32>,
      %get3A_161 = vector.shape_cast %get3A_160 : vector<2x16xf32> to vector<2x16xf32>
      %add3A_162 = arith.addf %convert_element_type3A_157, %get3A_161 : vector<2x16xf32>
      %max3A_163 = arith.constant 0.000000e+00 : f32
      %max3A_164 = vector.broadcast %max3A_163 : f32 to vector<2x16xf32>
      %max3A_165 = arith.maximumf %add3A_162, %max3A_164 : vector<2x16xf32>
      %swap3A_166 = arith.index_cast %multiple_of3A : i32 to index
      %swap3A_167 = arith.constant 48 : index
      %swap3A_168 = tpu.vector_load %arg19[%swap3A_166, %swap3A_167] {strides = array<i32>} : memref<128x128xf32, #tpu.memory_space<vmem>>, vector<2x16xf32>,
      %swap3A_169 = vector.shape_cast %swap3A_168 : vector<2x16xf32> to vector<2x16xf32>
      %swap3A_170 = vector.shape_cast %max3A_165 : vector<2x16xf32> to vector<2x16xf32>
      tpu.vector_store %arg19[%swap3A_166, %swap3A_167], %swap3A_170 {strides = array<i32>} : memref<128x128xf32, #tpu.memory_space<vmem>>, vector<2x16xf32>,
      %get3A_171 = arith.index_cast %multiple_of3A : i32 to index
      %get3A_172 = arith.constant 64 : index
      %get3A_173 = tpu.vector_load %arg17[%get3A_171, %get3A_172] {strides = array<i32>} : memref<128x128xbf16, #tpu.memory_space<vmem>>, vector<2x16xbf16>,
      %get3A_174 = vector.shape_cast %get3A_173 : vector<2x16xbf16> to vector<2x16xbf16>
      %convert_element_type3A_175 = arith.extf %get3A_174 : vector<2x16xbf16> to vector<2x16xf32>
      %get3A_176 = arith.index_cast %multiple_of3A : i32 to index
      %get3A_177 = arith.constant 64 : index
      %get3A_178 = tpu.vector_load %arg19[%get3A_176, %get3A_177] {strides = array<i32>} : memref<128x128xf32, #tpu.memory_space<vmem>>, vector<2x16xf32>,
      %get3A_179 = vector.shape_cast %get3A_178 : vector<2x16xf32> to vector<2x16xf32>
      %add3A_180 = arith.addf %convert_element_type3A_175, %get3A_179 : vector<2x16xf32>
      %max3A_181 = arith.constant 0.000000e+00 : f32
      %max3A_182 = vector.broadcast %max3A_181 : f32 to vector<2x16xf32>
      %max3A_183 = arith.maximumf %add3A_180, %max3A_182 : vector<2x16xf32>
      %swap3A_184 = arith.index_cast %multiple_of3A : i32 to index
      %swap3A_185 = arith.constant 64 : index
      %swap3A_186 = tpu.vector_load %arg19[%swap3A_184, %swap3A_185] {strides = array<i32>} : memref<128x128xf32, #tpu.memory_space<vmem>>, vector<2x16xf32>,
      %swap3A_187 = vector.shape_cast %swap3A_186 : vector<2x16xf32> to vector<2x16xf32>
      %swap3A_188 = vector.shape_cast %max3A_183 : vector<2x16xf32> to vector<2x16xf32>
      tpu.vector_store %arg19[%swap3A_184, %swap3A_185], %swap3A_188 {strides = array<i32>} : memref<128x128xf32, #tpu.memory_space<vmem>>, vector<2x16xf32>,
      %get3A_189 = arith.index_cast %multiple_of3A : i32 to index
      %get3A_190 = arith.constant 80 : index
      %get3A_191 = tpu.vector_load %arg17[%get3A_189, %get3A_190] {strides = array<i32>} : memref<128x128xbf16, #tpu.memory_space<vmem>>, vector<2x16xbf16>,
      %get3A_192 = vector.shape_cast %get3A_191 : vector<2x16xbf16> to vector<2x16xbf16>
      %convert_element_type3A_193 = arith.extf %get3A_192 : vector<2x16xbf16> to vector<2x16xf32>
      %get3A_194 = arith.index_cast %multiple_of3A : i32 to index
      %get3A_195 = arith.constant 80 : index
      %get3A_196 = tpu.vector_load %arg19[%get3A_194, %get3A_195] {strides = array<i32>} : memref<128x128xf32, #tpu.memory_space<vmem>>, vector<2x16xf32>,
      %get3A_197 = vector.shape_cast %get3A_196 : vector<2x16xf32> to vector<2x16xf32>
      %add3A_198 = arith.addf %convert_element_type3A_193, %get3A_197 : vector<2x16xf32>
      %max3A_199 = arith.constant 0.000000e+00 : f32
      %max3A_200 = vector.broadcast %max3A_199 : f32 to vector<2x16xf32>
      %max3A_201 = arith.maximumf %add3A_198, %max3A_200 : vector<2x16xf32>
      %swap3A_202 = arith.index_cast %multiple_of3A : i32 to index
      %swap3A_203 = arith.constant 80 : index
      %swap3A_204 = tpu.vector_load %arg19[%swap3A_202, %swap3A_203] {strides = array<i32>} : memref<128x128xf32, #tpu.memory_space<vmem>>, vector<2x16xf32>,
      %swap3A_205 = vector.shape_cast %swap3A_204 : vector<2x16xf32> to vector<2x16xf32>
      %swap3A_206 = vector.shape_cast %max3A_201 : vector<2x16xf32> to vector<2x16xf32>
      tpu.vector_store %arg19[%swap3A_202, %swap3A_203], %swap3A_206 {strides = array<i32>} : memref<128x128xf32, #tpu.memory_space<vmem>>, vector<2x16xf32>,
      %get3A_207 = arith.index_cast %multiple_of3A : i32 to index
      %get3A_208 = arith.constant 96 : index
      %get3A_209 = tpu.vector_load %arg17[%get3A_207, %get3A_208] {strides = array<i32>} : memref<128x128xbf16, #tpu.memory_space<vmem>>, vector<2x16xbf16>,
      %get3A_210 = vector.shape_cast %get3A_209 : vector<2x16xbf16> to vector<2x16xbf16>
      %convert_element_type3A_211 = arith.extf %get3A_210 : vector<2x16xbf16> to vector<2x16xf32>
      %get3A_212 = arith.index_cast %multiple_of3A : i32 to index
      %get3A_213 = arith.constant 96 : index
      %get3A_214 = tpu.vector_load %arg19[%get3A_212, %get3A_213] {strides = array<i32>} : memref<128x128xf32, #tpu.memory_space<vmem>>, vector<2x16xf32>,
      %get3A_215 = vector.shape_cast %get3A_214 : vector<2x16xf32> to vector<2x16xf32>
      %add3A_216 = arith.addf %convert_element_type3A_211, %get3A_215 : vector<2x16xf32>
      %max3A_217 = arith.constant 0.000000e+00 : f32
      %max3A_218 = vector.broadcast %max3A_217 : f32 to vector<2x16xf32>
      %max3A_219 = arith.maximumf %add3A_216, %max3A_218 : vector<2x16xf32>
      %swap3A_220 = arith.index_cast %multiple_of3A : i32 to index
      %swap3A_221 = arith.constant 96 : index
      %swap3A_222 = tpu.vector_load %arg19[%swap3A_220, %swap3A_221] {strides = array<i32>} : memref<128x128xf32, #tpu.memory_space<vmem>>, vector<2x16xf32>,
      %swap3A_223 = vector.shape_cast %swap3A_222 : vector<2x16xf32> to vector<2x16xf32>
      %swap3A_224 = vector.shape_cast %max3A_219 : vector<2x16xf32> to vector<2x16xf32>
      tpu.vector_store %arg19[%swap3A_220, %swap3A_221], %swap3A_224 {strides = array<i32>} : memref<128x128xf32, #tpu.memory_space<vmem>>, vector<2x16xf32>,
      %get3A_225 = arith.index_cast %multiple_of3A : i32 to index
      %get3A_226 = arith.constant 112 : index
      %get3A_227 = tpu.vector_load %arg17[%get3A_225, %get3A_226] {strides = array<i32>} : memref<128x128xbf16, #tpu.memory_space<vmem>>, vector<2x16xbf16>,
      %get3A_228 = vector.shape_cast %get3A_227 : vector<2x16xbf16> to vector<2x16xbf16>
      %convert_element_type3A_229 = arith.extf %get3A_228 : vector<2x16xbf16> to vector<2x16xf32>
      %get3A_230 = arith.index_cast %multiple_of3A : i32 to index
      %get3A_231 = arith.constant 112 : index
      %get3A_232 = tpu.vector_load %arg19[%get3A_230, %get3A_231] {strides = array<i32>} : memref<128x128xf32, #tpu.memory_space<vmem>>, vector<2x16xf32>,
      %get3A_233 = vector.shape_cast %get3A_232 : vector<2x16xf32> to vector<2x16xf32>
      %add3A_234 = arith.addf %convert_element_type3A_229, %get3A_233 : vector<2x16xf32>
      %max3A_235 = arith.constant 0.000000e+00 : f32
      %max3A_236 = vector.broadcast %max3A_235 : f32 to vector<2x16xf32>
      %max3A_237 = arith.maximumf %add3A_234, %max3A_236 : vector<2x16xf32>
      %swap3A_238 = arith.index_cast %multiple_of3A : i32 to index
      %swap3A_239 = arith.constant 112 : index
      %swap3A_240 = tpu.vector_load %arg19[%swap3A_238, %swap3A_239] {strides = array<i32>} : memref<128x128xf32, #tpu.memory_space<vmem>>, vector<2x16xf32>,
      %swap3A_241 = vector.shape_cast %swap3A_240 : vector<2x16xf32> to vector<2x16xf32>
      %swap3A_242 = vector.shape_cast %max3A_237 : vector<2x16xf32> to vector<2x16xf32>
      tpu.vector_store %arg19[%swap3A_238, %swap3A_239], %swap3A_242 {strides = array<i32>} : memref<128x128xf32, #tpu.memory_space<vmem>>, vector<2x16xf32>,
    }
    %scan3A_81 = arith.constant 64 : i32
    "tpu.region"() ({
      %run_scoped3A = tpu.sem_alloc : memref<!tpu.dma_semaphore, #tpu.memory_space<semaphore_mem>>
      %dma_start3A_99 = arith.constant 0 : i32
      %dma_start3A_100 = arith.constant 0 : i32
      %dma_start3A_101 = tpu.memref_slice %arg20[%dma_start3A_99, %dma_start3A_100] : memref<10000x128xf32, #tpu.memory_space<vmem_shared>> -> memref<10000x128xf32, #tpu.memory_space<vmem_shared>>
      tpu.enqueue_indirect_dma source(%arg19 : memref<128x128xf32, #tpu.memory_space<vmem>>) target(%dma_start3A_101 : memref<10000x128xf32, #tpu.memory_space<vmem_shared>>) offsets(%arg13 : memref<128xi32, #tpu.memory_space<vmem>>) semaphore(%run_scoped3A : memref<!tpu.dma_semaphore, #tpu.memory_space<semaphore_mem>>) {add = true}
      %dma_wait3A_102 = arith.constant 0 : i32
      %dma_wait3A_103 = arith.constant 0 : i32
      %dma_wait3A_104 = tpu.memref_slice %arg20[%dma_wait3A_102, %dma_wait3A_103] : memref<10000x128xf32, #tpu.memory_space<vmem_shared>> -> memref<10000x128xf32, #tpu.memory_space<vmem_shared>>
      tpu.wait_indirect_dma semaphore(%run_scoped3A : memref<!tpu.dma_semaphore, #tpu.memory_space<semaphore_mem>>) src(%arg19 : memref<128x128xf32, #tpu.memory_space<vmem>>) dst(%dma_wait3A_104 : memref<10000x128xf32, #tpu.memory_space<vmem_shared>>)
      tpu.yield
    }) : () -> ()
    %lt3A = arith.constant 4 : i32
    %lt3A_82 = arith.cmpi slt, %add3A, %lt3A : i32
    %convert_element_type3A_83 = arith.extui %lt3A_82 : i1 to i32
    %cond3A_84 = arith.constant 0 : i32
    %cond3A_85 = arith.cmpi ne, %convert_element_type3A_83, %cond3A_84 : i32
    scf.if %cond3A_85 {
      %mul3A_99 = arith.constant 128 : i32
      %mul3A_100 = arith.muli %add3A, %mul3A_99 : i32
      %add3A_101 = arith.constant 319488 : i32
      %add3A_102 = arith.addi %add3A_101, %mul3A_100 : i32
      %dma_start3A_103 = tpu.memref_slice %arg4[%add3A_102] : memref<320000xi32, #tpu.memory_space<hbm>> -> memref<128xi32, #tpu.memory_space<hbm>>
      %dma_start3A_104 = tpu.memref_slice %arg4[%add3A_102] : memref<320000xi32, #tpu.memory_space<hbm>> -> memref<128xi32, #tpu.memory_space<hbm>>
      tpu.enqueue_dma source(%dma_start3A_104 : memref<128xi32, #tpu.memory_space<hbm>>) target(%arg8 : memref<128xi32, #tpu.memory_space<vmem>>) target_semaphore(%arg21 : memref<!tpu.dma_semaphore, #tpu.memory_space<semaphore_mem>>)
      %dma_start3A_105 = tpu.memref_slice %arg5[%add3A_102] : memref<320000xi32, #tpu.memory_space<hbm>> -> memref<128xi32, #tpu.memory_space<hbm>>
      %dma_start3A_106 = tpu.memref_slice %arg5[%add3A_102] : memref<320000xi32, #tpu.memory_space<hbm>> -> memref<128xi32, #tpu.memory_space<hbm>>
      tpu.enqueue_dma source(%dma_start3A_106 : memref<128xi32, #tpu.memory_space<hbm>>) target(%arg12 : memref<128xi32, #tpu.memory_space<vmem>>) target_semaphore(%arg21 : memref<!tpu.dma_semaphore, #tpu.memory_space<semaphore_mem>>)
      %dma_wait3A_107 = arith.constant 0 : i32
      %dma_wait3A_108 = tpu.memref_slice %arg4[%dma_wait3A_107] : memref<320000xi32, #tpu.memory_space<hbm>> -> memref<128xi32, #tpu.memory_space<hbm>>
      %dma_wait3A_109 = arith.constant 0 : i32
      %dma_wait3A_110 = tpu.memref_slice %arg4[%dma_wait3A_109] : memref<320000xi32, #tpu.memory_space<hbm>> -> memref<128xi32, #tpu.memory_space<hbm>>
      tpu.wait_dma2 semaphore(%arg21 : memref<!tpu.dma_semaphore, #tpu.memory_space<semaphore_mem>>) src(%dma_wait3A_110 : memref<128xi32, #tpu.memory_space<hbm>>) dst(%arg8 : memref<128xi32, #tpu.memory_space<vmem>>)
      %dma_wait3A_111 = arith.constant 0 : i32
      %dma_wait3A_112 = tpu.memref_slice %arg5[%dma_wait3A_111] : memref<320000xi32, #tpu.memory_space<hbm>> -> memref<128xi32, #tpu.memory_space<hbm>>
      %dma_wait3A_113 = arith.constant 0 : i32
      %dma_wait3A_114 = tpu.memref_slice %arg5[%dma_wait3A_113] : memref<320000xi32, #tpu.memory_space<hbm>> -> memref<128xi32, #tpu.memory_space<hbm>>
      tpu.wait_dma2 semaphore(%arg21 : memref<!tpu.dma_semaphore, #tpu.memory_space<semaphore_mem>>) src(%dma_wait3A_114 : memref<128xi32, #tpu.memory_space<hbm>>) dst(%arg12 : memref<128xi32, #tpu.memory_space<vmem>>)
      %dma_start3A_115 = arith.constant 0 : i32
      %dma_start3A_116 = tpu.memref_slice %arg3[%add3A_102, %dma_start3A_115] : memref<320000x128xbf16, #tpu.memory_space<hbm>> -> memref<128x128xbf16, #tpu.memory_space<hbm>>
      %dma_start3A_117 = arith.constant 0 : i32
      %dma_start3A_118 = tpu.memref_slice %arg3[%add3A_102, %dma_start3A_117] : memref<320000x128xbf16, #tpu.memory_space<hbm>> -> memref<128x128xbf16, #tpu.memory_space<hbm>>
      tpu.enqueue_dma source(%dma_start3A_118 : memref<128x128xbf16, #tpu.memory_space<hbm>>) target(%arg16 : memref<128x128xbf16, #tpu.memory_space<vmem>>) target_semaphore(%arg25 : memref<!tpu.dma_semaphore, #tpu.memory_space<semaphore_mem>>)
      %dma_start3A_119 = arith.constant 0 : i32
      %dma_start3A_120 = arith.constant 0 : i32
      %dma_start3A_121 = tpu.memref_slice %arg2[%dma_start3A_119, %dma_start3A_120] : memref<10000x128xf32, #tpu.memory_space<hbm>> -> memref<10000x128xf32, #tpu.memory_space<hbm>>
      tpu.enqueue_indirect_dma source(%dma_start3A_121 : memref<10000x128xf32, #tpu.memory_space<hbm>>) target(%arg18 : memref<128x128xf32, #tpu.memory_space<vmem>>) offsets(%arg8 : memref<128xi32, #tpu.memory_space<vmem>>) semaphore(%arg27 : memref<!tpu.dma_semaphore, #tpu.memory_space<semaphore_mem>>)
      %dma_wait3A_122 = arith.constant 0 : i32
      %dma_wait3A_123 = arith.constant 0 : i32
      %dma_wait3A_124 = tpu.memref_slice %arg3[%dma_wait3A_122, %dma_wait3A_123] : memref<320000x128xbf16, #tpu.memory_space<hbm>> -> memref<128x128xbf16, #tpu.memory_space<hbm>>
      %dma_wait3A_125 = arith.constant 0 : i32
      %dma_wait3A_126 = arith.constant 0 : i32
      %dma_wait3A_127 = tpu.memref_slice %arg3[%dma_wait3A_125, %dma_wait3A_126] : memref<320000x128xbf16, #tpu.memory_space<hbm>> -> memref<128x128xbf16, #tpu.memory_space<hbm>>
      tpu.wait_dma2 semaphore(%arg25 : memref<!tpu.dma_semaphore, #tpu.memory_space<semaphore_mem>>) src(%dma_wait3A_127 : memref<128x128xbf16, #tpu.memory_space<hbm>>) dst(%arg16 : memref<128x128xbf16, #tpu.memory_space<vmem>>)
      %dma_wait3A_128 = arith.constant 0 : i32
      %dma_wait3A_129 = arith.constant 0 : i32
      %dma_wait3A_130 = tpu.memref_slice %arg2[%dma_wait3A_128, %dma_wait3A_129] : memref<10000x128xf32, #tpu.memory_space<hbm>> -> memref<10000x128xf32, #tpu.memory_space<hbm>>
      tpu.wait_indirect_dma semaphore(%arg27 : memref<!tpu.dma_semaphore, #tpu.memory_space<semaphore_mem>>) src(%dma_wait3A_130 : memref<10000x128xf32, #tpu.memory_space<hbm>>) dst(%arg18 : memref<128x128xf32, #tpu.memory_space<vmem>>)
      %scan3A_131 = arith.constant 0 : i32
      %scan3A_132 = arith.constant 0 : i32
      %scan3A_133 = arith.constant 64 : i32
      %scan3A_134 = arith.addi %scan3A_132, %scan3A_133 : i32
      %scan3A_135 = arith.constant 1 : i32
      scf.for %scan3A_137 = %scan3A_132 to %scan3A_134 step %scan3A_135  : i32 {
        %mul3A_138 = arith.constant 2 : i32
        %mul3A_139 = arith.muli %scan3A_137, %mul3A_138 : i32
        %multiple_of3A = tpu.assume_multiple %mul3A_139, 2 : i32
        %get3A = arith.index_cast %multiple_of3A : i32 to index
        %get3A_140 = arith.constant 0 : index
        %get3A_141 = tpu.vector_load %arg16[%get3A, %get3A_140] {strides = array<i32>} : memref<128x128xbf16, #tpu.memory_space<vmem>>, vector<2x16xbf16>,
        %get3A_142 = vector.shape_cast %get3A_141 : vector<2x16xbf16> to vector<2x16xbf16>
        %convert_element_type3A_143 = arith.extf %get3A_142 : vector<2x16xbf16> to vector<2x16xf32>
        %get3A_144 = arith.index_cast %multiple_of3A : i32 to index
        %get3A_145 = arith.constant 0 : index
        %get3A_146 = tpu.vector_load %arg18[%get3A_144, %get3A_145] {strides = array<i32>} : memref<128x128xf32, #tpu.memory_space<vmem>>, vector<2x16xf32>,
        %get3A_147 = vector.shape_cast %get3A_146 : vector<2x16xf32> to vector<2x16xf32>
        %add3A_148 = arith.addf %convert_element_type3A_143, %get3A_147 : vector<2x16xf32>
        %max3A = arith.constant 0.000000e+00 : f32
        %max3A_149 = vector.broadcast %max3A : f32 to vector<2x16xf32>
        %max3A_150 = arith.maximumf %add3A_148, %max3A_149 : vector<2x16xf32>
        %swap3A = arith.index_cast %multiple_of3A : i32 to index
        %swap3A_151 = arith.constant 0 : index
        %swap3A_152 = tpu.vector_load %arg18[%swap3A, %swap3A_151] {strides = array<i32>} : memref<128x128xf32, #tpu.memory_space<vmem>>, vector<2x16xf32>,
        %swap3A_153 = vector.shape_cast %swap3A_152 : vector<2x16xf32> to vector<2x16xf32>
        %swap3A_154 = vector.shape_cast %max3A_150 : vector<2x16xf32> to vector<2x16xf32>
        tpu.vector_store %arg18[%swap3A, %swap3A_151], %swap3A_154 {strides = array<i32>} : memref<128x128xf32, #tpu.memory_space<vmem>>, vector<2x16xf32>,
        %get3A_155 = arith.index_cast %multiple_of3A : i32 to index
        %get3A_156 = arith.constant 16 : index
        %get3A_157 = tpu.vector_load %arg16[%get3A_155, %get3A_156] {strides = array<i32>} : memref<128x128xbf16, #tpu.memory_space<vmem>>, vector<2x16xbf16>,
        %get3A_158 = vector.shape_cast %get3A_157 : vector<2x16xbf16> to vector<2x16xbf16>
        %convert_element_type3A_159 = arith.extf %get3A_158 : vector<2x16xbf16> to vector<2x16xf32>
        %get3A_160 = arith.index_cast %multiple_of3A : i32 to index
        %get3A_161 = arith.constant 16 : index
        %get3A_162 = tpu.vector_load %arg18[%get3A_160, %get3A_161] {strides = array<i32>} : memref<128x128xf32, #tpu.memory_space<vmem>>, vector<2x16xf32>,
        %get3A_163 = vector.shape_cast %get3A_162 : vector<2x16xf32> to vector<2x16xf32>
        %add3A_164 = arith.addf %convert_element_type3A_159, %get3A_163 : vector<2x16xf32>
        %max3A_165 = arith.constant 0.000000e+00 : f32
        %max3A_166 = vector.broadcast %max3A_165 : f32 to vector<2x16xf32>
        %max3A_167 = arith.maximumf %add3A_164, %max3A_166 : vector<2x16xf32>
        %swap3A_168 = arith.index_cast %multiple_of3A : i32 to index
        %swap3A_169 = arith.constant 16 : index
        %swap3A_170 = tpu.vector_load %arg18[%swap3A_168, %swap3A_169] {strides = array<i32>} : memref<128x128xf32, #tpu.memory_space<vmem>>, vector<2x16xf32>,
        %swap3A_171 = vector.shape_cast %swap3A_170 : vector<2x16xf32> to vector<2x16xf32>
        %swap3A_172 = vector.shape_cast %max3A_167 : vector<2x16xf32> to vector<2x16xf32>
        tpu.vector_store %arg18[%swap3A_168, %swap3A_169], %swap3A_172 {strides = array<i32>} : memref<128x128xf32, #tpu.memory_space<vmem>>, vector<2x16xf32>,
        %get3A_173 = arith.index_cast %multiple_of3A : i32 to index
        %get3A_174 = arith.constant 32 : index
        %get3A_175 = tpu.vector_load %arg16[%get3A_173, %get3A_174] {strides = array<i32>} : memref<128x128xbf16, #tpu.memory_space<vmem>>, vector<2x16xbf16>,
        %get3A_176 = vector.shape_cast %get3A_175 : vector<2x16xbf16> to vector<2x16xbf16>
        %convert_element_type3A_177 = arith.extf %get3A_176 : vector<2x16xbf16> to vector<2x16xf32>
        %get3A_178 = arith.index_cast %multiple_of3A : i32 to index
        %get3A_179 = arith.constant 32 : index
        %get3A_180 = tpu.vector_load %arg18[%get3A_178, %get3A_179] {strides = array<i32>} : memref<128x128xf32, #tpu.memory_space<vmem>>, vector<2x16xf32>,
        %get3A_181 = vector.shape_cast %get3A_180 : vector<2x16xf32> to vector<2x16xf32>
        %add3A_182 = arith.addf %convert_element_type3A_177, %get3A_181 : vector<2x16xf32>
        %max3A_183 = arith.constant 0.000000e+00 : f32
        %max3A_184 = vector.broadcast %max3A_183 : f32 to vector<2x16xf32>
        %max3A_185 = arith.maximumf %add3A_182, %max3A_184 : vector<2x16xf32>
        %swap3A_186 = arith.index_cast %multiple_of3A : i32 to index
        %swap3A_187 = arith.constant 32 : index
        %swap3A_188 = tpu.vector_load %arg18[%swap3A_186, %swap3A_187] {strides = array<i32>} : memref<128x128xf32, #tpu.memory_space<vmem>>, vector<2x16xf32>,
        %swap3A_189 = vector.shape_cast %swap3A_188 : vector<2x16xf32> to vector<2x16xf32>
        %swap3A_190 = vector.shape_cast %max3A_185 : vector<2x16xf32> to vector<2x16xf32>
        tpu.vector_store %arg18[%swap3A_186, %swap3A_187], %swap3A_190 {strides = array<i32>} : memref<128x128xf32, #tpu.memory_space<vmem>>, vector<2x16xf32>,
        %get3A_191 = arith.index_cast %multiple_of3A : i32 to index
        %get3A_192 = arith.constant 48 : index
        %get3A_193 = tpu.vector_load %arg16[%get3A_191, %get3A_192] {strides = array<i32>} : memref<128x128xbf16, #tpu.memory_space<vmem>>, vector<2x16xbf16>,
        %get3A_194 = vector.shape_cast %get3A_193 : vector<2x16xbf16> to vector<2x16xbf16>
        %convert_element_type3A_195 = arith.extf %get3A_194 : vector<2x16xbf16> to vector<2x16xf32>
        %get3A_196 = arith.index_cast %multiple_of3A : i32 to index
        %get3A_197 = arith.constant 48 : index
        %get3A_198 = tpu.vector_load %arg18[%get3A_196, %get3A_197] {strides = array<i32>} : memref<128x128xf32, #tpu.memory_space<vmem>>, vector<2x16xf32>,
        %get3A_199 = vector.shape_cast %get3A_198 : vector<2x16xf32> to vector<2x16xf32>
        %add3A_200 = arith.addf %convert_element_type3A_195, %get3A_199 : vector<2x16xf32>
        %max3A_201 = arith.constant 0.000000e+00 : f32
        %max3A_202 = vector.broadcast %max3A_201 : f32 to vector<2x16xf32>
        %max3A_203 = arith.maximumf %add3A_200, %max3A_202 : vector<2x16xf32>
        %swap3A_204 = arith.index_cast %multiple_of3A : i32 to index
        %swap3A_205 = arith.constant 48 : index
        %swap3A_206 = tpu.vector_load %arg18[%swap3A_204, %swap3A_205] {strides = array<i32>} : memref<128x128xf32, #tpu.memory_space<vmem>>, vector<2x16xf32>,
        %swap3A_207 = vector.shape_cast %swap3A_206 : vector<2x16xf32> to vector<2x16xf32>
        %swap3A_208 = vector.shape_cast %max3A_203 : vector<2x16xf32> to vector<2x16xf32>
        tpu.vector_store %arg18[%swap3A_204, %swap3A_205], %swap3A_208 {strides = array<i32>} : memref<128x128xf32, #tpu.memory_space<vmem>>, vector<2x16xf32>,
        %get3A_209 = arith.index_cast %multiple_of3A : i32 to index
        %get3A_210 = arith.constant 64 : index
        %get3A_211 = tpu.vector_load %arg16[%get3A_209, %get3A_210] {strides = array<i32>} : memref<128x128xbf16, #tpu.memory_space<vmem>>, vector<2x16xbf16>,
        %get3A_212 = vector.shape_cast %get3A_211 : vector<2x16xbf16> to vector<2x16xbf16>
        %convert_element_type3A_213 = arith.extf %get3A_212 : vector<2x16xbf16> to vector<2x16xf32>
        %get3A_214 = arith.index_cast %multiple_of3A : i32 to index
        %get3A_215 = arith.constant 64 : index
        %get3A_216 = tpu.vector_load %arg18[%get3A_214, %get3A_215] {strides = array<i32>} : memref<128x128xf32, #tpu.memory_space<vmem>>, vector<2x16xf32>,
        %get3A_217 = vector.shape_cast %get3A_216 : vector<2x16xf32> to vector<2x16xf32>
        %add3A_218 = arith.addf %convert_element_type3A_213, %get3A_217 : vector<2x16xf32>
        %max3A_219 = arith.constant 0.000000e+00 : f32
        %max3A_220 = vector.broadcast %max3A_219 : f32 to vector<2x16xf32>
        %max3A_221 = arith.maximumf %add3A_218, %max3A_220 : vector<2x16xf32>
        %swap3A_222 = arith.index_cast %multiple_of3A : i32 to index
        %swap3A_223 = arith.constant 64 : index
        %swap3A_224 = tpu.vector_load %arg18[%swap3A_222, %swap3A_223] {strides = array<i32>} : memref<128x128xf32, #tpu.memory_space<vmem>>, vector<2x16xf32>,
        %swap3A_225 = vector.shape_cast %swap3A_224 : vector<2x16xf32> to vector<2x16xf32>
        %swap3A_226 = vector.shape_cast %max3A_221 : vector<2x16xf32> to vector<2x16xf32>
        tpu.vector_store %arg18[%swap3A_222, %swap3A_223], %swap3A_226 {strides = array<i32>} : memref<128x128xf32, #tpu.memory_space<vmem>>, vector<2x16xf32>,
        %get3A_227 = arith.index_cast %multiple_of3A : i32 to index
        %get3A_228 = arith.constant 80 : index
        %get3A_229 = tpu.vector_load %arg16[%get3A_227, %get3A_228] {strides = array<i32>} : memref<128x128xbf16, #tpu.memory_space<vmem>>, vector<2x16xbf16>,
        %get3A_230 = vector.shape_cast %get3A_229 : vector<2x16xbf16> to vector<2x16xbf16>
        %convert_element_type3A_231 = arith.extf %get3A_230 : vector<2x16xbf16> to vector<2x16xf32>
        %get3A_232 = arith.index_cast %multiple_of3A : i32 to index
        %get3A_233 = arith.constant 80 : index
        %get3A_234 = tpu.vector_load %arg18[%get3A_232, %get3A_233] {strides = array<i32>} : memref<128x128xf32, #tpu.memory_space<vmem>>, vector<2x16xf32>,
        %get3A_235 = vector.shape_cast %get3A_234 : vector<2x16xf32> to vector<2x16xf32>
        %add3A_236 = arith.addf %convert_element_type3A_231, %get3A_235 : vector<2x16xf32>
        %max3A_237 = arith.constant 0.000000e+00 : f32
        %max3A_238 = vector.broadcast %max3A_237 : f32 to vector<2x16xf32>
        %max3A_239 = arith.maximumf %add3A_236, %max3A_238 : vector<2x16xf32>
        %swap3A_240 = arith.index_cast %multiple_of3A : i32 to index
        %swap3A_241 = arith.constant 80 : index
        %swap3A_242 = tpu.vector_load %arg18[%swap3A_240, %swap3A_241] {strides = array<i32>} : memref<128x128xf32, #tpu.memory_space<vmem>>, vector<2x16xf32>,
        %swap3A_243 = vector.shape_cast %swap3A_242 : vector<2x16xf32> to vector<2x16xf32>
        %swap3A_244 = vector.shape_cast %max3A_239 : vector<2x16xf32> to vector<2x16xf32>
        tpu.vector_store %arg18[%swap3A_240, %swap3A_241], %swap3A_244 {strides = array<i32>} : memref<128x128xf32, #tpu.memory_space<vmem>>, vector<2x16xf32>,
        %get3A_245 = arith.index_cast %multiple_of3A : i32 to index
        %get3A_246 = arith.constant 96 : index
        %get3A_247 = tpu.vector_load %arg16[%get3A_245, %get3A_246] {strides = array<i32>} : memref<128x128xbf16, #tpu.memory_space<vmem>>, vector<2x16xbf16>,
        %get3A_248 = vector.shape_cast %get3A_247 : vector<2x16xbf16> to vector<2x16xbf16>
        %convert_element_type3A_249 = arith.extf %get3A_248 : vector<2x16xbf16> to vector<2x16xf32>
        %get3A_250 = arith.index_cast %multiple_of3A : i32 to index
        %get3A_251 = arith.constant 96 : index
        %get3A_252 = tpu.vector_load %arg18[%get3A_250, %get3A_251] {strides = array<i32>} : memref<128x128xf32, #tpu.memory_space<vmem>>, vector<2x16xf32>,
        %get3A_253 = vector.shape_cast %get3A_252 : vector<2x16xf32> to vector<2x16xf32>
        %add3A_254 = arith.addf %convert_element_type3A_249, %get3A_253 : vector<2x16xf32>
        %max3A_255 = arith.constant 0.000000e+00 : f32
        %max3A_256 = vector.broadcast %max3A_255 : f32 to vector<2x16xf32>
        %max3A_257 = arith.maximumf %add3A_254, %max3A_256 : vector<2x16xf32>
        %swap3A_258 = arith.index_cast %multiple_of3A : i32 to index
        %swap3A_259 = arith.constant 96 : index
        %swap3A_260 = tpu.vector_load %arg18[%swap3A_258, %swap3A_259] {strides = array<i32>} : memref<128x128xf32, #tpu.memory_space<vmem>>, vector<2x16xf32>,
        %swap3A_261 = vector.shape_cast %swap3A_260 : vector<2x16xf32> to vector<2x16xf32>
        %swap3A_262 = vector.shape_cast %max3A_257 : vector<2x16xf32> to vector<2x16xf32>
        tpu.vector_store %arg18[%swap3A_258, %swap3A_259], %swap3A_262 {strides = array<i32>} : memref<128x128xf32, #tpu.memory_space<vmem>>, vector<2x16xf32>,
        %get3A_263 = arith.index_cast %multiple_of3A : i32 to index
        %get3A_264 = arith.constant 112 : index
        %get3A_265 = tpu.vector_load %arg16[%get3A_263, %get3A_264] {strides = array<i32>} : memref<128x128xbf16, #tpu.memory_space<vmem>>, vector<2x16xbf16>,
        %get3A_266 = vector.shape_cast %get3A_265 : vector<2x16xbf16> to vector<2x16xbf16>
        %convert_element_type3A_267 = arith.extf %get3A_266 : vector<2x16xbf16> to vector<2x16xf32>
        %get3A_268 = arith.index_cast %multiple_of3A : i32 to index
        %get3A_269 = arith.constant 112 : index
        %get3A_270 = tpu.vector_load %arg18[%get3A_268, %get3A_269] {strides = array<i32>} : memref<128x128xf32, #tpu.memory_space<vmem>>, vector<2x16xf32>,
        %get3A_271 = vector.shape_cast %get3A_270 : vector<2x16xf32> to vector<2x16xf32>
        %add3A_272 = arith.addf %convert_element_type3A_267, %get3A_271 : vector<2x16xf32>
        %max3A_273 = arith.constant 0.000000e+00 : f32
        %max3A_274 = vector.broadcast %max3A_273 : f32 to vector<2x16xf32>
        %max3A_275 = arith.maximumf %add3A_272, %max3A_274 : vector<2x16xf32>
        %swap3A_276 = arith.index_cast %multiple_of3A : i32 to index
        %swap3A_277 = arith.constant 112 : index
        %swap3A_278 = tpu.vector_load %arg18[%swap3A_276, %swap3A_277] {strides = array<i32>} : memref<128x128xf32, #tpu.memory_space<vmem>>, vector<2x16xf32>,
        %swap3A_279 = vector.shape_cast %swap3A_278 : vector<2x16xf32> to vector<2x16xf32>
        %swap3A_280 = vector.shape_cast %max3A_275 : vector<2x16xf32> to vector<2x16xf32>
        tpu.vector_store %arg18[%swap3A_276, %swap3A_277], %swap3A_280 {strides = array<i32>} : memref<128x128xf32, #tpu.memory_space<vmem>>, vector<2x16xf32>,
      }
      %scan3A_136 = arith.constant 64 : i32
      "tpu.region"() ({
        %run_scoped3A = tpu.sem_alloc : memref<!tpu.dma_semaphore, #tpu.memory_space<semaphore_mem>>
        %dma_start3A_137 = arith.constant 0 : i32
        %dma_start3A_138 = arith.constant 0 : i32
        %dma_start3A_139 = tpu.memref_slice %arg20[%dma_start3A_137, %dma_start3A_138] : memref<10000x128xf32, #tpu.memory_space<vmem_shared>> -> memref<10000x128xf32, #tpu.memory_space<vmem_shared>>
        tpu.enqueue_indirect_dma source(%arg18 : memref<128x128xf32, #tpu.memory_space<vmem>>) target(%dma_start3A_139 : memref<10000x128xf32, #tpu.memory_space<vmem_shared>>) offsets(%arg12 : memref<128xi32, #tpu.memory_space<vmem>>) semaphore(%run_scoped3A : memref<!tpu.dma_semaphore, #tpu.memory_space<semaphore_mem>>) {add = true}
        %dma_wait3A_140 = arith.constant 0 : i32
        %dma_wait3A_141 = arith.constant 0 : i32
        %dma_wait3A_142 = tpu.memref_slice %arg20[%dma_wait3A_140, %dma_wait3A_141] : memref<10000x128xf32, #tpu.memory_space<vmem_shared>> -> memref<10000x128xf32, #tpu.memory_space<vmem_shared>>
        tpu.wait_indirect_dma semaphore(%run_scoped3A : memref<!tpu.dma_semaphore, #tpu.memory_space<semaphore_mem>>) src(%arg18 : memref<128x128xf32, #tpu.memory_space<vmem>>) dst(%dma_wait3A_142 : memref<10000x128xf32, #tpu.memory_space<vmem_shared>>)
        tpu.yield
      }) : () -> ()
    } else {
    }
    %barrier3A_86 = arith.constant 0 : index
    tpu.barrier barrier_id(%barrier3A_86)
    %mul3A_87 = arith.constant 624 : i32
    %mul3A_88 = arith.muli %arg1, %mul3A_87 : i32
    %mul3A_89 = arith.constant 10000 : i32
    %mul3A_90 = arith.muli %arg0, %mul3A_89 : i32
    %mul3A_91 = arith.constant 624 : i32
    %mul3A_92 = arith.muli %arg1, %mul3A_91 : i32
    %add3A_93 = arith.addi %mul3A_90, %mul3A_92 : i32
    "tpu.region"() ({
      %run_scoped3A = tpu.sem_alloc : memref<!tpu.dma_semaphore, #tpu.memory_space<semaphore_mem>>
      %dma_start3A_99 = arith.constant 0 : i32
      %dma_start3A_100 = tpu.memref_slice %arg7[%add3A_93, %dma_start3A_99] : memref<20000x128xf32, #tpu.memory_space<hbm>> -> memref<624x128xf32, #tpu.memory_space<hbm>>
      %dma_start3A_101 = arith.constant 0 : i32
      %dma_start3A_102 = tpu.memref_slice %arg20[%mul3A_88, %dma_start3A_101] : memref<10000x128xf32, #tpu.memory_space<vmem_shared>> -> memref<624x128xf32, #tpu.memory_space<vmem_shared>>
      tpu.enqueue_dma source(%dma_start3A_102 : memref<624x128xf32, #tpu.memory_space<vmem_shared>>) target(%dma_start3A_100 : memref<624x128xf32, #tpu.memory_space<hbm>>) target_semaphore(%run_scoped3A : memref<!tpu.dma_semaphore, #tpu.memory_space<semaphore_mem>>)
      %dma_wait3A_103 = arith.constant 0 : i32
      %dma_wait3A_104 = tpu.memref_slice %arg7[%add3A_93, %dma_wait3A_103] : memref<20000x128xf32, #tpu.memory_space<hbm>> -> memref<624x128xf32, #tpu.memory_space<hbm>>
      %dma_wait3A_105 = arith.constant 0 : i32
      %dma_wait3A_106 = tpu.memref_slice %arg20[%mul3A_88, %dma_wait3A_105] : memref<10000x128xf32, #tpu.memory_space<vmem_shared>> -> memref<624x128xf32, #tpu.memory_space<vmem_shared>>
      tpu.wait_dma2 semaphore(%run_scoped3A : memref<!tpu.dma_semaphore, #tpu.memory_space<semaphore_mem>>) src(%dma_wait3A_106 : memref<624x128xf32, #tpu.memory_space<vmem_shared>>) dst(%dma_wait3A_104 : memref<624x128xf32, #tpu.memory_space<hbm>>)
      tpu.yield
    }) : () -> ()
    %eq3A_94 = arith.constant 15 : i32
    %eq3A_95 = arith.cmpi eq, %arg1, %eq3A_94 : i32
    %convert_element_type3A_96 = arith.extui %eq3A_95 : i1 to i32
    %cond3A_97 = arith.constant 0 : i32
    %cond3A_98 = arith.cmpi ne, %convert_element_type3A_96, %cond3A_97 : i32
    scf.if %cond3A_98 {
      %mul3A_99 = arith.constant 10000 : i32
      %mul3A_100 = arith.muli %arg0, %mul3A_99 : i32
      %add3A_101 = arith.constant 9984 : i32
      %add3A_102 = arith.addi %mul3A_100, %add3A_101 : i32
      "tpu.region"() ({
        %run_scoped3A = tpu.sem_alloc : memref<!tpu.dma_semaphore, #tpu.memory_space<semaphore_mem>>
        %dma_start3A_103 = arith.constant 0 : i32
        %dma_start3A_104 = tpu.memref_slice %arg7[%add3A_102, %dma_start3A_103] : memref<20000x128xf32, #tpu.memory_space<hbm>> -> memref<16x128xf32, #tpu.memory_space<hbm>>
        %dma_start3A_105 = arith.constant 9984 : i32
        %dma_start3A_106 = arith.constant 0 : i32
        %dma_start3A_107 = tpu.memref_slice %arg20[%dma_start3A_105, %dma_start3A_106] : memref<10000x128xf32, #tpu.memory_space<vmem_shared>> -> memref<16x128xf32, #tpu.memory_space<vmem_shared>>
        tpu.enqueue_dma source(%dma_start3A_107 : memref<16x128xf32, #tpu.memory_space<vmem_shared>>) target(%dma_start3A_104 : memref<16x128xf32, #tpu.memory_space<hbm>>) target_semaphore(%run_scoped3A : memref<!tpu.dma_semaphore, #tpu.memory_space<semaphore_mem>>)
        %dma_wait3A_108 = arith.constant 0 : i32
        %dma_wait3A_109 = tpu.memref_slice %arg7[%add3A_102, %dma_wait3A_108] : memref<20000x128xf32, #tpu.memory_space<hbm>> -> memref<16x128xf32, #tpu.memory_space<hbm>>
        %dma_wait3A_110 = arith.constant 9984 : i32
        %dma_wait3A_111 = arith.constant 0 : i32
        %dma_wait3A_112 = tpu.memref_slice %arg20[%dma_wait3A_110, %dma_wait3A_111] : memref<10000x128xf32, #tpu.memory_space<vmem_shared>> -> memref<16x128xf32, #tpu.memory_space<vmem_shared>>
        tpu.wait_dma2 semaphore(%run_scoped3A : memref<!tpu.dma_semaphore, #tpu.memory_space<semaphore_mem>>) src(%dma_wait3A_112 : memref<16x128xf32, #tpu.memory_space<vmem_shared>>) dst(%dma_wait3A_109 : memref<16x128xf32, #tpu.memory_space<hbm>>)
        tpu.yield
      }) : () -> ()
    } else {
    }
    return
  }
}

module attributes {stable_mosaic.version = 14 : i64} {
  func.func @_front_body(%arg0: i32, %arg1: memref<10000x128xf32, #tpu.memory_space<vmem>>, %arg2: memref<128x128xf32, #tpu.memory_space<vmem>>, %arg3: memref<16x128xf32, #tpu.memory_space<vmem>>, %arg4: memref<8x16xf32, #tpu.memory_space<vmem>>, %arg5: memref<1x128xf32, #tpu.memory_space<vmem>>, %arg6: memref<1x128xf32, #tpu.memory_space<vmem>>, %arg7: memref<1x128xf32, #tpu.memory_space<vmem>>, %arg8: memref<8000x16xf32, #tpu.memory_space<vmem>>, %arg9: memref<16x128xf32, #tpu.memory_space<vmem>>, %arg10: memref<1x128xf32, #tpu.memory_space<vmem>>, %arg11: memref<10000x128xf32, #tpu.memory_space<vmem>>, %arg12: memref<8000x128xbf16, #tpu.memory_space<vmem>>) attributes {dimension_semantics = [#tpu.dimension_semantics<arbitrary>], iteration_bounds = array<i64: 40>, scalar_prefetch = 0 : i64, scratch_operands = 0 : i64, tpu.core_type = #tpu.core_type<tc>, window_params = [{pipeline_mode = #tpu.pipeline_mode<synchronous>, transform_indices = @transform_0, window_bounds = array<i64: 10000, 128>}, {pipeline_mode = #tpu.pipeline_mode<synchronous>, transform_indices = @transform_1, window_bounds = array<i64: 128, 128>}, {pipeline_mode = #tpu.pipeline_mode<synchronous>, transform_indices = @transform_2, window_bounds = array<i64: 16, 128>}, {pipeline_mode = #tpu.pipeline_mode<synchronous>, transform_indices = @transform_3, window_bounds = array<i64: 8, 16>}, {pipeline_mode = #tpu.pipeline_mode<synchronous>, transform_indices = @transform_4, window_bounds = array<i64: 1, 128>}, {pipeline_mode = #tpu.pipeline_mode<synchronous>, transform_indices = @transform_5, window_bounds = array<i64: 1, 128>}, {pipeline_mode = #tpu.pipeline_mode<synchronous>, transform_indices = @transform_6, window_bounds = array<i64: 1, 128>}, {transform_indices = @transform_7, window_bounds = array<i64: 8000, 16>}, {pipeline_mode = #tpu.pipeline_mode<synchronous>, transform_indices = @transform_8, window_bounds = array<i64: 16, 128>}, {pipeline_mode = #tpu.pipeline_mode<synchronous>, transform_indices = @transform_9, window_bounds = array<i64: 1, 128>}, {pipeline_mode = #tpu.pipeline_mode<synchronous>, transform_indices = @transform_10, window_bounds = array<i64: 10000, 128>}, {transform_indices = @transform_11, window_bounds = array<i64: 8000, 128>}]} {
    %eq3A = arith.constant 0 : i32
    %eq3A_0 = arith.cmpi eq, %arg0, %eq3A : i32
    %convert_element_type3A = arith.extui %eq3A_0 : i1 to i32
    %cond3A = arith.constant 0 : i32
    %cond3A_1 = arith.cmpi ne, %convert_element_type3A, %cond3A : i32
    scf.if %cond3A_1 {
      %get3A_15 = arith.constant 0 : index
      %get3A_16 = arith.constant 0 : index
      %get3A_17 = vector.load %arg1[%get3A_15, %get3A_16] : memref<10000x128xf32, #tpu.memory_space<vmem>>, vector<10000x128xf32>
      %get3A_18 = arith.constant 0 : index
      %get3A_19 = arith.constant 0 : index
      %get3A_20 = vector.load %arg2[%get3A_18, %get3A_19] : memref<128x128xf32, #tpu.memory_space<vmem>>, vector<128x128xf32>
      %dot_general3A_21 = arith.constant dense<0.000000e+00> : vector<10000x128xf32>
      %dot_general3A_22 = tpu.matmul %get3A_17, %get3A_20, %dot_general3A_21 {dimension_numbers = #tpu.dot_dimension_numbers<[1], [0], [0], [1], [0, 0, 1, 1], [], []>, transpose_lhs_hint = false} : vector<10000x128xf32>, vector<128x128xf32>, vector<10000x128xf32> -> vector<10000x128xf32>
      %iota3A = tpu.iota {dimensions = array<i32: 0>} : vector<10000x8xi32>
      %lt3A = arith.constant 32 : i32
      %lt3A_23 = vector.broadcast %lt3A : i32 to vector<10000x8xi32>
      %lt3A_24 = arith.cmpi slt, %iota3A, %lt3A_23 : vector<10000x8xi32>
      %jit3A = arith.constant 4 : i32
      %div3A = vector.broadcast %jit3A : i32 to vector<10000x8xi32>
      %div3A_25 = arith.divsi %iota3A, %div3A : vector<10000x8xi32>
      %sign3A = arith.constant 0 : i32
      %sign3A_26 = vector.broadcast %sign3A : i32 to vector<10000x8xi32>
      %sign3A_27 = arith.cmpi sgt, %iota3A, %sign3A_26 : vector<10000x8xi32>
      %sign3A_28 = arith.extui %sign3A_27 : vector<10000x8xi1> to vector<10000x8xi32>
      %sign3A_29 = arith.constant 0 : i32
      %sign3A_30 = vector.broadcast %sign3A_29 : i32 to vector<10000x8xi32>
      %sign3A_31 = arith.cmpi slt, %iota3A, %sign3A_30 : vector<10000x8xi32>
      %sign3A_32 = arith.extui %sign3A_31 : vector<10000x8xi1> to vector<10000x8xi32>
      %sign3A_33 = arith.subi %sign3A_28, %sign3A_32 : vector<10000x8xi32>
      %sign3A_34 = arith.constant 0 : i32
      %sign3A_35 = arith.cmpi sgt, %jit3A, %sign3A_34 : i32
      %sign3A_36 = arith.extui %sign3A_35 : i1 to i32
      %sign3A_37 = arith.constant 0 : i32
      %sign3A_38 = arith.cmpi slt, %jit3A, %sign3A_37 : i32
      %sign3A_39 = arith.extui %sign3A_38 : i1 to i32
      %sign3A_40 = arith.subi %sign3A_36, %sign3A_39 : i32
      %ne3A = vector.broadcast %sign3A_40 : i32 to vector<10000x8xi32>
      %ne3A_41 = arith.cmpi ne, %sign3A_33, %ne3A : vector<10000x8xi32>
      %rem3A = vector.broadcast %jit3A : i32 to vector<10000x8xi32>
      %rem3A_42 = arith.remsi %iota3A, %rem3A : vector<10000x8xi32>
      %ne3A_43 = arith.constant 0 : i32
      %ne3A_44 = vector.broadcast %ne3A_43 : i32 to vector<10000x8xi32>
      %ne3A_45 = arith.cmpi ne, %rem3A_42, %ne3A_44 : vector<10000x8xi32>
      %and3A = arith.andi %ne3A_41, %ne3A_45 : vector<10000x8xi1>
      %sub3A = arith.constant 1 : i32
      %sub3A_46 = vector.broadcast %sub3A : i32 to vector<10000x8xi32>
      %sub3A_47 = arith.subi %div3A_25, %sub3A_46 : vector<10000x8xi32>
      %select_n3A = arith.select %and3A, %sub3A_47, %div3A_25 : vector<10000x8xi1>, vector<10000x8xi32>
      %jit3A_48 = arith.constant 0 : i32
      %broadcast_in_dim3A = vector.broadcast %jit3A_48 : i32 to vector<10000x8xi32>
      %select_n3A_49 = arith.select %lt3A_24, %select_n3A, %broadcast_in_dim3A : vector<10000x8xi1>, vector<10000x8xi32>
      %iota3A_50 = tpu.iota {dimensions = array<i32: 1>} : vector<10000x8xi32>
      %eq3A_51 = arith.cmpi eq, %select_n3A_49, %iota3A_50 : vector<10000x8xi32>
      %convert_element_type3A_52 = arith.extui %eq3A_51 : vector<10000x8xi1> to vector<10000x8xi32>
      %convert_element_type3A_53 = arith.sitofp %convert_element_type3A_52 : vector<10000x8xi32> to vector<10000x8xf32>
      %get3A_54 = arith.constant 0 : index
      %get3A_55 = arith.constant 0 : index
      %get3A_56 = vector.load %arg4[%get3A_54, %get3A_55] : memref<8x16xf32, #tpu.memory_space<vmem>>, vector<8x16xf32>
      %get3A_57 = arith.constant 0 : index
      %get3A_58 = arith.constant 0 : index
      %get3A_59 = vector.load %arg3[%get3A_57, %get3A_58] : memref<16x128xf32, #tpu.memory_space<vmem>>, vector<16x128xf32>
      %dot_general3A_60 = arith.constant dense<0.000000e+00> : vector<8x128xf32>
      %dot_general3A_61 = tpu.matmul %get3A_56, %get3A_59, %dot_general3A_60 {dimension_numbers = #tpu.dot_dimension_numbers<[1], [0], [0], [1], [0, 0, 1, 1], [], []>, transpose_lhs_hint = false} : vector<8x16xf32>, vector<16x128xf32>, vector<8x128xf32> -> vector<8x128xf32>
      %dot_general3A_62 = arith.constant dense<0.000000e+00> : vector<10000x128xf32>
      %dot_general3A_63 = tpu.matmul %convert_element_type3A_53, %dot_general3A_61, %dot_general3A_62 {dimension_numbers = #tpu.dot_dimension_numbers<[1], [0], [0], [1], [0, 0, 1, 1], [], []>, transpose_lhs_hint = false} : vector<10000x8xf32>, vector<8x128xf32>, vector<10000x128xf32> -> vector<10000x128xf32>
      %add3A_64 = arith.addf %dot_general3A_22, %dot_general3A_63 : vector<10000x128xf32>
      %get3A_65 = arith.constant 0 : index
      %get3A_66 = arith.constant 0 : index
      %get3A_67 = vector.load %arg5[%get3A_65, %get3A_66] : memref<1x128xf32, #tpu.memory_space<vmem>>, vector<1x128xf32>
      %add3A_68 = vector.broadcast %get3A_67 : vector<1x128xf32> to vector<10000x128xf32>
      %add3A_69 = arith.addf %add3A_64, %add3A_68 : vector<10000x128xf32>
      %max3A = arith.constant 0.000000e+00 : f32
      %max3A_70 = vector.broadcast %max3A : f32 to vector<10000x128xf32>
      %max3A_71 = arith.maximumf %add3A_69, %max3A_70 : vector<10000x128xf32>
      %reduce_sum3A = arith.constant dense<0.000000e+00> : vector<128xf32>
      %reduce_sum3A_72 = vector.multi_reduction <add>, %max3A_71, %reduce_sum3A [0] : vector<10000x128xf32> to vector<128xf32>
      %broadcast_in_dim3A_73 = vector.shape_cast %reduce_sum3A_72 : vector<128xf32> to vector<1x128xf32>
      %div3A_74 = arith.constant 1.000000e+04 : f32
      %div3A_75 = vector.broadcast %div3A_74 : f32 to vector<1x128xf32>
      %div3A_76 = arith.divf %broadcast_in_dim3A_73, %div3A_75 : vector<1x128xf32>
      %sub3A_77 = vector.broadcast %div3A_76 : vector<1x128xf32> to vector<10000x128xf32>
      %sub3A_78 = arith.subf %max3A_71, %sub3A_77 : vector<10000x128xf32>
      %integer_pow3A = arith.mulf %sub3A_78, %sub3A_78 : vector<10000x128xf32>
      %reduce_sum3A_79 = arith.constant dense<0.000000e+00> : vector<128xf32>
      %reduce_sum3A_80 = vector.multi_reduction <add>, %integer_pow3A, %reduce_sum3A_79 [0] : vector<10000x128xf32> to vector<128xf32>
      %broadcast_in_dim3A_81 = vector.shape_cast %reduce_sum3A_80 : vector<128xf32> to vector<1x128xf32>
      %div3A_82 = arith.constant 1.000000e+04 : f32
      %div3A_83 = vector.broadcast %div3A_82 : f32 to vector<1x128xf32>
      %div3A_84 = arith.divf %broadcast_in_dim3A_81, %div3A_83 : vector<1x128xf32>
      %sub3A_85 = vector.broadcast %div3A_76 : vector<1x128xf32> to vector<10000x128xf32>
      %sub3A_86 = arith.subf %max3A_71, %sub3A_85 : vector<10000x128xf32>
      %add3A_87 = arith.constant 9.99999974E-6 : f32
      %add3A_88 = vector.broadcast %add3A_87 : f32 to vector<1x128xf32>
      %add3A_89 = arith.addf %div3A_84, %add3A_88 : vector<1x128xf32>
      %rsqrt3A = math.rsqrt %add3A_89 : vector<1x128xf32>
      %mul3A = vector.broadcast %rsqrt3A : vector<1x128xf32> to vector<10000x128xf32>
      %mul3A_90 = arith.mulf %sub3A_86, %mul3A : vector<10000x128xf32>
      %get3A_91 = arith.constant 0 : index
      %get3A_92 = arith.constant 0 : index
      %get3A_93 = vector.load %arg6[%get3A_91, %get3A_92] : memref<1x128xf32, #tpu.memory_space<vmem>>, vector<1x128xf32>
      %mul3A_94 = vector.broadcast %get3A_93 : vector<1x128xf32> to vector<10000x128xf32>
      %mul3A_95 = arith.mulf %mul3A_90, %mul3A_94 : vector<10000x128xf32>
      %get3A_96 = arith.constant 0 : index
      %get3A_97 = arith.constant 0 : index
      %get3A_98 = vector.load %arg7[%get3A_96, %get3A_97] : memref<1x128xf32, #tpu.memory_space<vmem>>, vector<1x128xf32>
      %add3A_99 = vector.broadcast %get3A_98 : vector<1x128xf32> to vector<10000x128xf32>
      %add3A_100 = arith.addf %mul3A_95, %add3A_99 : vector<10000x128xf32>
      %swap3A_101 = arith.constant 0 : index
      %swap3A_102 = arith.constant 0 : index
      %swap3A_103 = vector.load %arg11[%swap3A_101, %swap3A_102] : memref<10000x128xf32, #tpu.memory_space<vmem>>, vector<10000x128xf32>
      tpu.vector_store %arg11[%swap3A_101, %swap3A_102], %add3A_100 {strides = array<i32>} : memref<10000x128xf32, #tpu.memory_space<vmem>>, vector<10000x128xf32>,
    } else {
    }
    %get3A = arith.constant 0 : index
    %get3A_2 = arith.constant 0 : index
    %get3A_3 = vector.load %arg8[%get3A, %get3A_2] : memref<8000x16xf32, #tpu.memory_space<vmem>>, vector<8000x16xf32>
    %get3A_4 = arith.constant 0 : index
    %get3A_5 = arith.constant 0 : index
    %get3A_6 = vector.load %arg9[%get3A_4, %get3A_5] : memref<16x128xf32, #tpu.memory_space<vmem>>, vector<16x128xf32>
    %dot_general3A = arith.constant dense<0.000000e+00> : vector<8000x128xf32>
    %dot_general3A_7 = tpu.matmul %get3A_3, %get3A_6, %dot_general3A {dimension_numbers = #tpu.dot_dimension_numbers<[1], [0], [0], [1], [0, 0, 1, 1], [], []>, transpose_lhs_hint = false} : vector<8000x16xf32>, vector<16x128xf32>, vector<8000x128xf32> -> vector<8000x128xf32>
    %get3A_8 = arith.constant 0 : index
    %get3A_9 = arith.constant 0 : index
    %get3A_10 = vector.load %arg10[%get3A_8, %get3A_9] : memref<1x128xf32, #tpu.memory_space<vmem>>, vector<1x128xf32>
    %add3A = vector.broadcast %get3A_10 : vector<1x128xf32> to vector<8000x128xf32>
    %add3A_11 = arith.addf %dot_general3A_7, %add3A : vector<8000x128xf32>
    %convert_element_type3A_12 = arith.truncf %add3A_11 : vector<8000x128xf32> to vector<8000x128xbf16>
    %swap3A = arith.constant 0 : index
    %swap3A_13 = arith.constant 0 : index
    %swap3A_14 = vector.load %arg12[%swap3A, %swap3A_13] : memref<8000x128xbf16, #tpu.memory_space<vmem>>, vector<8000x128xbf16>
    tpu.vector_store %arg12[%swap3A, %swap3A_13], %convert_element_type3A_12 {strides = array<i32>} : memref<8000x128xbf16, #tpu.memory_space<vmem>>, vector<8000x128xbf16>,
    return
  }
  func.func @transform_0(%arg0: i32) -> (i32, i32) {
    %c0_i32 = arith.constant 0 : i32
    %c0_i32_0 = arith.constant 0 : i32
    %c0_i32_1 = arith.constant 0 : i32
    return %c0_i32, %c0_i32_0 : i32, i32
  }
  func.func @transform_1(%arg0: i32) -> (i32, i32) {
    %c0_i32 = arith.constant 0 : i32
    %c0_i32_0 = arith.constant 0 : i32
    %c0_i32_1 = arith.constant 0 : i32
    return %c0_i32, %c0_i32_0 : i32, i32
  }
  func.func @transform_2(%arg0: i32) -> (i32, i32) {
    %c0_i32 = arith.constant 0 : i32
    %c0_i32_0 = arith.constant 0 : i32
    %c0_i32_1 = arith.constant 0 : i32
    return %c0_i32, %c0_i32_0 : i32, i32
  }
  func.func @transform_3(%arg0: i32) -> (i32, i32) {
    %c0_i32 = arith.constant 0 : i32
    %c0_i32_0 = arith.constant 0 : i32
    %c0_i32_1 = arith.constant 0 : i32
    return %c0_i32, %c0_i32_0 : i32, i32
  }
  func.func @transform_4(%arg0: i32) -> (i32, i32) {
    %c0_i32 = arith.constant 0 : i32
    %c0_i32_0 = arith.constant 0 : i32
    %c0_i32_1 = arith.constant 0 : i32
    return %c0_i32, %c0_i32_0 : i32, i32
  }
  func.func @transform_5(%arg0: i32) -> (i32, i32) {
    %c0_i32 = arith.constant 0 : i32
    %c0_i32_0 = arith.constant 0 : i32
    %c0_i32_1 = arith.constant 0 : i32
    return %c0_i32, %c0_i32_0 : i32, i32
  }
  func.func @transform_6(%arg0: i32) -> (i32, i32) {
    %c0_i32 = arith.constant 0 : i32
    %c0_i32_0 = arith.constant 0 : i32
    %c0_i32_1 = arith.constant 0 : i32
    return %c0_i32, %c0_i32_0 : i32, i32
  }
  func.func @transform_7(%arg0: i32) -> (i32, i32) {
    %c0_i32 = arith.constant 0 : i32
    %c0_i32_0 = arith.constant 0 : i32
    return %arg0, %c0_i32 : i32, i32
  }
  func.func @transform_8(%arg0: i32) -> (i32, i32) {
    %c0_i32 = arith.constant 0 : i32
    %c0_i32_0 = arith.constant 0 : i32
    %c0_i32_1 = arith.constant 0 : i32
    return %c0_i32, %c0_i32_0 : i32, i32
  }
  func.func @transform_9(%arg0: i32) -> (i32, i32) {
    %c0_i32 = arith.constant 0 : i32
    %c0_i32_0 = arith.constant 0 : i32
    %c0_i32_1 = arith.constant 0 : i32
    return %c0_i32, %c0_i32_0 : i32, i32
  }
  func.func @transform_10(%arg0: i32) -> (i32, i32) {
    %c0_i32 = arith.constant 0 : i32
    %c0_i32_0 = arith.constant 0 : i32
    %c0_i32_1 = arith.constant 0 : i32
    return %c0_i32, %c0_i32_0 : i32, i32
  }
  func.func @transform_11(%arg0: i32) -> (i32, i32) {
    %c0_i32 = arith.constant 0 : i32
    %c0_i32_0 = arith.constant 0 : i32
    return %arg0, %c0_i32 : i32, i32
  }
}

module attributes {stable_mosaic.version = 14 : i64} {
  func.func @_finish_body(%arg0: i32, %arg1: memref<2000x128xf32, #tpu.memory_space<vmem>>, %arg2: memref<2000x128xf32, #tpu.memory_space<vmem>>, %arg3: memref<2000x128xf32, #tpu.memory_space<vmem>>, %arg4: memref<128x128xf32, #tpu.memory_space<vmem>>, %arg5: memref<1x128xf32, #tpu.memory_space<vmem>>, %arg6: memref<128x128xf32, #tpu.memory_space<vmem>>, %arg7: memref<1x128xf32, #tpu.memory_space<vmem>>, %arg8: memref<2000x128xf32, #tpu.memory_space<vmem>>) attributes {dimension_semantics = [#tpu.dimension_semantics<arbitrary>], iteration_bounds = array<i64: 5>, scalar_prefetch = 0 : i64, scratch_operands = 0 : i64, tpu.core_type = #tpu.core_type<tc>, window_params = [{transform_indices = @transform_0, window_bounds = array<i64: 2000, 128>}, {transform_indices = @transform_1, window_bounds = array<i64: 2000, 128>}, {transform_indices = @transform_2, window_bounds = array<i64: 2000, 128>}, {pipeline_mode = #tpu.pipeline_mode<synchronous>, transform_indices = @transform_3, window_bounds = array<i64: 128, 128>}, {pipeline_mode = #tpu.pipeline_mode<synchronous>, transform_indices = @transform_4, window_bounds = array<i64: 1, 128>}, {pipeline_mode = #tpu.pipeline_mode<synchronous>, transform_indices = @transform_5, window_bounds = array<i64: 128, 128>}, {pipeline_mode = #tpu.pipeline_mode<synchronous>, transform_indices = @transform_6, window_bounds = array<i64: 1, 128>}, {transform_indices = @transform_7, window_bounds = array<i64: 2000, 128>}]} {
    %get3A = arith.constant 0 : index
    %get3A_0 = arith.constant 0 : index
    %get3A_1 = vector.load %arg1[%get3A, %get3A_0] : memref<2000x128xf32, #tpu.memory_space<vmem>>, vector<2000x128xf32>
    %get3A_2 = arith.constant 0 : index
    %get3A_3 = arith.constant 0 : index
    %get3A_4 = vector.load %arg2[%get3A_2, %get3A_3] : memref<2000x128xf32, #tpu.memory_space<vmem>>, vector<2000x128xf32>
    %add3A = arith.addf %get3A_1, %get3A_4 : vector<2000x128xf32>
    %get3A_5 = arith.constant 0 : index
    %get3A_6 = arith.constant 0 : index
    %get3A_7 = vector.load %arg3[%get3A_5, %get3A_6] : memref<2000x128xf32, #tpu.memory_space<vmem>>, vector<2000x128xf32>
    %add3A_8 = arith.addf %add3A, %get3A_7 : vector<2000x128xf32>
    %get3A_9 = arith.constant 0 : index
    %get3A_10 = arith.constant 0 : index
    %get3A_11 = vector.load %arg4[%get3A_9, %get3A_10] : memref<128x128xf32, #tpu.memory_space<vmem>>, vector<128x128xf32>
    %dot_general3A = arith.constant dense<0.000000e+00> : vector<2000x128xf32>
    %dot_general3A_12 = tpu.matmul %add3A_8, %get3A_11, %dot_general3A {dimension_numbers = #tpu.dot_dimension_numbers<[1], [0], [0], [1], [0, 0, 1, 1], [], []>, transpose_lhs_hint = false} : vector<2000x128xf32>, vector<128x128xf32>, vector<2000x128xf32> -> vector<2000x128xf32>
    %get3A_13 = arith.constant 0 : index
    %get3A_14 = arith.constant 0 : index
    %get3A_15 = vector.load %arg5[%get3A_13, %get3A_14] : memref<1x128xf32, #tpu.memory_space<vmem>>, vector<1x128xf32>
    %add3A_16 = vector.broadcast %get3A_15 : vector<1x128xf32> to vector<2000x128xf32>
    %add3A_17 = arith.addf %dot_general3A_12, %add3A_16 : vector<2000x128xf32>
    %max3A = arith.constant 0.000000e+00 : f32
    %max3A_18 = vector.broadcast %max3A : f32 to vector<2000x128xf32>
    %max3A_19 = arith.maximumf %add3A_17, %max3A_18 : vector<2000x128xf32>
    %get3A_20 = arith.constant 0 : index
    %get3A_21 = arith.constant 0 : index
    %get3A_22 = vector.load %arg6[%get3A_20, %get3A_21] : memref<128x128xf32, #tpu.memory_space<vmem>>, vector<128x128xf32>
    %dot_general3A_23 = arith.constant dense<0.000000e+00> : vector<2000x128xf32>
    %dot_general3A_24 = tpu.matmul %max3A_19, %get3A_22, %dot_general3A_23 {dimension_numbers = #tpu.dot_dimension_numbers<[1], [0], [0], [1], [0, 0, 1, 1], [], []>, transpose_lhs_hint = false} : vector<2000x128xf32>, vector<128x128xf32>, vector<2000x128xf32> -> vector<2000x128xf32>
    %get3A_25 = arith.constant 0 : index
    %get3A_26 = arith.constant 0 : index
    %get3A_27 = vector.load %arg7[%get3A_25, %get3A_26] : memref<1x128xf32, #tpu.memory_space<vmem>>, vector<1x128xf32>
    %add3A_28 = vector.broadcast %get3A_27 : vector<1x128xf32> to vector<2000x128xf32>
    %add3A_29 = arith.addf %dot_general3A_24, %add3A_28 : vector<2000x128xf32>
    %max3A_30 = arith.constant 0.000000e+00 : f32
    %max3A_31 = vector.broadcast %max3A_30 : f32 to vector<2000x128xf32>
    %max3A_32 = arith.maximumf %add3A_29, %max3A_31 : vector<2000x128xf32>
    %swap3A = arith.constant 0 : index
    %swap3A_33 = arith.constant 0 : index
    %swap3A_34 = vector.load %arg8[%swap3A, %swap3A_33] : memref<2000x128xf32, #tpu.memory_space<vmem>>, vector<2000x128xf32>
    tpu.vector_store %arg8[%swap3A, %swap3A_33], %max3A_32 {strides = array<i32>} : memref<2000x128xf32, #tpu.memory_space<vmem>>, vector<2000x128xf32>,
    return
  }
  func.func @transform_0(%arg0: i32) -> (i32, i32) {
    %c0_i32 = arith.constant 0 : i32
    %c0_i32_0 = arith.constant 0 : i32
    return %arg0, %c0_i32 : i32, i32
  }
  func.func @transform_1(%arg0: i32) -> (i32, i32) {
    %c0_i32 = arith.constant 0 : i32
    %c0_i32_0 = arith.constant 0 : i32
    return %arg0, %c0_i32 : i32, i32
  }
  func.func @transform_2(%arg0: i32) -> (i32, i32) {
    %c0_i32 = arith.constant 0 : i32
    %c0_i32_0 = arith.constant 0 : i32
    return %arg0, %c0_i32 : i32, i32
  }
  func.func @transform_3(%arg0: i32) -> (i32, i32) {
    %c0_i32 = arith.constant 0 : i32
    %c0_i32_0 = arith.constant 0 : i32
    %c0_i32_1 = arith.constant 0 : i32
    return %c0_i32, %c0_i32_0 : i32, i32
  }
  func.func @transform_4(%arg0: i32) -> (i32, i32) {
    %c0_i32 = arith.constant 0 : i32
    %c0_i32_0 = arith.constant 0 : i32
    %c0_i32_1 = arith.constant 0 : i32
    return %c0_i32, %c0_i32_0 : i32, i32
  }
  func.func @transform_5(%arg0: i32) -> (i32, i32) {
    %c0_i32 = arith.constant 0 : i32
    %c0_i32_0 = arith.constant 0 : i32
    %c0_i32_1 = arith.constant 0 : i32
    return %c0_i32, %c0_i32_0 : i32, i32
  }
  func.func @transform_6(%arg0: i32) -> (i32, i32) {
    %c0_i32 = arith.constant 0 : i32
    %c0_i32_0 = arith.constant 0 : i32
    %c0_i32_1 = arith.constant 0 : i32
    return %c0_i32, %c0_i32_0 : i32, i32
  }
  func.func @transform_7(%arg0: i32) -> (i32, i32) {
    %c0_i32 = arith.constant 0 : i32
    %c0_i32_0 = arith.constant 0 : i32
    return %arg0, %c0_i32 : i32, i32
  }
}

</mosaic_0001>

<sc_bundles>
// kernel: kernel.5.cloned.1.call-start
scs
__scs_entry_jumppad:
0x0: {  	(pc) =	sbr.rel $0x88, $3  }
0x1: {  	(tag) =	ssettag $0x0;
	lr =	simm.s32 $0x1  }
0x2: {  	[smem:$0x3F93] =	sst lr;
	_ =	strace $0xD0000000  }
0x3: {  	_ = 	snop  }
0x4: {  	_ = 	snop  }
0x5: {  	_ = 	snop  }
0x6: {  	_ = 	snop  }
0x7: {  	_ = 	snop  }
__scs_overlays_trampoline_lowered:
0x8: {  	[smem:$0x3FA2] =	sst s0  }
0x9: {  	[smem:$0x3FA3] =	sst s1  }
0xa: {  	[smem:$0x3FA4] =	sst s2  }
0xb: {  	[smem:$0x3FA5] =	sst s3  }
0xc: {  	[smem:$0x3FA6] =	sst s4  }
0xd: {  	[smem:$0x3FA7] =	sst s5  }
0xe: {  	[smem:$0x3FA8] =	sst s6  }
0xf: {  	[smem:$0x3FA9] =	sst s7  }
0x10: {  	[smem:$0x3FAA] =	sst s8  }
0x11: {  	[smem:$0x3FAB] =	sst s9;
	s0 =	simm.s32 @!p0 $0x0  }
0x12: {  	s1 =	sld [smem:$0x3F91];
	s0 =	simm.s32 @p0 $0x1  }
0x13: {  	[smem:$0x3FAC] =	sst s0;
	s0 =	simm.s32 @!p1 $0x0  }
0x14: {  	s2 =	sld [smem:$0x3F90];
	s0 =	simm.s32 @p1 $0x1  }
0x15: {  	[smem:$0x3FAD] =	sst s0;
	s0 =	simm.s32 @!p2 $0x0  }
0x16: {  	s3 =	sld [smem:$0x3FDB];
	s0 =	simm.s32 @p2 $0x1  }
0x17: {  	s4 =	simm.s32 $0x1BF5;
	[smem:$0x3FAF] =	sst s0  }
0x18: {  	s0 =	sld [smem:$0x3F92];
	_ =	swait.ge [sflag:s4], $0x0  }
0x19: {  	s7 =	sld [smem:$0x3F93]  }
0x1a: {  	s8 =	sadd.s32 $0xFFFFE003, lr  }
0x1b: {  	s9 =	sadd.s32 $0xFFFFFEF7, lr;
	s5 =	simm.s32 $0xFFFFFFFF;
	p2 =	slt.u32 s8, $0xFFFFF086  }
0x1c: {  	p1 =	slt.u32 s9, $0xF7A;
	s5 =	simm.s32 @!p2 $0x0  }
0x1d: {  	s5 =	simm.s32 @p1 $0x1;
	p0 =	seq.s32 s7, s2  }
0x1e: {  	s7 =	smul.u32 @!p0 $0xF7A, s2;
	p2 =	seq.s32 @!p0 s5, $0x0  }
0x1f: {  	s9 =	smul.u32 $0xF7A, s1;
	s8 =	simm.s32 @!p0 $0x1BF5;
	p2 =	por !p2, p0  }
0x20: {  	[sflag:s8] =	ssyncset.s32 @!p0 $0xFFFFF086;
	s6 =	sadd.s32 @!p0 s3, s7;
	s7 =	simm.s32 @!p0 $0x108  }
0x21: {  	s3 =	sadd.s32 s3, s9;
	s6 =	sadd.s32 @!p0 $0x88, s6;
	s7 =	simm.s32 @p2 $0x1082  }
0x22: {  	[simem:s7], [sflag:s8] =	dma.local @!p0 [hbm:s6], $0xF7A  }
0x23: {  	s9 =	sor.u32 $0xD0000000, s2;
	s6 =	simm.s32 $0x108;
	_ =	swait.ge @!p0 [sflag:s8], $0x0  }
0x24: {  	s3 =	sadd.s32 $0x88, s3;
	s6 =	simm.s32 @!p1 $0x1082;
	[sflag:s4] =	ssyncset.s32 $0xFFFFF086  }
0x25: {  	[simem:s6], [sflag:s4] =	dma.local [hbm:s3], $0xF7A  }
0x26: {  	[smem:$0x3F93] =	sst s1;
	(tag) =	ssettag s2;
	_ =	strace s9  }
0x27: {  	s1 =	sld [smem:$0x3FA3]  }
0x28: {  	s2 =	sld [smem:$0x3FA4]  }
0x29: {  	s4 =	sld [smem:$0x3FA6]  }
0x2a: {  	p0 =	seq.s32 s5, $0x0;
	s5 =	sld [smem:$0x3FA7]  }
0x2b: {  	s6 =	sld [smem:$0x3FA8]  }
0x2c: {  	s7 =	sld [smem:$0x3FA9]  }
0x2d: {  	s3 =	simm.s32 $0x108;
	s8 =	sld [smem:$0x3FAA]  }
0x2e: {  	s3 =	simm.s32 @!p0 $0x1082;
	s9 =	sld [smem:$0x3FAB]  }
0x2f: {  	lr =	sadd.s32 s0, s3;
	s0 =	sld [smem:$0x3FA2]  }
0x30: {  	s3 =	sld [smem:$0x3FA5]  }
0x31: {  	[smem:$0x3FAE] =	sst s10  }
0x32: {  	s10 =	sld [smem:$0x3FAC];
	_ =	sdelay $0x3  }
0x33: {  	p0 =	seq.s32 s10, $0x1;
	s10 =	sld [smem:$0x3FAE];
	_ =	sdelay $0x3  }
0x34: {  	[smem:$0x3FAE] =	sst s10  }
0x35: {  	s10 =	sld [smem:$0x3FAD];
	_ =	sdelay $0x3  }
0x36: {  	p1 =	seq.s32 s10, $0x1;
	s10 =	sld [smem:$0x3FAE];
	_ =	sdelay $0x3  }
0x37: {  	[smem:$0x3FAE] =	sst s10  }
0x38: {  	s10 =	sld [smem:$0x3FAF]  }
0x39: {  	_ = 	snop;
	(pc) =	sbr.ind lr, $3  }
0x3a: {  	_ = 	snop  }
0x3b: {  	_ = 	snop  }
0x3c: {  	p2 =	seq.s32 s10, $0x1;
	s10 =	sld [smem:$0x3FAE]  }
0x3d: {  	_ =	shalt  }
0x3e: {  	_ =	shalt  }
0x3f: {  	_ =	shalt  }
0x40: {  	_ =	shalt  }
0x41: {  	_ =	shalt  }
0x42: {  	_ =	shalt  }
0x43: {  	_ =	shalt  }
0x44: {  	_ =	shalt  }
0x45: {  	_ =	shalt  }
0x46: {  	_ =	shalt  }
0x47: {  	_ =	shalt  }
0x48: {  	_ =	shalt  }
0x49: {  	_ =	shalt  }
0x4a: {  	_ =	shalt  }
0x4b: {  	_ =	shalt  }
0x4c: {  	_ =	shalt  }
0x4d: {  	_ =	shalt  }
0x4e: {  	_ =	shalt  }
0x4f: {  	_ =	shalt  }
0x50: {  	_ =	shalt  }
0x51: {  	_ =	shalt  }
0x52: {  	_ =	shalt  }
0x53: {  	_ =	shalt  }
0x54: {  	_ =	shalt  }
0x55: {  	_ =	shalt  }
0x56: {  	_ =	shalt  }
0x57: {  	_ =	shalt  }
0x58: {  	_ =	shalt  }
0x59: {  	_ =	shalt  }
0x5a: {  	_ =	shalt  }
0x5b: {  	_ =	shalt  }
0x5c: {  	_ =	shalt  }
0x5d: {  	_ =	shalt  }
0x5e: {  	_ =	shalt  }
0x5f: {  	_ =	shalt  }
0x60: {  	_ =	shalt  }
0x61: {  	_ =	shalt  }
0x62: {  	_ =	shalt  }
0x63: {  	_ =	shalt  }
0x64: {  	_ =	shalt  }
0x65: {  	_ =	shalt  }
0x66: {  	_ =	shalt  }
0x67: {  	_ =	shalt  }
0x68: {  	_ =	shalt  }
0x69: {  	_ =	shalt  }
0x6a: {  	_ =	shalt  }
0x6b: {  	_ =	shalt  }
0x6c: {  	_ =	shalt  }
0x6d: {  	_ =	shalt  }
0x6e: {  	_ =	shalt  }
0x6f: {  	_ =	shalt  }
0x70: {  	_ =	shalt  }
0x71: {  	_ =	shalt  }
0x72: {  	_ =	shalt  }
0x73: {  	_ =	shalt  }
0x74: {  	_ =	shalt  }
0x75: {  	_ =	shalt  }
0x76: {  	_ =	shalt  }
0x77: {  	_ =	shalt  }
0x78: {  	_ =	shalt  }
0x79: {  	_ =	shalt  }
0x7a: {  	_ =	shalt  }
0x7b: {  	_ =	shalt  }
0x7c: {  	_ =	shalt  }
0x7d: {  	_ =	shalt  }
0x7e: {  	_ =	shalt  }
0x7f: {  	_ =	shalt  }
0x80: {  	_ =	shalt  }
0x81: {  	_ =	shalt  }
0x82: {  	_ =	shalt  }
0x83: {  	_ =	shalt  }
0x84: {  	_ =	shalt  }
0x85: {  	_ =	shalt  }
0x86: {  	_ =	shalt  }
0x87: {  	_ =	shalt  }
.Lfunc_end0:
.L_simem_size_0:
called_computation_lowered:
.L_overlay_start_0:
0x88: {  	s2 =	sld [smem:$0x3FD9]  }
0x89: {  	s3 =	sld [smem:$0x3FFE];
	_ =	sdelay $0x1  }
0x8a: {  	s1 =	srdreg.scid  }
0x8b: {  	s0 =	sand.u32 $0x1, s1  }
0x8c: {  	s14 =	sshll.u32 s0, $0xA;
	s2 =	sadd.s32 s3, s2  }
0x8d: {  	s2 =	sadd.s32 s2, s14  }
0x8e: {  	[smem:$0x3FBA] =	sst s2  }
0x8f: {  	_ = 	snop  }
0x90: {  	s2 =	sld [smem:$0x3FD0];
	_ =	sdelay $0x2  }
0x91: {  	s15 =	simm.s32 $0xA;
	s4 =	simm.s32 $0x10  }
0x92: {  	[smem:s4], [sflag:s15] =	dma.local [hbm:s2], $0x1  }
0x93: {  	_ =	swait.eq [sflag:s15], $0x1  }
0x94: {  	[sflag:s15] =	ssyncset.done $0x0  }
0x95: {  	s16 =	sld [smem:$0x10];
	[sflag:s15] =	ssyncadd.s32 $0xFFFFFFFF  }
0x96: {  	s17 =	sld [smem:$0x11];
	(tm) =	ssettm $0x1  }
0x97: {  	s18 =	sld [smem:$0x3FFB];
	_ =	sdelay $0x3  }
0x98: {  	_ =	strace s18  }
0x99: {  	s4 =	sld [smem:$0x3FFC];
	_ =	sdelay $0x3  }
0x9a: {  	_ =	strace s4  }
0x9b: {  	s4 =	sld [smem:$0x3FFD];
	_ =	sdelay $0x3  }
0x9c: {  	_ =	strace s4  }
0x9d: {  	_ =	strace $0x8FFFFFFF  }
0x9e: {  	s19 =	sld [smem:$0x3FDB];
	_ =	sdelay $0x1  }
0x9f: {  	s5 =	simm.s32 $_scs_section_size  }
0xa0: {  	s6 =	simm.s32 $_size__tile_overlayer_lowered;
	s7 =	simm.s32 $_tile_overlayer_lowered  }
0xa1: {  	s22 =	simm.s32 $0x1BFF;
	s21 =	sshll.u32 s7, $0x1;
	s4 =	sadd.s32 s5, s19  }
0xa2: {  	s8 =	simm.s32 $0x0;
	s20 =	sshll.u32 s6, $0x1;
	s6 =	sadd.s32 s21, s4  }
0xa3: {  	[timem:s8], [sflag:s22] =	dma.local [hbm:s6], s20  }
0xa4: {  	_ =	swait.ge [sflag:s22], s20  }
0xa5: {  	s5 =	ssub.s32 $0x0, s20;
	[sflag:s22] =	ssyncset.done $0x0  }
0xa6: {  	[sflag:s22] =	ssyncadd.s32 s5;
	_ =	sdelay $0x1  }
0xa7: {  	s23 =	simm.s32 $0x1B8B  }
0xa8: {  	_ =	swait.ge [sflag:s23], $0x1  }
0xa9: {  	[sflag:s23] =	ssyncset.done $0x0  }
0xaa: {  	s25 =	simm.s32 $0x1B8E;
	s24 =	sld [smem:$0x3FFE];
	[sflag:s23] =	ssyncadd.s32 $0xFFFFFFFF  }
0xab: {  	s26 =	simm.s32 $execute0_lowered;
	[smem:$0x3FD2] =	sst s25  }
0xac: {  	s6 =	sshll.u32 s26, $0x1;
	_ =	strace $0x80000046;
	[dreg:$0x1] =	wrdreg $0xFFFFFFFF  }
0xad: {  	s28 =	simm.s32 $_size_execute0_lowered;
	s4 =	sadd.s32 s4, s6;
	[dreg:$0x0] =	wrdreg $0x0  }
0xae: {  	s6 =	sshll.u32 s28, $0x1;
	[dreg:$0x2] =	wrdreg s4  }
0xaf: {  	[dreg:$0x3] =	wrdreg s6  }
0xb0: {  	[dreg:$0x4] =	wrdreg $0xC0  }
0xb1: {  	_ =	task [dreg:s8], $0x5FFFF  }
0xb2: {  	[dreg:$0x1] =	wrdreg $0xFFFFFFFF  }
0xb3: {  	[dreg:$0x0] =	wrdreg $0x60  }
0xb4: {  	[dreg:$0x2] =	wrdreg s16  }
0xb5: {  	[dreg:$0x3] =	wrdreg s24  }
0xb6: {  	[dreg:$0x4] =	wrdreg s17  }
0xb7: {  	[dreg:$0x5] =	wrdreg $0xC4000  }
0xb8: {  	[dreg:$0x6] =	wrdreg $0x9  }
0xb9: {  	_ =	task.clear_ibuf [dreg:s8], $0x7FFFF;
	_ =	strace $0x90000046  }
0xba: {  	s29 =	simm.s32 $0x9;
	_ =	strace $0x80000048  }
0xbb: {  	_ =	swait.ge [sflag:s29], $0x1  }
0xbc: {  	[sflag:s29] =	ssyncadd.s32 $0xFFFFFFFF  }
0xbd: {  	_ =	strace $0x90000048  }
0xbe: {  	_ =	sfence  }
0xbf: {  	s30 =	sld [smem:$0x0];
	_ =	sdelay $0x2  }
0xc0: {  	s31 =	sshll.u32 s1, $0xD;
	s1 =	sshrl.u32 s1, $0x2  }
0xc1: {  	s3 =	sand.u32 $0x4000, s31;
	s1 =	sadd.s32 s1, s30  }
0xc2: {  	s0 =	sor.u32 s3, s0;
	s1 =	sshll.u32 s1, $0x11  }
0xc3: {  	s0 =	sor.u32 s1, s0  }
0xc4: {  	s0 =	sadd.s32 $0x8F2B, s0  }
0xc5: {  	[sflag:s0] =	ssyncadd.remote.s32 $0x1  }
0xc6: {  	_ =	sfence.sel $0xFFFF  }
0xc7: {  	[dreg:$0x0] =	wrdreg $0xFFFFFFFF;
	(pc) =	sbr.abs _section_cstart, $3  }
0xc8: {  	[dreg:$0x1] =	wrdreg $0xFFFFFFFF  }
0xc9: {  	_ =	task.clear_ibuf [dreg:s8], $0x2FFFF;
	_ =	strace $0x9FFFFFFF  }
0xca: {  	(tm) =	ssettm $0x7FFFFFFF  }
0xcb: {  	_ =	shalt  }
tec
execute0_lowered:
.L_overlay_start_1:
0x0: {  	(tag) =	ssettag $0x1  }
0x1: {  	s1 =	rddreg [dreg:$0x0]  }
0x2: {  	s0 =	rddreg [dreg:$0x1]  }
0x3: {  	s3 =	rddreg [dreg:$0x2]  }
0x4: {  	s2 =	rddreg [dreg:$0x3]  }
0x5: {  	s4 =	simm.s32 $0x0;
	s21 =	srdreg.scid;
	s15 =	stileid.u32  }
0x6: {  	s29 =	simm.s32 $0x9;
	s30 =	simm.s32 $0x200;
	[smem:$0x7FF] =	sst s4  }
0x7: {  	s31 =	simm.s32 $0x80;
	s5 =	sadd.s32 $0x4F7800, s0;
	s6 =	sadd.s32 $0x4EDA00, s0  }
0x8: {  	s7 =	sadd.s32 $0x4E3C00, s0;
	s4 =	sand.u32 $0x1, s21;
	s10 =	smul.u32 $0x4E000, s15  }
0x9: {  	s0 =	sadd.s32 $0x1C00, s0;
	s24 =	smul.u32 $0x2700, s15;
	s25 =	sshll.u32 s15, $0x6  }
0xa: {  	s26 =	sadd.s32 $0x138000, s2;
	p1 =	sne.s32 s15, $0xF;
	_ =	strace $0x80000047  }
0xb: {  	s8 =	ssub.s32 $0x2, s4;
	s9 =	sshll.u32 s4, $0x4;
	[dreg:$0x5] =	wrdreg s0  }
0xc: {  	s20 =	sor.u32 $0x1C09, s25;
	[dreg:$0x8] =	wrdreg s26;
	s11 =	sor.u32 s15, s9  }
0xd: {  	s22 =	sshrl.u32 s8, $0x1;
	s23 =	sshrl.u32 s10, $0x2;
	s9 =	smul.u32 $0x2700, s11  }
0xe: {  	[dreg:$0x7] =	wrdreg s20;
	s0 =	ssub.s32 s8, s22;
	s14 =	smul.u32 $0x138000, s11  }
0xf: {  	s8 =	sadd.s32 s23, s2;
	s17 =	smul.u32 $0x13800, s11;
	s22 =	sshll.u32 s15, $0x7  }
0x10: {  	p0 =	sgt.u32 s11, $0x3;
	s15 =	simm.s32 $0x2;
	[dreg:$0x6] =	wrdreg s8  }
0x11: {  	s10 =	sor.u32 $0x4E000, s22;
	s0 =	smax.u32 s0, $0x1;
	s22 =	simm.s32 $0x4400  }
0x12: {  	s28 =	sshrl.u32 s9, $0x3;
	s18 =	sshrl.u32 s14, $0x4;
	s23 =	sshrl.u32 s10, $0x3  }
0x13: {  	s25 =	sshll.u32 s10, $0x3;
	[dreg:$0x14] =	wrdreg s0;
	s26 =	sor.u32 $0x4000, s14  }
0x14: {  	s0 =	simm.s32 $0x280;
	s12 =	sadd.s32 s6, s28;
	[dreg:$0x15] =	wrdreg s26  }
0x15: {  	s10 =	simm.s32 $0x7;
	s8 =	sadd.s32 s7, s28;
	[dreg:$0x9] =	wrdreg s12  }
0x16: {  	s13 =	sor.u32 $0x10, s28;
	s28 =	sadd.s32 $0x280, s9;
	[dreg:$0xa] =	wrdreg s8  }
0x17: {  	s19 =	sadd.s32 s5, s18;
	s16 =	sadd.s32 s6, s13;
	[dreg:$0x16] =	wrdreg s28  }
0x18: {  	s18 =	simm.s32 $0x6;
	s12 =	sadd.s32 s7, s13;
	[dreg:$0xb] =	wrdreg s16  }
0x19: {  	s13 =	smul.u32 $0x27100, s4;
	s8 =	sadd.s32 s5, s17;
	[dreg:$0xc] =	wrdreg s12  }
0x1a: {  	s4 =	smul.u32 $0x138800, s4;
	s17 =	simm.s32 $0x8400;
	[dreg:$0xd] =	wrdreg s8  }
0x1b: {  	s8 =	sadd.s32 $0x13400, s19;
	s16 =	simm.s32 $0x2400;
	s19 =	simm.s32 $0x8  }
0x1c: {  	s12 =	simm.s32 $0x0;
	[dreg:$0xe] =	wrdreg s8;
	s21 =	sadd.s32 s24, s13  }
0x1d: {  	s4 =	sshrl.u32 s4, $0x3;
	s24 =	sadd.s32 s6, s23;
	s8 =	sadd.s32 s3, s21  }
.Ltmp0:
0x1e: {  	s3 =	sadd.s32 s3, s4;
	[dreg:$0x10] =	wrdreg s24;
	(pc) =	sbr.rel .LBB2_1-.Ltmp0, $4  }
0x1f: {  	s4 =	sadd.s32 s7, s23;
	s21 =	simm.s32 $0x400;
	[dreg:$0xf] =	wrdreg s8  }
0x20: {  	s23 =	simm.s32 $0x5;
	[dreg:$0x11] =	wrdreg s4;
	s4 =	sadd.s32 s5, s25  }
0x21: {  	s3 =	sadd.s32 $0x27000, s3;
	s25 =	simm.s32 $0x3;
	[dreg:$0x12] =	wrdreg s4  }
0x22: {  	s8 =	simm.s32 $0x4;
	[dreg:$0x13] =	wrdreg s3;
	s4 =	simm.s32 $0x1  }
.LBB2_19:
0x23: {  	[bflag:$0x0] =	sbarrier.arrive $0xFFFF  }
0x24: {  	s3 =	rddreg [dreg:$0xf]  }
0x25: {  	s11 =	rddreg [dreg:$0x18]  }
0x26: {  	[hbm:s3], [sflag:s20] =	dma.local [spmem:s11], $0x2700  }
0x27: {  	_ =	swait.ge [sflag:s29], $0x2700  }
0x28: {  	[sflag:s29] =	ssyncset.done $0x0;
	s3 =	rddreg [dreg:$0x13]  }
0x29: {  	s11 =	rddreg [dreg:$0x19];
	[sflag:s29] =	ssyncadd.s32 $0xFFFFD900  }
0x2a: {  	[hbm:s3], [sflag:s20] =	dma.local @!p1 [spmem:s11], $0x100  }
0x2b: {  	s3 =	simm.s32 @!p1 $0x9  }
0x2c: {  	_ =	swait.ge @!p1 [sflag:s3], $0x100  }
0x2d: {  	s12 =	sadd.s32 $0x1, s12;
	s28 =	rddreg [dreg:$0x14]  }
0x2e: {  	p2 =	sne.s32 s12, s28  }
.Ltmp1:
0x2f: {  	_ = 	snop;
	(pc) =	sbr.rel @!p2 .LBB2_20-.Ltmp1, $3  }
0x30: {  	_ =	sdelay $0x1  }
0x31: {  	[sflag:s3] =	ssyncset.done @!p1 $0x0  }
0x32: {  	[sflag:s3] =	ssyncadd.s32 @!p1 $0xFFFFFF00  }
.LBB2_1:
0x33: {  	[dreg:$0x17] =	wrdreg s12  }
0x34: {  	s3 =	rddreg [dreg:$0x6]  }
0x35: {  	s11 =	sshrl.u32 s3, $0x3;
	s3 =	rddreg [dreg:$0x5]  }
0x36: {  	[dreg:$0x18] =	wrdreg s11  }
0x37: {  	[spmem:s11], [sflag:s20] =	dma.local [hbm:s3], $0x2700  }
0x38: {  	_ =	swait.ge [sflag:s29], $0x2700  }
0x39: {  	s11 =	rddreg [dreg:$0x8]  }
0x3a: {  	[sflag:s29] =	ssyncset.done $0x0;
	s11 =	sshrl.u32 @!p1 s11, $0x3  }
0x3b: {  	[sflag:s29] =	ssyncadd.s32 $0xFFFFD900;
	[dreg:$0x19] =	wrdreg s11  }
0x3c: {  	[spmem:s11], [sflag:s20] =	dma.local @!p1 [hbm:s3], $0x100  }
0x3d: {  	s3 =	simm.s32 @!p1 $0x9  }
0x3e: {  	_ =	swait.ge @!p1 [sflag:s3], $0x100  }
0x3f: {  	[sflag:s3] =	ssyncset.done @!p1 $0x0  }
0x40: {  	[sflag:s3] =	ssyncadd.s32 @!p1 $0xFFFFFF00  }
0x41: {  	[bflag:$0x0] =	sbarrier.arrive $0xFFFF  }
0x42: {  	s12 =	simm.s32 $0x0;
	s13 =	rddreg [dreg:$0x9]  }
0x43: {  	[tilespmem:s12], [sflag:$0x1] =	stream.linear.gather [hbm4b:s13+s12], $0x80, $0x38;
	[tilespmem:$0x1FC80] =	vst v63  }
0x44: {  	s20 =	rddreg [dreg:$0xa]  }
0x45: {  	[tilespmem:s30], [sflag:$0x1] =	stream.linear.gather [hbm4b:s20+s12], $0x80, $0x38;
	[tilespmem:$0x1FC80] =	vst v63  }
0x46: {  	s24 =	rddreg [dreg:$0xb]  }
0x47: {  	[tilespmem:s31], [sflag:$0x2] =	stream.linear.gather [hbm4b:s24+s12], $0x80, $0x38;
	[tilespmem:$0x1FC80] =	vst v63  }
0x48: {  	s26 =	rddreg [dreg:$0xc]  }
0x49: {  	[tilespmem:s0], [sflag:$0x2] =	stream.linear.gather [hbm4b:s26+s12], $0x80, $0x38;
	[tilespmem:$0x1FC80] =	vst v63  }
0x4a: {  	_ =	swait.ge [sflag:s4], $0x80  }
0x4b: {  	[sflag:s4] =	ssyncset.done $0x0  }
0x4c: {  	[sflag:s4] =	ssyncadd.s32 $0xFFFFFF80  }
0x4d: {  	_ =	swait.ge [sflag:s4], $0x80  }
0x4e: {  	[sflag:s4] =	ssyncset.done $0x0  }
0x4f: {  	s28 =	rddreg [dreg:$0xd];
	[sflag:s4] =	ssyncadd.s32 $0xFFFFFF80  }
0x50: {  	[tilespmem:s21], [sflag:$0x5] =	stream.linear.gather [hbm4b:s28+s12], $0x2000, $0x38;
	[tilespmem:$0x1FC80] =	vst v63  }
0x51: {  	s11 =	simm.s32 $0x0  }
0x52: {  	[tilespmem:s22], [sflag:$0x7] =	stream.indirect.gather [hbm4b:s1+s31], $0x80, s12, s31, $0xb8;
	[tilespmem:$0x1FC80] =	vst v63  }
.LBB2_2:
0x53: {  	s3 =	sshll.u32 s11, $0x2;
	_ =	swait.ge [sflag:s23], $0x2000  }
0x54: {  	[sflag:s23] =	ssyncset.done $0x0;
	s26 =	sor.u32 $0x2, s3  }
0x55: {  	[sflag:s23] =	ssyncadd.s32 $0xFFFFE000;
	s12 =	sshll.u32 s26, $0x7  }
0x56: {  	_ =	swait.ge [sflag:s10], $0x4000;
	s12 =	sadd.s32 s9, s12  }
0x57: {  	s20 =	simm.s32 $0x0;
	[sflag:s10] =	ssyncset.done $0x0;
	s12 =	sshrl.u32 s12, $0x3  }
0x58: {  	s28 =	simm.s32 $0x100;
	[sflag:s10] =	ssyncadd.s32 $0xFFFFC000;
	s13 =	sadd.s32 s6, s12  }
0x59: {  	[tilespmem:s28], [sflag:$0x3] =	stream.linear.gather [hbm4b:s13+s20], $0x80, $0x38;
	[tilespmem:$0x1FC80] =	vst v63  }
0x5a: {  	s24 =	simm.s32 $0x300;
	s12 =	sadd.s32 s7, s12  }
0x5b: {  	[tilespmem:s24], [sflag:$0x3] =	stream.linear.gather [hbm4b:s12+s20], $0x80, $0x38;
	[tilespmem:$0x1FC80] =	vst v63  }
0x5c: {  	_ =	swait.ge [sflag:s15], $0x80  }
0x5d: {  	[sflag:s15] =	ssyncset.done $0x0  }
0x5e: {  	[sflag:s15] =	ssyncadd.s32 $0xFFFFFF80  }
0x5f: {  	_ =	swait.ge [sflag:s15], $0x80  }
0x60: {  	s13 =	sshll.u32 s11, $0x10;
	s24 =	rddreg [dreg:$0x15]  }
0x61: {  	s12 =	sadd.s32 s13, s24  }
0x62: {  	[sflag:s15] =	ssyncset.done $0x0;
	s12 =	sshrl.u32 s12, $0x4  }
0x63: {  	[sflag:s15] =	ssyncadd.s32 $0xFFFFFF80;
	s12 =	sadd.s32 s5, s12  }
0x64: {  	[tilespmem:s16], [sflag:$0x6] =	stream.linear.gather [hbm4b:s12+s20], $0x2000, $0x38;
	[tilespmem:$0x1FC80] =	vst v63  }
0x65: {  	s24 =	simm.s32 $0x0  }
0x66: {  	[tilespmem:s17], [sflag:$0x8] =	stream.indirect.gather [hbm4b:s1+s31], $0x80, s31, s31, $0xb8;
	[tilespmem:$0x1FC80] =	vst v63  }
0x67: {  	s28 =	simm.s32 $0x4480;
	v0 =	vld [tilespmem:s24+$0x400]  }
0x68: {  	v1 =	vld [tilespmem:s28+$0xFFFFFF80]  }
0x69: {  	v2 =	vld [tilespmem:s28+$0x0];
	_ =	sdelay $0x2  }
0x6a: {  	v3 =	vunpack.i.l.bf16.f32 v0  }
0x6b: {  	v0 =	vunpack.i.u.bf16.f32 v0;
	v1 =	vadd.f32 v1, v3  }
0x6c: {  	v0 =	vadd.f32 v2, v0  }
0x6d: {  	v1 =	vmax.f32 v1, $0.0e+00  }
0x6e: {  	v0 =	vmax.f32 v0, $0.0e+00;
	[tilespmem:s28+$0xFFFFFF80] =	vst v1  }
0x6f: {  	[tilespmem:s28+$0x0] =	vst v0  }
0x70: {  	v0 =	vld [tilespmem:s24+$0x410]  }
0x71: {  	v1 =	vld [tilespmem:s28+$0xFFFFFF90]  }
0x72: {  	v2 =	vld [tilespmem:s28+$0x10];
	_ =	sdelay $0x2  }
0x73: {  	v3 =	vunpack.i.l.bf16.f32 v0  }
0x74: {  	v0 =	vunpack.i.u.bf16.f32 v0;
	v1 =	vadd.f32 v1, v3  }
0x75: {  	v0 =	vadd.f32 v2, v0  }
0x76: {  	v1 =	vmax.f32 v1, $0.0e+00  }
0x77: {  	v0 =	vmax.f32 v0, $0.0e+00;
	[tilespmem:s28+$0xFFFFFF90] =	vst v1  }
0x78: {  	[tilespmem:s28+$0x10] =	vst v0  }
0x79: {  	v0 =	vld [tilespmem:s24+$0x420]  }
0x7a: {  	v1 =	vld [tilespmem:s28+$0xFFFFFFA0]  }
0x7b: {  	v2 =	vld [tilespmem:s28+$0x20];
	_ =	sdelay $0x2  }
0x7c: {  	v3 =	vunpack.i.l.bf16.f32 v0  }
0x7d: {  	v0 =	vunpack.i.u.bf16.f32 v0;
	v1 =	vadd.f32 v1, v3  }
0x7e: {  	v0 =	vadd.f32 v2, v0  }
0x7f: {  	v1 =	vmax.f32 v1, $0.0e+00  }
0x80: {  	v0 =	vmax.f32 v0, $0.0e+00;
	[tilespmem:s28+$0xFFFFFFA0] =	vst v1  }
0x81: {  	[tilespmem:s28+$0x20] =	vst v0  }
0x82: {  	v0 =	vld [tilespmem:s24+$0x430]  }
0x83: {  	v1 =	vld [tilespmem:s28+$0xFFFFFFB0]  }
0x84: {  	v2 =	vld [tilespmem:s28+$0x30];
	_ =	sdelay $0x2  }
0x85: {  	v3 =	vunpack.i.l.bf16.f32 v0  }
0x86: {  	v0 =	vunpack.i.u.bf16.f32 v0;
	v1 =	vadd.f32 v1, v3  }
0x87: {  	v0 =	vadd.f32 v2, v0  }
0x88: {  	v1 =	vmax.f32 v1, $0.0e+00  }
0x89: {  	v0 =	vmax.f32 v0, $0.0e+00;
	[tilespmem:s28+$0xFFFFFFB0] =	vst v1  }
0x8a: {  	[tilespmem:s28+$0x30] =	vst v0  }
0x8b: {  	v0 =	vld [tilespmem:s24+$0x440]  }
0x8c: {  	v1 =	vld [tilespmem:s28+$0xFFFFFFC0]  }
0x8d: {  	v2 =	vld [tilespmem:s28+$0x40];
	_ =	sdelay $0x2  }
0x8e: {  	v3 =	vunpack.i.l.bf16.f32 v0  }
0x8f: {  	v0 =	vunpack.i.u.bf16.f32 v0;
	v1 =	vadd.f32 v1, v3  }
0x90: {  	v0 =	vadd.f32 v2, v0  }
0x91: {  	v1 =	vmax.f32 v1, $0.0e+00  }
0x92: {  	v0 =	vmax.f32 v0, $0.0e+00;
	[tilespmem:s28+$0xFFFFFFC0] =	vst v1  }
0x93: {  	[tilespmem:s28+$0x40] =	vst v0  }
0x94: {  	v0 =	vld [tilespmem:s24+$0x450]  }
0x95: {  	v1 =	vld [tilespmem:s28+$0xFFFFFFD0]  }
0x96: {  	v2 =	vld [tilespmem:s28+$0x50];
	_ =	sdelay $0x2  }
0x97: {  	v3 =	vunpack.i.l.bf16.f32 v0  }
0x98: {  	v0 =	vunpack.i.u.bf16.f32 v0;
	v1 =	vadd.f32 v1, v3  }
0x99: {  	v0 =	vadd.f32 v2, v0  }
0x9a: {  	v1 =	vmax.f32 v1, $0.0e+00  }
0x9b: {  	v0 =	vmax.f32 v0, $0.0e+00;
	[tilespmem:s28+$0xFFFFFFD0] =	vst v1  }
0x9c: {  	[tilespmem:s28+$0x50] =	vst v0  }
0x9d: {  	v0 =	vld [tilespmem:s24+$0x460]  }
0x9e: {  	v1 =	vld [tilespmem:s28+$0xFFFFFFE0]  }
0x9f: {  	v2 =	vld [tilespmem:s28+$0x60];
	_ =	sdelay $0x2  }
0xa0: {  	v3 =	vunpack.i.l.bf16.f32 v0  }
0xa1: {  	v0 =	vunpack.i.u.bf16.f32 v0;
	v1 =	vadd.f32 v1, v3  }
0xa2: {  	v2 =	vadd.f32 v2, v0  }
0xa3: {  	v1 =	vmax.f32 v1, $0.0e+00  }
0xa4: {  	v0 =	vld [tilespmem:s28+$0xFFFFFFF0];
	v2 =	vmax.f32 v2, $0.0e+00;
	[tilespmem:s28+$0xFFFFFFE0] =	vst v1  }
0xa5: {  	[tilespmem:s28+$0x60] =	vst v2;
	v1 =	vld [tilespmem:s28+$0x70]  }
0xa6: {  	s13 =	simm.s32 $0x200;
	s12 =	simm.s32 $0x4480;
	v2 =	vld [tilespmem:s24+$0x470]  }
.LBB2_3:
0xa7: {  	p2 =	sne.s32 s13, $0x7E00  }
0xa8: {  	s28 =	sadd.s32 $0x100, s28;
	s20 =	smov.u32 s13;
	s13 =	sadd.s32 $0x200, s13  }
0xa9: {  	_ =	sdelay $0x1  }
0xaa: {  	v3 =	vunpack.i.u.bf16.f32 v2;
	v2 =	vunpack.i.l.bf16.f32 v2  }
0xab: {  	v0 =	vadd.f32 v0, v2;
	v1 =	vadd.f32 v1, v3;
	_ =	sdelay $0x1  }
0xac: {  	v0 =	vmax.f32 v0, $0.0e+00;
	v1 =	vmax.f32 v1, $0.0e+00  }
0xad: {  	[tilespmem:s12+$0xFFFFFFF0] =	vst v0  }
0xae: {  	s20 =	sshra.s32 s20, $0x2;
	v0 =	vld [tilespmem:s28+$0x0];
	[tilespmem:s12+$0x70] =	vst v1;
	s12 =	smov.u32 s28  }
0xaf: {  	v1 =	vld [tilespmem:s20+$0x400]  }
0xb0: {  	v2 =	vld [tilespmem:s28+$0xFFFFFF80];
	_ =	sdelay $0x3  }
0xb1: {  	v3 =	vunpack.i.u.bf16.f32 v1;
	v1 =	vunpack.i.l.bf16.f32 v1  }
0xb2: {  	v1 =	vadd.f32 v2, v1;
	v0 =	vadd.f32 v0, v3;
	_ =	sdelay $0x1  }
0xb3: {  	v1 =	vmax.f32 v1, $0.0e+00;
	v0 =	vmax.f32 v0, $0.0e+00  }
0xb4: {  	[tilespmem:s28+$0xFFFFFF80] =	vst v1  }
0xb5: {  	[tilespmem:s28+$0x0] =	vst v0;
	v0 =	vld [tilespmem:s28+$0x10]  }
0xb6: {  	v1 =	vld [tilespmem:s20+$0x410]  }
0xb7: {  	v2 =	vld [tilespmem:s28+$0xFFFFFF90];
	_ =	sdelay $0x3  }
0xb8: {  	v3 =	vunpack.i.u.bf16.f32 v1;
	v1 =	vunpack.i.l.bf16.f32 v1  }
0xb9: {  	v1 =	vadd.f32 v2, v1;
	v0 =	vadd.f32 v0, v3;
	_ =	sdelay $0x1  }
0xba: {  	v1 =	vmax.f32 v1, $0.0e+00;
	v0 =	vmax.f32 v0, $0.0e+00  }
0xbb: {  	[tilespmem:s28+$0xFFFFFF90] =	vst v1  }
0xbc: {  	[tilespmem:s28+$0x10] =	vst v0;
	v0 =	vld [tilespmem:s28+$0x20]  }
0xbd: {  	v1 =	vld [tilespmem:s20+$0x420]  }
0xbe: {  	v2 =	vld [tilespmem:s28+$0xFFFFFFA0];
	_ =	sdelay $0x3  }
0xbf: {  	v3 =	vunpack.i.u.bf16.f32 v1;
	v1 =	vunpack.i.l.bf16.f32 v1  }
0xc0: {  	v1 =	vadd.f32 v2, v1;
	v0 =	vadd.f32 v0, v3;
	_ =	sdelay $0x1  }
0xc1: {  	v1 =	vmax.f32 v1, $0.0e+00;
	v0 =	vmax.f32 v0, $0.0e+00  }
0xc2: {  	[tilespmem:s28+$0xFFFFFFA0] =	vst v1  }
0xc3: {  	[tilespmem:s28+$0x20] =	vst v0;
	v0 =	vld [tilespmem:s28+$0x30]  }
0xc4: {  	v1 =	vld [tilespmem:s20+$0x430]  }
0xc5: {  	v2 =	vld [tilespmem:s28+$0xFFFFFFB0];
	_ =	sdelay $0x3  }
0xc6: {  	v3 =	vunpack.i.u.bf16.f32 v1;
	v1 =	vunpack.i.l.bf16.f32 v1  }
0xc7: {  	v1 =	vadd.f32 v2, v1;
	v0 =	vadd.f32 v0, v3;
	_ =	sdelay $0x1  }
0xc8: {  	v1 =	vmax.f32 v1, $0.0e+00;
	v0 =	vmax.f32 v0, $0.0e+00  }
0xc9: {  	[tilespmem:s28+$0xFFFFFFB0] =	vst v1  }
0xca: {  	[tilespmem:s28+$0x30] =	vst v0;
	v0 =	vld [tilespmem:s28+$0x40]  }
0xcb: {  	v1 =	vld [tilespmem:s20+$0x440]  }
0xcc: {  	v2 =	vld [tilespmem:s28+$0xFFFFFFC0];
	_ =	sdelay $0x3  }
0xcd: {  	v3 =	vunpack.i.u.bf16.f32 v1;
	v1 =	vunpack.i.l.bf16.f32 v1  }
0xce: {  	v1 =	vadd.f32 v2, v1;
	v0 =	vadd.f32 v0, v3;
	_ =	sdelay $0x1  }
0xcf: {  	v1 =	vmax.f32 v1, $0.0e+00;
	v0 =	vmax.f32 v0, $0.0e+00  }
0xd0: {  	[tilespmem:s28+$0xFFFFFFC0] =	vst v1  }
0xd1: {  	[tilespmem:s28+$0x40] =	vst v0;
	v0 =	vld [tilespmem:s28+$0x50]  }
0xd2: {  	v1 =	vld [tilespmem:s20+$0x450]  }
0xd3: {  	v2 =	vld [tilespmem:s28+$0xFFFFFFD0];
	_ =	sdelay $0x3  }
0xd4: {  	v3 =	vunpack.i.u.bf16.f32 v1;
	v1 =	vunpack.i.l.bf16.f32 v1  }
0xd5: {  	v1 =	vadd.f32 v2, v1;
	v0 =	vadd.f32 v0, v3;
	_ =	sdelay $0x1  }
0xd6: {  	v1 =	vmax.f32 v1, $0.0e+00;
	v0 =	vmax.f32 v0, $0.0e+00  }
0xd7: {  	[tilespmem:s28+$0xFFFFFFD0] =	vst v1  }
0xd8: {  	[tilespmem:s28+$0x50] =	vst v0;
	v1 =	vld [tilespmem:s28+$0x60]  }
0xd9: {  	v0 =	vld [tilespmem:s20+$0x460]  }
0xda: {  	v2 =	vld [tilespmem:s28+$0xFFFFFFE0];
	_ =	sdelay $0x3  }
0xdb: {  	v3 =	vunpack.i.u.bf16.f32 v0;
	v4 =	vunpack.i.l.bf16.f32 v0;
	v0 =	vld [tilespmem:s28+$0xFFFFFFF0]  }
0xdc: {  	v2 =	vadd.f32 v2, v4;
	v1 =	vadd.f32 v1, v3;
	_ =	sdelay $0x1  }
.Ltmp2:
0xdd: {  	v2 =	vmax.f32 v2, $0.0e+00;
	v1 =	vmax.f32 v1, $0.0e+00;
	(pc) =	sbr.rel @p2 .LBB2_3-.Ltmp2, $4  }
0xde: {  	[tilespmem:s28+$0xFFFFFFE0] =	vst v2  }
0xdf: {  	[tilespmem:s28+$0x60] =	vst v1  }
0xe0: {  	v2 =	vld [tilespmem:s20+$0x470]  }
0xe1: {  	v1 =	vld [tilespmem:s28+$0x70]  }
0xe2: {  	_ =	sdelay $0x2  }
0xe3: {  	v3 =	vunpack.i.l.bf16.f32 v2  }
0xe4: {  	v2 =	vunpack.i.u.bf16.f32 v2;
	v0 =	vadd.f32 v0, v3  }
0xe5: {  	v1 =	vadd.f32 v1, v2  }
0xe6: {  	v0 =	vmax.f32 v0, $0.0e+00  }
0xe7: {  	v1 =	vmax.f32 v1, $0.0e+00;
	[tilespmem:s12+$0xFFFFFFF0] =	vst v0  }
0xe8: {  	[tilespmem:s12+$0x70] =	vst v1  }
0xe9: {  	[spmem:s2] =	stream.indirect.scatter.add.f32 [tilespmem:s22], [sflag:$0x9], $0x80, s30, s31, $0xb8;
	[tilespmem:$0x1FC80] =	vst v63  }
0xea: {  	_ =	swait.ge [sflag:s29], $0x4000  }
0xeb: {  	[sflag:s29] =	ssyncset.done $0x0  }
0xec: {  	[sflag:s29] =	ssyncadd.s32 $0xFFFFC000  }
0xed: {  	_ =	swait.ge [sflag:s18], $0x2000  }
0xee: {  	s28 =	sor.u32 $0x3, s3;
	[sflag:s18] =	ssyncset.done $0x0  }
0xef: {  	s24 =	sshll.u32 s28, $0x7;
	[sflag:s18] =	ssyncadd.s32 $0xFFFFE000  }
0xf0: {  	s12 =	sadd.s32 s9, s24;
	_ =	swait.ge [sflag:s19], $0x4000  }
0xf1: {  	s20 =	simm.s32 $0x0;
	s12 =	sshrl.u32 s12, $0x3;
	[sflag:s19] =	ssyncset.done $0x0  }
0xf2: {  	s24 =	simm.s32 $0x180;
	s13 =	sadd.s32 s6, s12;
	[sflag:s19] =	ssyncadd.s32 $0xFFFFC000  }
0xf3: {  	[tilespmem:s24], [sflag:$0x4] =	stream.linear.gather [hbm4b:s13+s20], $0x80, $0x38;
	[tilespmem:$0x1FC80] =	vst v63  }
0xf4: {  	s12 =	sadd.s32 s7, s12;
	s24 =	simm.s32 $0x380  }
0xf5: {  	[tilespmem:s24], [sflag:$0x4] =	stream.linear.gather [hbm4b:s12+s20], $0x80, $0x38;
	[tilespmem:$0x1FC80] =	vst v63  }
0xf6: {  	_ =	swait.ge [sflag:s25], $0x80  }
0xf7: {  	[sflag:s25] =	ssyncset.done $0x0  }
0xf8: {  	s26 =	sshll.u32 s26, $0xE;
	[sflag:s25] =	ssyncadd.s32 $0xFFFFFF80  }
0xf9: {  	s12 =	sadd.s32 s14, s26;
	_ =	swait.ge [sflag:s25], $0x80  }
0xfa: {  	s12 =	sshrl.u32 s12, $0x4;
	[sflag:s25] =	ssyncset.done $0x0  }
0xfb: {  	s12 =	sadd.s32 s5, s12;
	[sflag:s25] =	ssyncadd.s32 $0xFFFFFF80  }
0xfc: {  	[tilespmem:s21], [sflag:$0x5] =	stream.linear.gather [hbm4b:s12+s20], $0x2000, $0x38;
	[tilespmem:$0x1FC80] =	vst v63  }
0xfd: {  	s13 =	simm.s32 $0x100;
	s20 =	simm.s32 $0x0  }
0xfe: {  	[tilespmem:s22], [sflag:$0x7] =	stream.indirect.gather [hbm4b:s1+s31], $0x80, s13, s31, $0xb8;
	[tilespmem:$0x1FC80] =	vst v63  }
0xff: {  	s26 =	simm.s32 $0x8480;
	v0 =	vld [tilespmem:s20+$0x2400]  }
0x100: {  	v1 =	vld [tilespmem:s26+$0xFFFFFF80]  }
0x101: {  	v2 =	vld [tilespmem:s26+$0x0];
	_ =	sdelay $0x2  }
0x102: {  	v3 =	vunpack.i.l.bf16.f32 v0  }
0x103: {  	v0 =	vunpack.i.u.bf16.f32 v0;
	v1 =	vadd.f32 v1, v3  }
0x104: {  	v0 =	vadd.f32 v2, v0  }
0x105: {  	v1 =	vmax.f32 v1, $0.0e+00  }
0x106: {  	v0 =	vmax.f32 v0, $0.0e+00;
	[tilespmem:s26+$0xFFFFFF80] =	vst v1  }
0x107: {  	[tilespmem:s26+$0x0] =	vst v0  }
0x108: {  	v0 =	vld [tilespmem:s20+$0x2410]  }
0x109: {  	v1 =	vld [tilespmem:s26+$0xFFFFFF90]  }
0x10a: {  	v2 =	vld [tilespmem:s26+$0x10];
	_ =	sdelay $0x2  }
0x10b: {  	v3 =	vunpack.i.l.bf16.f32 v0  }
0x10c: {  	v0 =	vunpack.i.u.bf16.f32 v0;
	v1 =	vadd.f32 v1, v3  }
0x10d: {  	v0 =	vadd.f32 v2, v0  }
0x10e: {  	v1 =	vmax.f32 v1, $0.0e+00  }
0x10f: {  	v0 =	vmax.f32 v0, $0.0e+00;
	[tilespmem:s26+$0xFFFFFF90] =	vst v1  }
0x110: {  	[tilespmem:s26+$0x10] =	vst v0  }
0x111: {  	v0 =	vld [tilespmem:s20+$0x2420]  }
0x112: {  	v1 =	vld [tilespmem:s26+$0xFFFFFFA0]  }
0x113: {  	v2 =	vld [tilespmem:s26+$0x20];
	_ =	sdelay $0x2  }
0x114: {  	v3 =	vunpack.i.l.bf16.f32 v0  }
0x115: {  	v0 =	vunpack.i.u.bf16.f32 v0;
	v1 =	vadd.f32 v1, v3  }
0x116: {  	v0 =	vadd.f32 v2, v0  }
0x117: {  	v1 =	vmax.f32 v1, $0.0e+00  }
0x118: {  	v0 =	vmax.f32 v0, $0.0e+00;
	[tilespmem:s26+$0xFFFFFFA0] =	vst v1  }
0x119: {  	[tilespmem:s26+$0x20] =	vst v0  }
0x11a: {  	v0 =	vld [tilespmem:s20+$0x2430]  }
0x11b: {  	v1 =	vld [tilespmem:s26+$0xFFFFFFB0]  }
0x11c: {  	v2 =	vld [tilespmem:s26+$0x30];
	_ =	sdelay $0x2  }
0x11d: {  	v3 =	vunpack.i.l.bf16.f32 v0  }
0x11e: {  	v0 =	vunpack.i.u.bf16.f32 v0;
	v1 =	vadd.f32 v1, v3  }
0x11f: {  	v0 =	vadd.f32 v2, v0  }
0x120: {  	v1 =	vmax.f32 v1, $0.0e+00  }
0x121: {  	v0 =	vmax.f32 v0, $0.0e+00;
	[tilespmem:s26+$0xFFFFFFB0] =	vst v1  }
0x122: {  	[tilespmem:s26+$0x30] =	vst v0  }
0x123: {  	v0 =	vld [tilespmem:s20+$0x2440]  }
0x124: {  	v1 =	vld [tilespmem:s26+$0xFFFFFFC0]  }
0x125: {  	v2 =	vld [tilespmem:s26+$0x40];
	_ =	sdelay $0x2  }
0x126: {  	v3 =	vunpack.i.l.bf16.f32 v0  }
0x127: {  	v0 =	vunpack.i.u.bf16.f32 v0;
	v1 =	vadd.f32 v1, v3  }
0x128: {  	v0 =	vadd.f32 v2, v0  }
0x129: {  	v1 =	vmax.f32 v1, $0.0e+00  }
0x12a: {  	v0 =	vmax.f32 v0, $0.0e+00;
	[tilespmem:s26+$0xFFFFFFC0] =	vst v1  }
0x12b: {  	[tilespmem:s26+$0x40] =	vst v0  }
0x12c: {  	v0 =	vld [tilespmem:s20+$0x2450]  }
0x12d: {  	v1 =	vld [tilespmem:s26+$0xFFFFFFD0]  }
0x12e: {  	v2 =	vld [tilespmem:s26+$0x50];
	_ =	sdelay $0x2  }
0x12f: {  	v3 =	vunpack.i.l.bf16.f32 v0  }
0x130: {  	v0 =	vunpack.i.u.bf16.f32 v0;
	v1 =	vadd.f32 v1, v3  }
0x131: {  	v0 =	vadd.f32 v2, v0  }
0x132: {  	v1 =	vmax.f32 v1, $0.0e+00  }
0x133: {  	v0 =	vmax.f32 v0, $0.0e+00;
	[tilespmem:s26+$0xFFFFFFD0] =	vst v1  }
0x134: {  	[tilespmem:s26+$0x50] =	vst v0  }
0x135: {  	v0 =	vld [tilespmem:s20+$0x2460]  }
0x136: {  	v1 =	vld [tilespmem:s26+$0xFFFFFFE0]  }
0x137: {  	v2 =	vld [tilespmem:s26+$0x60];
	_ =	sdelay $0x2  }
0x138: {  	v3 =	vunpack.i.l.bf16.f32 v0  }
0x139: {  	v0 =	vunpack.i.u.bf16.f32 v0;
	v1 =	vadd.f32 v1, v3  }
0x13a: {  	v2 =	vadd.f32 v2, v0  }
0x13b: {  	v1 =	vmax.f32 v1, $0.0e+00  }
0x13c: {  	v0 =	vld [tilespmem:s26+$0xFFFFFFF0];
	v2 =	vmax.f32 v2, $0.0e+00;
	[tilespmem:s26+$0xFFFFFFE0] =	vst v1  }
0x13d: {  	[tilespmem:s26+$0x60] =	vst v2;
	v1 =	vld [tilespmem:s26+$0x70]  }
0x13e: {  	s12 =	simm.s32 $0x8480;
	s13 =	simm.s32 $0x200;
	v2 =	vld [tilespmem:s20+$0x2470]  }
.LBB2_5:
0x13f: {  	p2 =	sne.s32 s13, $0x7E00  }
0x140: {  	s26 =	sadd.s32 $0x100, s26;
	s20 =	smov.u32 s13;
	s13 =	sadd.s32 $0x200, s13  }
0x141: {  	_ =	sdelay $0x1  }
0x142: {  	v3 =	vunpack.i.u.bf16.f32 v2;
	v2 =	vunpack.i.l.bf16.f32 v2  }
0x143: {  	v0 =	vadd.f32 v0, v2;
	v1 =	vadd.f32 v1, v3;
	_ =	sdelay $0x1  }
0x144: {  	v0 =	vmax.f32 v0, $0.0e+00;
	v1 =	vmax.f32 v1, $0.0e+00  }
0x145: {  	[tilespmem:s12+$0xFFFFFFF0] =	vst v0  }
0x146: {  	s20 =	sshra.s32 s20, $0x2;
	v0 =	vld [tilespmem:s26+$0x0];
	[tilespmem:s12+$0x70] =	vst v1;
	s12 =	smov.u32 s26  }
0x147: {  	v1 =	vld [tilespmem:s20+$0x2400]  }
0x148: {  	v2 =	vld [tilespmem:s26+$0xFFFFFF80];
	_ =	sdelay $0x3  }
0x149: {  	v3 =	vunpack.i.u.bf16.f32 v1;
	v1 =	vunpack.i.l.bf16.f32 v1  }
0x14a: {  	v1 =	vadd.f32 v2, v1;
	v0 =	vadd.f32 v0, v3;
	_ =	sdelay $0x1  }
0x14b: {  	v1 =	vmax.f32 v1, $0.0e+00;
	v0 =	vmax.f32 v0, $0.0e+00  }
0x14c: {  	[tilespmem:s26+$0xFFFFFF80] =	vst v1  }
0x14d: {  	[tilespmem:s26+$0x0] =	vst v0;
	v0 =	vld [tilespmem:s26+$0x10]  }
0x14e: {  	v1 =	vld [tilespmem:s20+$0x2410]  }
0x14f: {  	v2 =	vld [tilespmem:s26+$0xFFFFFF90];
	_ =	sdelay $0x3  }
0x150: {  	v3 =	vunpack.i.u.bf16.f32 v1;
	v1 =	vunpack.i.l.bf16.f32 v1  }
0x151: {  	v1 =	vadd.f32 v2, v1;
	v0 =	vadd.f32 v0, v3;
	_ =	sdelay $0x1  }
0x152: {  	v1 =	vmax.f32 v1, $0.0e+00;
	v0 =	vmax.f32 v0, $0.0e+00  }
0x153: {  	[tilespmem:s26+$0xFFFFFF90] =	vst v1  }
0x154: {  	[tilespmem:s26+$0x10] =	vst v0;
	v0 =	vld [tilespmem:s26+$0x20]  }
0x155: {  	v1 =	vld [tilespmem:s20+$0x2420]  }
0x156: {  	v2 =	vld [tilespmem:s26+$0xFFFFFFA0];
	_ =	sdelay $0x3  }
0x157: {  	v3 =	vunpack.i.u.bf16.f32 v1;
	v1 =	vunpack.i.l.bf16.f32 v1  }
0x158: {  	v1 =	vadd.f32 v2, v1;
	v0 =	vadd.f32 v0, v3;
	_ =	sdelay $0x1  }
0x159: {  	v1 =	vmax.f32 v1, $0.0e+00;
	v0 =	vmax.f32 v0, $0.0e+00  }
0x15a: {  	[tilespmem:s26+$0xFFFFFFA0] =	vst v1  }
0x15b: {  	[tilespmem:s26+$0x20] =	vst v0;
	v0 =	vld [tilespmem:s26+$0x30]  }
0x15c: {  	v1 =	vld [tilespmem:s20+$0x2430]  }
0x15d: {  	v2 =	vld [tilespmem:s26+$0xFFFFFFB0];
	_ =	sdelay $0x3  }
0x15e: {  	v3 =	vunpack.i.u.bf16.f32 v1;
	v1 =	vunpack.i.l.bf16.f32 v1  }
0x15f: {  	v1 =	vadd.f32 v2, v1;
	v0 =	vadd.f32 v0, v3;
	_ =	sdelay $0x1  }
0x160: {  	v1 =	vmax.f32 v1, $0.0e+00;
	v0 =	vmax.f32 v0, $0.0e+00  }
0x161: {  	[tilespmem:s26+$0xFFFFFFB0] =	vst v1  }
0x162: {  	[tilespmem:s26+$0x30] =	vst v0;
	v0 =	vld [tilespmem:s26+$0x40]  }
0x163: {  	v1 =	vld [tilespmem:s20+$0x2440]  }
0x164: {  	v2 =	vld [tilespmem:s26+$0xFFFFFFC0];
	_ =	sdelay $0x3  }
0x165: {  	v3 =	vunpack.i.u.bf16.f32 v1;
	v1 =	vunpack.i.l.bf16.f32 v1  }
0x166: {  	v1 =	vadd.f32 v2, v1;
	v0 =	vadd.f32 v0, v3;
	_ =	sdelay $0x1  }
0x167: {  	v1 =	vmax.f32 v1, $0.0e+00;
	v0 =	vmax.f32 v0, $0.0e+00  }
0x168: {  	[tilespmem:s26+$0xFFFFFFC0] =	vst v1  }
0x169: {  	[tilespmem:s26+$0x40] =	vst v0;
	v0 =	vld [tilespmem:s26+$0x50]  }
0x16a: {  	v1 =	vld [tilespmem:s20+$0x2450]  }
0x16b: {  	v2 =	vld [tilespmem:s26+$0xFFFFFFD0];
	_ =	sdelay $0x3  }
0x16c: {  	v3 =	vunpack.i.u.bf16.f32 v1;
	v1 =	vunpack.i.l.bf16.f32 v1  }
0x16d: {  	v1 =	vadd.f32 v2, v1;
	v0 =	vadd.f32 v0, v3;
	_ =	sdelay $0x1  }
0x16e: {  	v1 =	vmax.f32 v1, $0.0e+00;
	v0 =	vmax.f32 v0, $0.0e+00  }
0x16f: {  	[tilespmem:s26+$0xFFFFFFD0] =	vst v1  }
0x170: {  	[tilespmem:s26+$0x50] =	vst v0;
	v1 =	vld [tilespmem:s26+$0x60]  }
0x171: {  	v0 =	vld [tilespmem:s20+$0x2460]  }
0x172: {  	v2 =	vld [tilespmem:s26+$0xFFFFFFE0];
	_ =	sdelay $0x3  }
0x173: {  	v3 =	vunpack.i.u.bf16.f32 v0;
	v4 =	vunpack.i.l.bf16.f32 v0;
	v0 =	vld [tilespmem:s26+$0xFFFFFFF0]  }
0x174: {  	v2 =	vadd.f32 v2, v4;
	v1 =	vadd.f32 v1, v3;
	_ =	sdelay $0x1  }
.Ltmp3:
0x175: {  	v2 =	vmax.f32 v2, $0.0e+00;
	v1 =	vmax.f32 v1, $0.0e+00;
	(pc) =	sbr.rel @p2 .LBB2_5-.Ltmp3, $4  }
0x176: {  	[tilespmem:s26+$0xFFFFFFE0] =	vst v2  }
0x177: {  	[tilespmem:s26+$0x60] =	vst v1  }
0x178: {  	v2 =	vld [tilespmem:s20+$0x2470]  }
0x179: {  	v1 =	vld [tilespmem:s26+$0x70]  }
0x17a: {  	_ =	sdelay $0x2  }
0x17b: {  	v3 =	vunpack.i.l.bf16.f32 v2  }
0x17c: {  	v2 =	vunpack.i.u.bf16.f32 v2;
	v0 =	vadd.f32 v0, v3  }
0x17d: {  	v1 =	vadd.f32 v1, v2  }
0x17e: {  	v0 =	vmax.f32 v0, $0.0e+00  }
0x17f: {  	v1 =	vmax.f32 v1, $0.0e+00;
	[tilespmem:s12+$0xFFFFFFF0] =	vst v0  }
0x180: {  	[tilespmem:s12+$0x70] =	vst v1  }
0x181: {  	[spmem:s2] =	stream.indirect.scatter.add.f32 [tilespmem:s17], [sflag:$0x9], $0x80, s0, s31, $0xb8;
	[tilespmem:$0x1FC80] =	vst v63  }
0x182: {  	_ =	swait.ge [sflag:s29], $0x4000  }
0x183: {  	[sflag:s29] =	ssyncset.done $0x0  }
0x184: {  	[sflag:s29] =	ssyncadd.s32 $0xFFFFC000  }
0x185: {  	_ =	swait.ge [sflag:s23], $0x2000  }
0x186: {  	s3 =	sadd.s32 $0x4, s3;
	[sflag:s23] =	ssyncset.done $0x0  }
0x187: {  	s26 =	sshll.u32 s3, $0x7;
	[sflag:s23] =	ssyncadd.s32 $0xFFFFE000  }
0x188: {  	s12 =	sadd.s32 s9, s26;
	_ =	swait.ge [sflag:s10], $0x4000  }
0x189: {  	s12 =	sshrl.u32 s12, $0x3;
	[sflag:s10] =	ssyncset.done $0x0  }
0x18a: {  	s20 =	simm.s32 $0x0;
	s13 =	sadd.s32 s6, s12;
	[sflag:s10] =	ssyncadd.s32 $0xFFFFC000  }
0x18b: {  	[tilespmem:s20], [sflag:$0x1] =	stream.linear.gather [hbm4b:s13+s20], $0x80, $0x38;
	[tilespmem:$0x1FC80] =	vst v63  }
0x18c: {  	s12 =	sadd.s32 s7, s12  }
0x18d: {  	[tilespmem:s30], [sflag:$0x1] =	stream.linear.gather [hbm4b:s12+s20], $0x80, $0x38;
	[tilespmem:$0x1FC80] =	vst v63  }
0x18e: {  	_ =	swait.ge [sflag:s8], $0x80  }
0x18f: {  	[sflag:s8] =	ssyncset.done $0x0  }
0x190: {  	s13 =	sshll.u32 s28, $0xE;
	[sflag:s8] =	ssyncadd.s32 $0xFFFFFF80  }
0x191: {  	s12 =	sadd.s32 s14, s13;
	_ =	swait.ge [sflag:s8], $0x80  }
0x192: {  	s12 =	sshrl.u32 s12, $0x4;
	[sflag:s8] =	ssyncset.done $0x0  }
0x193: {  	s12 =	sadd.s32 s5, s12;
	[sflag:s8] =	ssyncadd.s32 $0xFFFFFF80  }
0x194: {  	[tilespmem:s16], [sflag:$0x6] =	stream.linear.gather [hbm4b:s12+s20], $0x2000, $0x38;
	[tilespmem:$0x1FC80] =	vst v63  }
0x195: {  	s26 =	simm.s32 $0x180;
	s28 =	simm.s32 $0x0  }
0x196: {  	[tilespmem:s17], [sflag:$0x8] =	stream.indirect.gather [hbm4b:s1+s31], $0x80, s26, s31, $0xb8;
	[tilespmem:$0x1FC80] =	vst v63  }
0x197: {  	s26 =	simm.s32 $0x4480;
	v0 =	vld [tilespmem:s28+$0x400]  }
0x198: {  	v1 =	vld [tilespmem:s26+$0xFFFFFF80]  }
0x199: {  	v2 =	vld [tilespmem:s26+$0x0];
	_ =	sdelay $0x2  }
0x19a: {  	v3 =	vunpack.i.l.bf16.f32 v0  }
0x19b: {  	v0 =	vunpack.i.u.bf16.f32 v0;
	v1 =	vadd.f32 v1, v3  }
0x19c: {  	v0 =	vadd.f32 v2, v0  }
0x19d: {  	v1 =	vmax.f32 v1, $0.0e+00  }
0x19e: {  	v0 =	vmax.f32 v0, $0.0e+00;
	[tilespmem:s26+$0xFFFFFF80] =	vst v1  }
0x19f: {  	[tilespmem:s26+$0x0] =	vst v0  }
0x1a0: {  	v0 =	vld [tilespmem:s28+$0x410]  }
0x1a1: {  	v1 =	vld [tilespmem:s26+$0xFFFFFF90]  }
0x1a2: {  	v2 =	vld [tilespmem:s26+$0x10];
	_ =	sdelay $0x2  }
0x1a3: {  	v3 =	vunpack.i.l.bf16.f32 v0  }
0x1a4: {  	v0 =	vunpack.i.u.bf16.f32 v0;
	v1 =	vadd.f32 v1, v3  }
0x1a5: {  	v0 =	vadd.f32 v2, v0  }
0x1a6: {  	v1 =	vmax.f32 v1, $0.0e+00  }
0x1a7: {  	v0 =	vmax.f32 v0, $0.0e+00;
	[tilespmem:s26+$0xFFFFFF90] =	vst v1  }
0x1a8: {  	[tilespmem:s26+$0x10] =	vst v0  }
0x1a9: {  	v0 =	vld [tilespmem:s28+$0x420]  }
0x1aa: {  	v1 =	vld [tilespmem:s26+$0xFFFFFFA0]  }
0x1ab: {  	v2 =	vld [tilespmem:s26+$0x20];
	_ =	sdelay $0x2  }
0x1ac: {  	v3 =	vunpack.i.l.bf16.f32 v0  }
0x1ad: {  	v0 =	vunpack.i.u.bf16.f32 v0;
	v1 =	vadd.f32 v1, v3  }
0x1ae: {  	v0 =	vadd.f32 v2, v0  }
0x1af: {  	v1 =	vmax.f32 v1, $0.0e+00  }
0x1b0: {  	v0 =	vmax.f32 v0, $0.0e+00;
	[tilespmem:s26+$0xFFFFFFA0] =	vst v1  }
0x1b1: {  	[tilespmem:s26+$0x20] =	vst v0  }
0x1b2: {  	v0 =	vld [tilespmem:s28+$0x430]  }
0x1b3: {  	v1 =	vld [tilespmem:s26+$0xFFFFFFB0]  }
0x1b4: {  	v2 =	vld [tilespmem:s26+$0x30];
	_ =	sdelay $0x2  }
0x1b5: {  	v3 =	vunpack.i.l.bf16.f32 v0  }
0x1b6: {  	v0 =	vunpack.i.u.bf16.f32 v0;
	v1 =	vadd.f32 v1, v3  }
0x1b7: {  	v0 =	vadd.f32 v2, v0  }
0x1b8: {  	v1 =	vmax.f32 v1, $0.0e+00  }
0x1b9: {  	v0 =	vmax.f32 v0, $0.0e+00;
	[tilespmem:s26+$0xFFFFFFB0] =	vst v1  }
0x1ba: {  	[tilespmem:s26+$0x30] =	vst v0  }
0x1bb: {  	v0 =	vld [tilespmem:s28+$0x440]  }
0x1bc: {  	v1 =	vld [tilespmem:s26+$0xFFFFFFC0]  }
0x1bd: {  	v2 =	vld [tilespmem:s26+$0x40];
	_ =	sdelay $0x2  }
0x1be: {  	v3 =	vunpack.i.l.bf16.f32 v0  }
0x1bf: {  	v0 =	vunpack.i.u.bf16.f32 v0;
	v1 =	vadd.f32 v1, v3  }
0x1c0: {  	v0 =	vadd.f32 v2, v0  }
0x1c1: {  	v1 =	vmax.f32 v1, $0.0e+00  }
0x1c2: {  	v0 =	vmax.f32 v0, $0.0e+00;
	[tilespmem:s26+$0xFFFFFFC0] =	vst v1  }
0x1c3: {  	[tilespmem:s26+$0x40] =	vst v0  }
0x1c4: {  	v0 =	vld [tilespmem:s28+$0x450]  }
0x1c5: {  	v1 =	vld [tilespmem:s26+$0xFFFFFFD0]  }
0x1c6: {  	v2 =	vld [tilespmem:s26+$0x50];
	_ =	sdelay $0x2  }
0x1c7: {  	v3 =	vunpack.i.l.bf16.f32 v0  }
0x1c8: {  	v0 =	vunpack.i.u.bf16.f32 v0;
	v1 =	vadd.f32 v1, v3  }
0x1c9: {  	v0 =	vadd.f32 v2, v0  }
0x1ca: {  	v1 =	vmax.f32 v1, $0.0e+00  }
0x1cb: {  	v0 =	vmax.f32 v0, $0.0e+00;
	[tilespmem:s26+$0xFFFFFFD0] =	vst v1  }
0x1cc: {  	[tilespmem:s26+$0x50] =	vst v0  }
0x1cd: {  	v0 =	vld [tilespmem:s28+$0x460]  }
0x1ce: {  	v1 =	vld [tilespmem:s26+$0xFFFFFFE0]  }
0x1cf: {  	v2 =	vld [tilespmem:s26+$0x60];
	_ =	sdelay $0x2  }
0x1d0: {  	v3 =	vunpack.i.l.bf16.f32 v0  }
0x1d1: {  	v0 =	vunpack.i.u.bf16.f32 v0;
	v1 =	vadd.f32 v1, v3  }
0x1d2: {  	v2 =	vadd.f32 v2, v0  }
0x1d3: {  	v1 =	vmax.f32 v1, $0.0e+00  }
0x1d4: {  	v0 =	vld [tilespmem:s26+$0xFFFFFFF0];
	v2 =	vmax.f32 v2, $0.0e+00;
	[tilespmem:s26+$0xFFFFFFE0] =	vst v1  }
0x1d5: {  	[tilespmem:s26+$0x60] =	vst v2;
	v1 =	vld [tilespmem:s26+$0x70]  }
0x1d6: {  	s13 =	simm.s32 $0x200;
	s12 =	simm.s32 $0x4480;
	v2 =	vld [tilespmem:s28+$0x470]  }
.LBB2_7:
0x1d7: {  	p2 =	sne.s32 s13, $0x7E00  }
0x1d8: {  	s26 =	sadd.s32 $0x100, s26;
	s20 =	smov.u32 s13;
	s13 =	sadd.s32 $0x200, s13  }
0x1d9: {  	_ =	sdelay $0x1  }
0x1da: {  	v3 =	vunpack.i.u.bf16.f32 v2;
	v2 =	vunpack.i.l.bf16.f32 v2  }
0x1db: {  	v0 =	vadd.f32 v0, v2;
	v1 =	vadd.f32 v1, v3;
	_ =	sdelay $0x1  }
0x1dc: {  	v0 =	vmax.f32 v0, $0.0e+00;
	v1 =	vmax.f32 v1, $0.0e+00  }
0x1dd: {  	[tilespmem:s12+$0xFFFFFFF0] =	vst v0  }
0x1de: {  	s20 =	sshra.s32 s20, $0x2;
	v0 =	vld [tilespmem:s26+$0x0];
	[tilespmem:s12+$0x70] =	vst v1;
	s12 =	smov.u32 s26  }
0x1df: {  	v1 =	vld [tilespmem:s20+$0x400]  }
0x1e0: {  	v2 =	vld [tilespmem:s26+$0xFFFFFF80];
	_ =	sdelay $0x3  }
0x1e1: {  	v3 =	vunpack.i.u.bf16.f32 v1;
	v1 =	vunpack.i.l.bf16.f32 v1  }
0x1e2: {  	v1 =	vadd.f32 v2, v1;
	v0 =	vadd.f32 v0, v3;
	_ =	sdelay $0x1  }
0x1e3: {  	v1 =	vmax.f32 v1, $0.0e+00;
	v0 =	vmax.f32 v0, $0.0e+00  }
0x1e4: {  	[tilespmem:s26+$0xFFFFFF80] =	vst v1  }
0x1e5: {  	[tilespmem:s26+$0x0] =	vst v0;
	v0 =	vld [tilespmem:s26+$0x10]  }
0x1e6: {  	v1 =	vld [tilespmem:s20+$0x410]  }
0x1e7: {  	v2 =	vld [tilespmem:s26+$0xFFFFFF90];
	_ =	sdelay $0x3  }
0x1e8: {  	v3 =	vunpack.i.u.bf16.f32 v1;
	v1 =	vunpack.i.l.bf16.f32 v1  }
0x1e9: {  	v1 =	vadd.f32 v2, v1;
	v0 =	vadd.f32 v0, v3;
	_ =	sdelay $0x1  }
0x1ea: {  	v1 =	vmax.f32 v1, $0.0e+00;
	v0 =	vmax.f32 v0, $0.0e+00  }
0x1eb: {  	[tilespmem:s26+$0xFFFFFF90] =	vst v1  }
0x1ec: {  	[tilespmem:s26+$0x10] =	vst v0;
	v0 =	vld [tilespmem:s26+$0x20]  }
0x1ed: {  	v1 =	vld [tilespmem:s20+$0x420]  }
0x1ee: {  	v2 =	vld [tilespmem:s26+$0xFFFFFFA0];
	_ =	sdelay $0x3  }
0x1ef: {  	v3 =	vunpack.i.u.bf16.f32 v1;
	v1 =	vunpack.i.l.bf16.f32 v1  }
0x1f0: {  	v1 =	vadd.f32 v2, v1;
	v0 =	vadd.f32 v0, v3;
	_ =	sdelay $0x1  }
0x1f1: {  	v1 =	vmax.f32 v1, $0.0e+00;
	v0 =	vmax.f32 v0, $0.0e+00  }
0x1f2: {  	[tilespmem:s26+$0xFFFFFFA0] =	vst v1  }
0x1f3: {  	[tilespmem:s26+$0x20] =	vst v0;
	v0 =	vld [tilespmem:s26+$0x30]  }
0x1f4: {  	v1 =	vld [tilespmem:s20+$0x430]  }
0x1f5: {  	v2 =	vld [tilespmem:s26+$0xFFFFFFB0];
	_ =	sdelay $0x3  }
0x1f6: {  	v3 =	vunpack.i.u.bf16.f32 v1;
	v1 =	vunpack.i.l.bf16.f32 v1  }
0x1f7: {  	v1 =	vadd.f32 v2, v1;
	v0 =	vadd.f32 v0, v3;
	_ =	sdelay $0x1  }
0x1f8: {  	v1 =	vmax.f32 v1, $0.0e+00;
	v0 =	vmax.f32 v0, $0.0e+00  }
0x1f9: {  	[tilespmem:s26+$0xFFFFFFB0] =	vst v1  }
0x1fa: {  	[tilespmem:s26+$0x30] =	vst v0;
	v0 =	vld [tilespmem:s26+$0x40]  }
0x1fb: {  	v1 =	vld [tilespmem:s20+$0x440]  }
0x1fc: {  	v2 =	vld [tilespmem:s26+$0xFFFFFFC0];
	_ =	sdelay $0x3  }
0x1fd: {  	v3 =	vunpack.i.u.bf16.f32 v1;
	v1 =	vunpack.i.l.bf16.f32 v1  }
0x1fe: {  	v1 =	vadd.f32 v2, v1;
	v0 =	vadd.f32 v0, v3;
	_ =	sdelay $0x1  }
0x1ff: {  	v1 =	vmax.f32 v1, $0.0e+00;
	v0 =	vmax.f32 v0, $0.0e+00  }
0x200: {  	[tilespmem:s26+$0xFFFFFFC0] =	vst v1  }
0x201: {  	[tilespmem:s26+$0x40] =	vst v0;
	v0 =	vld [tilespmem:s26+$0x50]  }
0x202: {  	v1 =	vld [tilespmem:s20+$0x450]  }
0x203: {  	v2 =	vld [tilespmem:s26+$0xFFFFFFD0];
	_ =	sdelay $0x3  }
0x204: {  	v3 =	vunpack.i.u.bf16.f32 v1;
	v1 =	vunpack.i.l.bf16.f32 v1  }
0x205: {  	v1 =	vadd.f32 v2, v1;
	v0 =	vadd.f32 v0, v3;
	_ =	sdelay $0x1  }
0x206: {  	v1 =	vmax.f32 v1, $0.0e+00;
	v0 =	vmax.f32 v0, $0.0e+00  }
0x207: {  	[tilespmem:s26+$0xFFFFFFD0] =	vst v1  }
0x208: {  	[tilespmem:s26+$0x50] =	vst v0;
	v1 =	vld [tilespmem:s26+$0x60]  }
0x209: {  	v0 =	vld [tilespmem:s20+$0x460]  }
0x20a: {  	v2 =	vld [tilespmem:s26+$0xFFFFFFE0];
	_ =	sdelay $0x3  }
0x20b: {  	v3 =	vunpack.i.u.bf16.f32 v0;
	v4 =	vunpack.i.l.bf16.f32 v0;
	v0 =	vld [tilespmem:s26+$0xFFFFFFF0]  }
0x20c: {  	v2 =	vadd.f32 v2, v4;
	v1 =	vadd.f32 v1, v3;
	_ =	sdelay $0x1  }
.Ltmp4:
0x20d: {  	v2 =	vmax.f32 v2, $0.0e+00;
	v1 =	vmax.f32 v1, $0.0e+00;
	(pc) =	sbr.rel @p2 .LBB2_7-.Ltmp4, $4  }
0x20e: {  	[tilespmem:s26+$0xFFFFFFE0] =	vst v2  }
0x20f: {  	[tilespmem:s26+$0x60] =	vst v1  }
0x210: {  	v2 =	vld [tilespmem:s20+$0x470]  }
0x211: {  	v1 =	vld [tilespmem:s26+$0x70]  }
0x212: {  	_ =	sdelay $0x2  }
0x213: {  	v3 =	vunpack.i.l.bf16.f32 v2  }
0x214: {  	v2 =	vunpack.i.u.bf16.f32 v2;
	v0 =	vadd.f32 v0, v3  }
0x215: {  	v1 =	vadd.f32 v1, v2  }
0x216: {  	v0 =	vmax.f32 v0, $0.0e+00  }
0x217: {  	v1 =	vmax.f32 v1, $0.0e+00;
	[tilespmem:s12+$0xFFFFFFF0] =	vst v0  }
0x218: {  	s13 =	simm.s32 $0x300;
	[tilespmem:s12+$0x70] =	vst v1  }
0x219: {  	[spmem:s2] =	stream.indirect.scatter.add.f32 [tilespmem:s22], [sflag:$0x9], $0x80, s13, s31, $0xb8;
	[tilespmem:$0x1FC80] =	vst v63  }
0x21a: {  	_ =	swait.ge [sflag:s29], $0x4000  }
0x21b: {  	[sflag:s29] =	ssyncset.done $0x0  }
0x21c: {  	[sflag:s29] =	ssyncadd.s32 $0xFFFFC000  }
0x21d: {  	_ =	swait.ge [sflag:s18], $0x2000  }
0x21e: {  	[sflag:s18] =	ssyncset.done $0x0  }
0x21f: {  	[sflag:s18] =	ssyncadd.s32 $0xFFFFE000  }
0x220: {  	_ =	swait.ge [sflag:s19], $0x4000  }
0x221: {  	s20 =	sshll.u32 s11, $0x9;
	s13 =	rddreg [dreg:$0x16]  }
0x222: {  	s12 =	sadd.s32 s20, s13  }
0x223: {  	[sflag:s19] =	ssyncset.done $0x0;
	s12 =	sshrl.u32 s12, $0x3  }
0x224: {  	[sflag:s19] =	ssyncadd.s32 $0xFFFFC000;
	s20 =	simm.s32 $0x0;
	s26 =	sadd.s32 s6, s12  }
0x225: {  	[tilespmem:s31], [sflag:$0x2] =	stream.linear.gather [hbm4b:s26+s20], $0x80, $0x38;
	[tilespmem:$0x1FC80] =	vst v63  }
0x226: {  	s12 =	sadd.s32 s7, s12  }
0x227: {  	[tilespmem:s0], [sflag:$0x2] =	stream.linear.gather [hbm4b:s12+s20], $0x80, $0x38;
	[tilespmem:$0x1FC80] =	vst v63  }
0x228: {  	_ =	swait.ge [sflag:s4], $0x80  }
0x229: {  	[sflag:s4] =	ssyncset.done $0x0  }
0x22a: {  	s3 =	sshll.u32 s3, $0xE;
	[sflag:s4] =	ssyncadd.s32 $0xFFFFFF80  }
0x22b: {  	s3 =	sadd.s32 s14, s3;
	_ =	swait.ge [sflag:s4], $0x80  }
0x22c: {  	s3 =	sshrl.u32 s3, $0x4;
	[sflag:s4] =	ssyncset.done $0x0  }
0x22d: {  	s3 =	sadd.s32 s5, s3;
	[sflag:s4] =	ssyncadd.s32 $0xFFFFFF80  }
0x22e: {  	[tilespmem:s21], [sflag:$0x5] =	stream.linear.gather [hbm4b:s3+s20], $0x2000, $0x38;
	[tilespmem:$0x1FC80] =	vst v63  }
0x22f: {  	s28 =	simm.s32 $0x0  }
0x230: {  	[tilespmem:s22], [sflag:$0x7] =	stream.indirect.gather [hbm4b:s1+s31], $0x80, s20, s31, $0xb8;
	[tilespmem:$0x1FC80] =	vst v63  }
0x231: {  	s3 =	simm.s32 $0x8480;
	v0 =	vld [tilespmem:s28+$0x2400]  }
0x232: {  	v1 =	vld [tilespmem:s3+$0xFFFFFF80]  }
0x233: {  	v2 =	vld [tilespmem:s3+$0x0];
	_ =	sdelay $0x2  }
0x234: {  	v3 =	vunpack.i.l.bf16.f32 v0  }
0x235: {  	v0 =	vunpack.i.u.bf16.f32 v0;
	v1 =	vadd.f32 v1, v3  }
0x236: {  	v0 =	vadd.f32 v2, v0  }
0x237: {  	v1 =	vmax.f32 v1, $0.0e+00  }
0x238: {  	v0 =	vmax.f32 v0, $0.0e+00;
	[tilespmem:s3+$0xFFFFFF80] =	vst v1  }
0x239: {  	[tilespmem:s3+$0x0] =	vst v0  }
0x23a: {  	v0 =	vld [tilespmem:s28+$0x2410]  }
0x23b: {  	v1 =	vld [tilespmem:s3+$0xFFFFFF90]  }
0x23c: {  	v2 =	vld [tilespmem:s3+$0x10];
	_ =	sdelay $0x2  }
0x23d: {  	v3 =	vunpack.i.l.bf16.f32 v0  }
0x23e: {  	v0 =	vunpack.i.u.bf16.f32 v0;
	v1 =	vadd.f32 v1, v3  }
0x23f: {  	v0 =	vadd.f32 v2, v0  }
0x240: {  	v1 =	vmax.f32 v1, $0.0e+00  }
0x241: {  	v0 =	vmax.f32 v0, $0.0e+00;
	[tilespmem:s3+$0xFFFFFF90] =	vst v1  }
0x242: {  	[tilespmem:s3+$0x10] =	vst v0  }
0x243: {  	v0 =	vld [tilespmem:s28+$0x2420]  }
0x244: {  	v1 =	vld [tilespmem:s3+$0xFFFFFFA0]  }
0x245: {  	v2 =	vld [tilespmem:s3+$0x20];
	_ =	sdelay $0x2  }
0x246: {  	v3 =	vunpack.i.l.bf16.f32 v0  }
0x247: {  	v0 =	vunpack.i.u.bf16.f32 v0;
	v1 =	vadd.f32 v1, v3  }
0x248: {  	v0 =	vadd.f32 v2, v0  }
0x249: {  	v1 =	vmax.f32 v1, $0.0e+00  }
0x24a: {  	v0 =	vmax.f32 v0, $0.0e+00;
	[tilespmem:s3+$0xFFFFFFA0] =	vst v1  }
0x24b: {  	[tilespmem:s3+$0x20] =	vst v0  }
0x24c: {  	v0 =	vld [tilespmem:s28+$0x2430]  }
0x24d: {  	v1 =	vld [tilespmem:s3+$0xFFFFFFB0]  }
0x24e: {  	v2 =	vld [tilespmem:s3+$0x30];
	_ =	sdelay $0x2  }
0x24f: {  	v3 =	vunpack.i.l.bf16.f32 v0  }
0x250: {  	v0 =	vunpack.i.u.bf16.f32 v0;
	v1 =	vadd.f32 v1, v3  }
0x251: {  	v0 =	vadd.f32 v2, v0  }
0x252: {  	v1 =	vmax.f32 v1, $0.0e+00  }
0x253: {  	v0 =	vmax.f32 v0, $0.0e+00;
	[tilespmem:s3+$0xFFFFFFB0] =	vst v1  }
0x254: {  	[tilespmem:s3+$0x30] =	vst v0  }
0x255: {  	v0 =	vld [tilespmem:s28+$0x2440]  }
0x256: {  	v1 =	vld [tilespmem:s3+$0xFFFFFFC0]  }
0x257: {  	v2 =	vld [tilespmem:s3+$0x40];
	_ =	sdelay $0x2  }
0x258: {  	v3 =	vunpack.i.l.bf16.f32 v0  }
0x259: {  	v0 =	vunpack.i.u.bf16.f32 v0;
	v1 =	vadd.f32 v1, v3  }
0x25a: {  	v0 =	vadd.f32 v2, v0  }
0x25b: {  	v1 =	vmax.f32 v1, $0.0e+00  }
0x25c: {  	v0 =	vmax.f32 v0, $0.0e+00;
	[tilespmem:s3+$0xFFFFFFC0] =	vst v1  }
0x25d: {  	[tilespmem:s3+$0x40] =	vst v0  }
0x25e: {  	v0 =	vld [tilespmem:s28+$0x2450]  }
0x25f: {  	v1 =	vld [tilespmem:s3+$0xFFFFFFD0]  }
0x260: {  	v2 =	vld [tilespmem:s3+$0x50];
	_ =	sdelay $0x2  }
0x261: {  	v3 =	vunpack.i.l.bf16.f32 v0  }
0x262: {  	v0 =	vunpack.i.u.bf16.f32 v0;
	v1 =	vadd.f32 v1, v3  }
0x263: {  	v0 =	vadd.f32 v2, v0  }
0x264: {  	v1 =	vmax.f32 v1, $0.0e+00  }
0x265: {  	v0 =	vmax.f32 v0, $0.0e+00;
	[tilespmem:s3+$0xFFFFFFD0] =	vst v1  }
0x266: {  	[tilespmem:s3+$0x50] =	vst v0  }
0x267: {  	v0 =	vld [tilespmem:s28+$0x2460]  }
0x268: {  	v1 =	vld [tilespmem:s3+$0xFFFFFFE0]  }
0x269: {  	v2 =	vld [tilespmem:s3+$0x60];
	_ =	sdelay $0x2  }
0x26a: {  	v3 =	vunpack.i.l.bf16.f32 v0  }
0x26b: {  	v0 =	vunpack.i.u.bf16.f32 v0;
	v1 =	vadd.f32 v1, v3  }
0x26c: {  	v2 =	vadd.f32 v2, v0  }
0x26d: {  	v1 =	vmax.f32 v1, $0.0e+00  }
0x26e: {  	v0 =	vld [tilespmem:s3+$0xFFFFFFF0];
	v2 =	vmax.f32 v2, $0.0e+00;
	[tilespmem:s3+$0xFFFFFFE0] =	vst v1  }
0x26f: {  	[tilespmem:s3+$0x60] =	vst v2;
	v1 =	vld [tilespmem:s3+$0x70]  }
0x270: {  	s13 =	simm.s32 $0x200;
	s12 =	simm.s32 $0x8480;
	v2 =	vld [tilespmem:s28+$0x2470]  }
.LBB2_9:
0x271: {  	p2 =	sne.s32 s13, $0x7E00  }
0x272: {  	s3 =	sadd.s32 $0x100, s3;
	s20 =	smov.u32 s13;
	s13 =	sadd.s32 $0x200, s13  }
0x273: {  	_ =	sdelay $0x1  }
0x274: {  	v3 =	vunpack.i.u.bf16.f32 v2;
	v2 =	vunpack.i.l.bf16.f32 v2  }
0x275: {  	v0 =	vadd.f32 v0, v2;
	v1 =	vadd.f32 v1, v3;
	_ =	sdelay $0x1  }
0x276: {  	v0 =	vmax.f32 v0, $0.0e+00;
	v1 =	vmax.f32 v1, $0.0e+00  }
0x277: {  	[tilespmem:s12+$0xFFFFFFF0] =	vst v0  }
0x278: {  	s20 =	sshra.s32 s20, $0x2;
	v0 =	vld [tilespmem:s3+$0x0];
	[tilespmem:s12+$0x70] =	vst v1;
	s12 =	smov.u32 s3  }
0x279: {  	v1 =	vld [tilespmem:s20+$0x2400]  }
0x27a: {  	v2 =	vld [tilespmem:s3+$0xFFFFFF80];
	_ =	sdelay $0x3  }
0x27b: {  	v3 =	vunpack.i.u.bf16.f32 v1;
	v1 =	vunpack.i.l.bf16.f32 v1  }
0x27c: {  	v1 =	vadd.f32 v2, v1;
	v0 =	vadd.f32 v0, v3;
	_ =	sdelay $0x1  }
0x27d: {  	v1 =	vmax.f32 v1, $0.0e+00;
	v0 =	vmax.f32 v0, $0.0e+00  }
0x27e: {  	[tilespmem:s3+$0xFFFFFF80] =	vst v1  }
0x27f: {  	[tilespmem:s3+$0x0] =	vst v0;
	v0 =	vld [tilespmem:s3+$0x10]  }
0x280: {  	v1 =	vld [tilespmem:s20+$0x2410]  }
0x281: {  	v2 =	vld [tilespmem:s3+$0xFFFFFF90];
	_ =	sdelay $0x3  }
0x282: {  	v3 =	vunpack.i.u.bf16.f32 v1;
	v1 =	vunpack.i.l.bf16.f32 v1  }
0x283: {  	v1 =	vadd.f32 v2, v1;
	v0 =	vadd.f32 v0, v3;
	_ =	sdelay $0x1  }
0x284: {  	v1 =	vmax.f32 v1, $0.0e+00;
	v0 =	vmax.f32 v0, $0.0e+00  }
0x285: {  	[tilespmem:s3+$0xFFFFFF90] =	vst v1  }
0x286: {  	[tilespmem:s3+$0x10] =	vst v0;
	v0 =	vld [tilespmem:s3+$0x20]  }
0x287: {  	v1 =	vld [tilespmem:s20+$0x2420]  }
0x288: {  	v2 =	vld [tilespmem:s3+$0xFFFFFFA0];
	_ =	sdelay $0x3  }
0x289: {  	v3 =	vunpack.i.u.bf16.f32 v1;
	v1 =	vunpack.i.l.bf16.f32 v1  }
0x28a: {  	v1 =	vadd.f32 v2, v1;
	v0 =	vadd.f32 v0, v3;
	_ =	sdelay $0x1  }
0x28b: {  	v1 =	vmax.f32 v1, $0.0e+00;
	v0 =	vmax.f32 v0, $0.0e+00  }
0x28c: {  	[tilespmem:s3+$0xFFFFFFA0] =	vst v1  }
0x28d: {  	[tilespmem:s3+$0x20] =	vst v0;
	v0 =	vld [tilespmem:s3+$0x30]  }
0x28e: {  	v1 =	vld [tilespmem:s20+$0x2430]  }
0x28f: {  	v2 =	vld [tilespmem:s3+$0xFFFFFFB0];
	_ =	sdelay $0x3  }
0x290: {  	v3 =	vunpack.i.u.bf16.f32 v1;
	v1 =	vunpack.i.l.bf16.f32 v1  }
0x291: {  	v1 =	vadd.f32 v2, v1;
	v0 =	vadd.f32 v0, v3;
	_ =	sdelay $0x1  }
0x292: {  	v1 =	vmax.f32 v1, $0.0e+00;
	v0 =	vmax.f32 v0, $0.0e+00  }
0x293: {  	[tilespmem:s3+$0xFFFFFFB0] =	vst v1  }
0x294: {  	[tilespmem:s3+$0x30] =	vst v0;
	v0 =	vld [tilespmem:s3+$0x40]  }
0x295: {  	v1 =	vld [tilespmem:s20+$0x2440]  }
0x296: {  	v2 =	vld [tilespmem:s3+$0xFFFFFFC0];
	_ =	sdelay $0x3  }
0x297: {  	v3 =	vunpack.i.u.bf16.f32 v1;
	v1 =	vunpack.i.l.bf16.f32 v1  }
0x298: {  	v1 =	vadd.f32 v2, v1;
	v0 =	vadd.f32 v0, v3;
	_ =	sdelay $0x1  }
0x299: {  	v1 =	vmax.f32 v1, $0.0e+00;
	v0 =	vmax.f32 v0, $0.0e+00  }
0x29a: {  	[tilespmem:s3+$0xFFFFFFC0] =	vst v1  }
0x29b: {  	[tilespmem:s3+$0x40] =	vst v0;
	v0 =	vld [tilespmem:s3+$0x50]  }
0x29c: {  	v1 =	vld [tilespmem:s20+$0x2450]  }
0x29d: {  	v2 =	vld [tilespmem:s3+$0xFFFFFFD0];
	_ =	sdelay $0x3  }
0x29e: {  	v3 =	vunpack.i.u.bf16.f32 v1;
	v1 =	vunpack.i.l.bf16.f32 v1  }
0x29f: {  	v1 =	vadd.f32 v2, v1;
	v0 =	vadd.f32 v0, v3;
	_ =	sdelay $0x1  }
0x2a0: {  	v1 =	vmax.f32 v1, $0.0e+00;
	v0 =	vmax.f32 v0, $0.0e+00  }
0x2a1: {  	[tilespmem:s3+$0xFFFFFFD0] =	vst v1  }
0x2a2: {  	[tilespmem:s3+$0x50] =	vst v0;
	v1 =	vld [tilespmem:s3+$0x60]  }
0x2a3: {  	v0 =	vld [tilespmem:s20+$0x2460]  }
0x2a4: {  	v2 =	vld [tilespmem:s3+$0xFFFFFFE0];
	_ =	sdelay $0x3  }
0x2a5: {  	v3 =	vunpack.i.u.bf16.f32 v0;
	v4 =	vunpack.i.l.bf16.f32 v0;
	v0 =	vld [tilespmem:s3+$0xFFFFFFF0]  }
0x2a6: {  	v2 =	vadd.f32 v2, v4;
	v1 =	vadd.f32 v1, v3;
	_ =	sdelay $0x1  }
.Ltmp5:
0x2a7: {  	v2 =	vmax.f32 v2, $0.0e+00;
	v1 =	vmax.f32 v1, $0.0e+00;
	(pc) =	sbr.rel @p2 .LBB2_9-.Ltmp5, $4  }
0x2a8: {  	[tilespmem:s3+$0xFFFFFFE0] =	vst v2  }
0x2a9: {  	[tilespmem:s3+$0x60] =	vst v1  }
0x2aa: {  	v2 =	vld [tilespmem:s20+$0x2470]  }
0x2ab: {  	v1 =	vld [tilespmem:s3+$0x70]  }
0x2ac: {  	_ =	sdelay $0x2  }
0x2ad: {  	v3 =	vunpack.i.l.bf16.f32 v2  }
0x2ae: {  	v63 =	vunpack.i.u.bf16.f32 v2;
	v0 =	vadd.f32 v0, v3  }
0x2af: {  	v1 =	vadd.f32 v1, v63  }
0x2b0: {  	s11 =	sadd.s32 $0x1, s11;
	v0 =	vmax.f32 v0, $0.0e+00  }
0x2b1: {  	p2 =	sne.s32 s11, $0x13;
	v1 =	vmax.f32 v1, $0.0e+00;
	[tilespmem:s12+$0xFFFFFFF0] =	vst v0  }
.Ltmp6:
0x2b2: {  	[tilespmem:s12+$0x70] =	vst v1;
	(pc) =	sbr.rel @p2 .LBB2_2-.Ltmp6, $4  }
0x2b3: {  	[spmem:s2] =	stream.indirect.scatter.add.f32 [tilespmem:s17], [sflag:$0x9], $0x80, s24, s31, $0xb8;
	[tilespmem:$0x1FC80] =	vst v63  }
0x2b4: {  	_ =	swait.ge [sflag:s29], $0x4000  }
0x2b5: {  	[sflag:s29] =	ssyncset.done $0x0  }
0x2b6: {  	[sflag:s29] =	ssyncadd.s32 $0xFFFFC000  }
0x2b7: {  	_ =	swait.ge [sflag:s23], $0x2000  }
0x2b8: {  	[sflag:s23] =	ssyncset.done $0x0  }
0x2b9: {  	[sflag:s23] =	ssyncadd.s32 $0xFFFFE000  }
0x2ba: {  	_ =	swait.ge [sflag:s10], $0x4000  }
0x2bb: {  	[sflag:s10] =	ssyncset.done $0x0  }
0x2bc: {  	[sflag:s10] =	ssyncadd.s32 $0xFFFFC000  }
0x2bd: {  	_ =	swait.ge [sflag:s15], $0x80  }
0x2be: {  	[sflag:s15] =	ssyncset.done $0x0  }
0x2bf: {  	[sflag:s15] =	ssyncadd.s32 $0xFFFFFF80  }
0x2c0: {  	_ =	swait.ge [sflag:s15], $0x80  }
0x2c1: {  	[sflag:s15] =	ssyncset.done $0x0  }
0x2c2: {  	s3 =	simm.s32 $0x0;
	s11 =	rddreg [dreg:$0xe];
	[sflag:s15] =	ssyncadd.s32 $0xFFFFFF80  }
0x2c3: {  	[tilespmem:s16], [sflag:$0x6] =	stream.linear.gather [hbm4b:s11+s3], $0x2000, $0x38;
	[tilespmem:$0x1FC80] =	vst v63  }
0x2c4: {  	s28 =	simm.s32 $0x0  }
0x2c5: {  	[tilespmem:s17], [sflag:$0x8] =	stream.indirect.gather [hbm4b:s1+s31], $0x80, s31, s31, $0xb8;
	[tilespmem:$0x1FC80] =	vst v63  }
0x2c6: {  	s3 =	simm.s32 $0x4480;
	v0 =	vld [tilespmem:s28+$0x400]  }
0x2c7: {  	v1 =	vld [tilespmem:s3+$0xFFFFFF80]  }
0x2c8: {  	v2 =	vld [tilespmem:s3+$0x0];
	_ =	sdelay $0x2  }
0x2c9: {  	v3 =	vunpack.i.l.bf16.f32 v0  }
0x2ca: {  	v0 =	vunpack.i.u.bf16.f32 v0;
	v1 =	vadd.f32 v1, v3  }
0x2cb: {  	v0 =	vadd.f32 v2, v0  }
0x2cc: {  	v1 =	vmax.f32 v1, $0.0e+00  }
0x2cd: {  	v0 =	vmax.f32 v0, $0.0e+00;
	[tilespmem:s3+$0xFFFFFF80] =	vst v1  }
0x2ce: {  	[tilespmem:s3+$0x0] =	vst v0  }
0x2cf: {  	v0 =	vld [tilespmem:s28+$0x410]  }
0x2d0: {  	v1 =	vld [tilespmem:s3+$0xFFFFFF90]  }
0x2d1: {  	v2 =	vld [tilespmem:s3+$0x10];
	_ =	sdelay $0x2  }
0x2d2: {  	v3 =	vunpack.i.l.bf16.f32 v0  }
0x2d3: {  	v0 =	vunpack.i.u.bf16.f32 v0;
	v1 =	vadd.f32 v1, v3  }
0x2d4: {  	v0 =	vadd.f32 v2, v0  }
0x2d5: {  	v1 =	vmax.f32 v1, $0.0e+00  }
0x2d6: {  	v0 =	vmax.f32 v0, $0.0e+00;
	[tilespmem:s3+$0xFFFFFF90] =	vst v1  }
0x2d7: {  	[tilespmem:s3+$0x10] =	vst v0  }
0x2d8: {  	v0 =	vld [tilespmem:s28+$0x420]  }
0x2d9: {  	v1 =	vld [tilespmem:s3+$0xFFFFFFA0]  }
0x2da: {  	v2 =	vld [tilespmem:s3+$0x20];
	_ =	sdelay $0x2  }
0x2db: {  	v3 =	vunpack.i.l.bf16.f32 v0  }
0x2dc: {  	v0 =	vunpack.i.u.bf16.f32 v0;
	v1 =	vadd.f32 v1, v3  }
0x2dd: {  	v0 =	vadd.f32 v2, v0  }
0x2de: {  	v1 =	vmax.f32 v1, $0.0e+00  }
0x2df: {  	v0 =	vmax.f32 v0, $0.0e+00;
	[tilespmem:s3+$0xFFFFFFA0] =	vst v1  }
0x2e0: {  	[tilespmem:s3+$0x20] =	vst v0  }
0x2e1: {  	v0 =	vld [tilespmem:s28+$0x430]  }
0x2e2: {  	v1 =	vld [tilespmem:s3+$0xFFFFFFB0]  }
0x2e3: {  	v2 =	vld [tilespmem:s3+$0x30];
	_ =	sdelay $0x2  }
0x2e4: {  	v3 =	vunpack.i.l.bf16.f32 v0  }
0x2e5: {  	v0 =	vunpack.i.u.bf16.f32 v0;
	v1 =	vadd.f32 v1, v3  }
0x2e6: {  	v0 =	vadd.f32 v2, v0  }
0x2e7: {  	v1 =	vmax.f32 v1, $0.0e+00  }
0x2e8: {  	v0 =	vmax.f32 v0, $0.0e+00;
	[tilespmem:s3+$0xFFFFFFB0] =	vst v1  }
0x2e9: {  	[tilespmem:s3+$0x30] =	vst v0  }
0x2ea: {  	v0 =	vld [tilespmem:s28+$0x440]  }
0x2eb: {  	v1 =	vld [tilespmem:s3+$0xFFFFFFC0]  }
0x2ec: {  	v2 =	vld [tilespmem:s3+$0x40];
	_ =	sdelay $0x2  }
0x2ed: {  	v3 =	vunpack.i.l.bf16.f32 v0  }
0x2ee: {  	v0 =	vunpack.i.u.bf16.f32 v0;
	v1 =	vadd.f32 v1, v3  }
0x2ef: {  	v0 =	vadd.f32 v2, v0  }
0x2f0: {  	v1 =	vmax.f32 v1, $0.0e+00  }
0x2f1: {  	v0 =	vmax.f32 v0, $0.0e+00;
	[tilespmem:s3+$0xFFFFFFC0] =	vst v1  }
0x2f2: {  	[tilespmem:s3+$0x40] =	vst v0  }
0x2f3: {  	v0 =	vld [tilespmem:s28+$0x450]  }
0x2f4: {  	v1 =	vld [tilespmem:s3+$0xFFFFFFD0]  }
0x2f5: {  	v2 =	vld [tilespmem:s3+$0x50];
	_ =	sdelay $0x2  }
0x2f6: {  	v3 =	vunpack.i.l.bf16.f32 v0  }
0x2f7: {  	v0 =	vunpack.i.u.bf16.f32 v0;
	v1 =	vadd.f32 v1, v3  }
0x2f8: {  	v0 =	vadd.f32 v2, v0  }
0x2f9: {  	v1 =	vmax.f32 v1, $0.0e+00  }
0x2fa: {  	v0 =	vmax.f32 v0, $0.0e+00;
	[tilespmem:s3+$0xFFFFFFD0] =	vst v1  }
0x2fb: {  	[tilespmem:s3+$0x50] =	vst v0  }
0x2fc: {  	v0 =	vld [tilespmem:s28+$0x460]  }
0x2fd: {  	v1 =	vld [tilespmem:s3+$0xFFFFFFE0]  }
0x2fe: {  	v2 =	vld [tilespmem:s3+$0x60];
	_ =	sdelay $0x2  }
0x2ff: {  	v3 =	vunpack.i.l.bf16.f32 v0  }
0x300: {  	v0 =	vunpack.i.u.bf16.f32 v0;
	v1 =	vadd.f32 v1, v3  }
0x301: {  	v2 =	vadd.f32 v2, v0  }
0x302: {  	v1 =	vmax.f32 v1, $0.0e+00  }
0x303: {  	v0 =	vld [tilespmem:s3+$0xFFFFFFF0];
	v2 =	vmax.f32 v2, $0.0e+00;
	[tilespmem:s3+$0xFFFFFFE0] =	vst v1  }
0x304: {  	[tilespmem:s3+$0x60] =	vst v2;
	v1 =	vld [tilespmem:s3+$0x70]  }
0x305: {  	s12 =	simm.s32 $0x200;
	s11 =	simm.s32 $0x4480;
	v2 =	vld [tilespmem:s28+$0x470]  }
.LBB2_12:
0x306: {  	p2 =	sne.s32 s12, $0x7E00  }
0x307: {  	s3 =	sadd.s32 $0x100, s3;
	s13 =	smov.u32 s12;
	s12 =	sadd.s32 $0x200, s12  }
0x308: {  	_ =	sdelay $0x1  }
0x309: {  	v3 =	vunpack.i.u.bf16.f32 v2;
	v2 =	vunpack.i.l.bf16.f32 v2  }
0x30a: {  	v0 =	vadd.f32 v0, v2;
	v1 =	vadd.f32 v1, v3;
	_ =	sdelay $0x1  }
0x30b: {  	v0 =	vmax.f32 v0, $0.0e+00;
	v1 =	vmax.f32 v1, $0.0e+00  }
0x30c: {  	[tilespmem:s11+$0xFFFFFFF0] =	vst v0  }
0x30d: {  	s13 =	sshra.s32 s13, $0x2;
	v0 =	vld [tilespmem:s3+$0x0];
	[tilespmem:s11+$0x70] =	vst v1;
	s11 =	smov.u32 s3  }
0x30e: {  	v1 =	vld [tilespmem:s13+$0x400]  }
0x30f: {  	v2 =	vld [tilespmem:s3+$0xFFFFFF80];
	_ =	sdelay $0x3  }
0x310: {  	v3 =	vunpack.i.u.bf16.f32 v1;
	v1 =	vunpack.i.l.bf16.f32 v1  }
0x311: {  	v1 =	vadd.f32 v2, v1;
	v0 =	vadd.f32 v0, v3;
	_ =	sdelay $0x1  }
0x312: {  	v1 =	vmax.f32 v1, $0.0e+00;
	v0 =	vmax.f32 v0, $0.0e+00  }
0x313: {  	[tilespmem:s3+$0xFFFFFF80] =	vst v1  }
0x314: {  	[tilespmem:s3+$0x0] =	vst v0;
	v0 =	vld [tilespmem:s3+$0x10]  }
0x315: {  	v1 =	vld [tilespmem:s13+$0x410]  }
0x316: {  	v2 =	vld [tilespmem:s3+$0xFFFFFF90];
	_ =	sdelay $0x3  }
0x317: {  	v3 =	vunpack.i.u.bf16.f32 v1;
	v1 =	vunpack.i.l.bf16.f32 v1  }
0x318: {  	v1 =	vadd.f32 v2, v1;
	v0 =	vadd.f32 v0, v3;
	_ =	sdelay $0x1  }
0x319: {  	v1 =	vmax.f32 v1, $0.0e+00;
	v0 =	vmax.f32 v0, $0.0e+00  }
0x31a: {  	[tilespmem:s3+$0xFFFFFF90] =	vst v1  }
0x31b: {  	[tilespmem:s3+$0x10] =	vst v0;
	v0 =	vld [tilespmem:s3+$0x20]  }
0x31c: {  	v1 =	vld [tilespmem:s13+$0x420]  }
0x31d: {  	v2 =	vld [tilespmem:s3+$0xFFFFFFA0];
	_ =	sdelay $0x3  }
0x31e: {  	v3 =	vunpack.i.u.bf16.f32 v1;
	v1 =	vunpack.i.l.bf16.f32 v1  }
0x31f: {  	v1 =	vadd.f32 v2, v1;
	v0 =	vadd.f32 v0, v3;
	_ =	sdelay $0x1  }
0x320: {  	v1 =	vmax.f32 v1, $0.0e+00;
	v0 =	vmax.f32 v0, $0.0e+00  }
0x321: {  	[tilespmem:s3+$0xFFFFFFA0] =	vst v1  }
0x322: {  	[tilespmem:s3+$0x20] =	vst v0;
	v0 =	vld [tilespmem:s3+$0x30]  }
0x323: {  	v1 =	vld [tilespmem:s13+$0x430]  }
0x324: {  	v2 =	vld [tilespmem:s3+$0xFFFFFFB0];
	_ =	sdelay $0x3  }
0x325: {  	v3 =	vunpack.i.u.bf16.f32 v1;
	v1 =	vunpack.i.l.bf16.f32 v1  }
0x326: {  	v1 =	vadd.f32 v2, v1;
	v0 =	vadd.f32 v0, v3;
	_ =	sdelay $0x1  }
0x327: {  	v1 =	vmax.f32 v1, $0.0e+00;
	v0 =	vmax.f32 v0, $0.0e+00  }
0x328: {  	[tilespmem:s3+$0xFFFFFFB0] =	vst v1  }
0x329: {  	[tilespmem:s3+$0x30] =	vst v0;
	v0 =	vld [tilespmem:s3+$0x40]  }
0x32a: {  	v1 =	vld [tilespmem:s13+$0x440]  }
0x32b: {  	v2 =	vld [tilespmem:s3+$0xFFFFFFC0];
	_ =	sdelay $0x3  }
0x32c: {  	v3 =	vunpack.i.u.bf16.f32 v1;
	v1 =	vunpack.i.l.bf16.f32 v1  }
0x32d: {  	v1 =	vadd.f32 v2, v1;
	v0 =	vadd.f32 v0, v3;
	_ =	sdelay $0x1  }
0x32e: {  	v1 =	vmax.f32 v1, $0.0e+00;
	v0 =	vmax.f32 v0, $0.0e+00  }
0x32f: {  	[tilespmem:s3+$0xFFFFFFC0] =	vst v1  }
0x330: {  	[tilespmem:s3+$0x40] =	vst v0;
	v0 =	vld [tilespmem:s3+$0x50]  }
0x331: {  	v1 =	vld [tilespmem:s13+$0x450]  }
0x332: {  	v2 =	vld [tilespmem:s3+$0xFFFFFFD0];
	_ =	sdelay $0x3  }
0x333: {  	v3 =	vunpack.i.u.bf16.f32 v1;
	v1 =	vunpack.i.l.bf16.f32 v1  }
0x334: {  	v1 =	vadd.f32 v2, v1;
	v0 =	vadd.f32 v0, v3;
	_ =	sdelay $0x1  }
0x335: {  	v1 =	vmax.f32 v1, $0.0e+00;
	v0 =	vmax.f32 v0, $0.0e+00  }
0x336: {  	[tilespmem:s3+$0xFFFFFFD0] =	vst v1  }
0x337: {  	[tilespmem:s3+$0x50] =	vst v0;
	v1 =	vld [tilespmem:s3+$0x60]  }
0x338: {  	v0 =	vld [tilespmem:s13+$0x460]  }
0x339: {  	v2 =	vld [tilespmem:s3+$0xFFFFFFE0];
	_ =	sdelay $0x3  }
0x33a: {  	v3 =	vunpack.i.u.bf16.f32 v0;
	v4 =	vunpack.i.l.bf16.f32 v0;
	v0 =	vld [tilespmem:s3+$0xFFFFFFF0]  }
0x33b: {  	v2 =	vadd.f32 v2, v4;
	v1 =	vadd.f32 v1, v3;
	_ =	sdelay $0x1  }
.Ltmp7:
0x33c: {  	v2 =	vmax.f32 v2, $0.0e+00;
	v1 =	vmax.f32 v1, $0.0e+00;
	(pc) =	sbr.rel @p2 .LBB2_12-.Ltmp7, $4  }
0x33d: {  	[tilespmem:s3+$0xFFFFFFE0] =	vst v2  }
0x33e: {  	[tilespmem:s3+$0x60] =	vst v1  }
0x33f: {  	v2 =	vld [tilespmem:s13+$0x470]  }
0x340: {  	v1 =	vld [tilespmem:s3+$0x70]  }
0x341: {  	_ =	sdelay $0x2  }
0x342: {  	v3 =	vunpack.i.l.bf16.f32 v2  }
0x343: {  	v2 =	vunpack.i.u.bf16.f32 v2;
	v0 =	vadd.f32 v0, v3  }
0x344: {  	v1 =	vadd.f32 v1, v2  }
0x345: {  	v0 =	vmax.f32 v0, $0.0e+00  }
0x346: {  	v1 =	vmax.f32 v1, $0.0e+00;
	[tilespmem:s11+$0xFFFFFFF0] =	vst v0  }
0x347: {  	[tilespmem:s11+$0x70] =	vst v1  }
0x348: {  	[spmem:s2] =	stream.indirect.scatter.add.f32 [tilespmem:s22], [sflag:$0x9], $0x80, s30, s31, $0xb8;
	[tilespmem:$0x1FC80] =	vst v63  }
0x349: {  	_ =	swait.ge [sflag:s29], $0x4000  }
0x34a: {  	[sflag:s29] =	ssyncset.done $0x0  }
0x34b: {  	[sflag:s29] =	ssyncadd.s32 $0xFFFFC000  }
0x34c: {  	_ =	swait.ge [sflag:s18], $0x2000  }
0x34d: {  	[sflag:s18] =	ssyncset.done $0x0  }
0x34e: {  	[sflag:s18] =	ssyncadd.s32 $0xFFFFE000  }
0x34f: {  	_ =	swait.ge [sflag:s19], $0x4000  }
0x350: {  	[sflag:s19] =	ssyncset.done $0x0  }
0x351: {  	s28 =	simm.s32 $0x0;
	[sflag:s19] =	ssyncadd.s32 $0xFFFFC000  }
0x352: {  	s3 =	simm.s32 $0x8480;
	v0 =	vld [tilespmem:s28+$0x2400]  }
0x353: {  	v1 =	vld [tilespmem:s3+$0xFFFFFF80]  }
0x354: {  	v2 =	vld [tilespmem:s3+$0x0];
	_ =	sdelay $0x2  }
0x355: {  	v3 =	vunpack.i.l.bf16.f32 v0  }
0x356: {  	v0 =	vunpack.i.u.bf16.f32 v0;
	v1 =	vadd.f32 v1, v3  }
0x357: {  	v0 =	vadd.f32 v2, v0  }
0x358: {  	v1 =	vmax.f32 v1, $0.0e+00  }
0x359: {  	v0 =	vmax.f32 v0, $0.0e+00;
	[tilespmem:s3+$0xFFFFFF80] =	vst v1  }
0x35a: {  	[tilespmem:s3+$0x0] =	vst v0  }
0x35b: {  	v0 =	vld [tilespmem:s28+$0x2410]  }
0x35c: {  	v1 =	vld [tilespmem:s3+$0xFFFFFF90]  }
0x35d: {  	v2 =	vld [tilespmem:s3+$0x10];
	_ =	sdelay $0x2  }
0x35e: {  	v3 =	vunpack.i.l.bf16.f32 v0  }
0x35f: {  	v0 =	vunpack.i.u.bf16.f32 v0;
	v1 =	vadd.f32 v1, v3  }
0x360: {  	v0 =	vadd.f32 v2, v0  }
0x361: {  	v1 =	vmax.f32 v1, $0.0e+00  }
0x362: {  	v0 =	vmax.f32 v0, $0.0e+00;
	[tilespmem:s3+$0xFFFFFF90] =	vst v1  }
0x363: {  	[tilespmem:s3+$0x10] =	vst v0  }
0x364: {  	v0 =	vld [tilespmem:s28+$0x2420]  }
0x365: {  	v1 =	vld [tilespmem:s3+$0xFFFFFFA0]  }
0x366: {  	v2 =	vld [tilespmem:s3+$0x20];
	_ =	sdelay $0x2  }
0x367: {  	v3 =	vunpack.i.l.bf16.f32 v0  }
0x368: {  	v0 =	vunpack.i.u.bf16.f32 v0;
	v1 =	vadd.f32 v1, v3  }
0x369: {  	v0 =	vadd.f32 v2, v0  }
0x36a: {  	v1 =	vmax.f32 v1, $0.0e+00  }
0x36b: {  	v0 =	vmax.f32 v0, $0.0e+00;
	[tilespmem:s3+$0xFFFFFFA0] =	vst v1  }
0x36c: {  	[tilespmem:s3+$0x20] =	vst v0  }
0x36d: {  	v0 =	vld [tilespmem:s28+$0x2430]  }
0x36e: {  	v1 =	vld [tilespmem:s3+$0xFFFFFFB0]  }
0x36f: {  	v2 =	vld [tilespmem:s3+$0x30];
	_ =	sdelay $0x2  }
0x370: {  	v3 =	vunpack.i.l.bf16.f32 v0  }
0x371: {  	v0 =	vunpack.i.u.bf16.f32 v0;
	v1 =	vadd.f32 v1, v3  }
0x372: {  	v0 =	vadd.f32 v2, v0  }
0x373: {  	v1 =	vmax.f32 v1, $0.0e+00  }
0x374: {  	v0 =	vmax.f32 v0, $0.0e+00;
	[tilespmem:s3+$0xFFFFFFB0] =	vst v1  }
0x375: {  	[tilespmem:s3+$0x30] =	vst v0  }
0x376: {  	v0 =	vld [tilespmem:s28+$0x2440]  }
0x377: {  	v1 =	vld [tilespmem:s3+$0xFFFFFFC0]  }
0x378: {  	v2 =	vld [tilespmem:s3+$0x40];
	_ =	sdelay $0x2  }
0x379: {  	v3 =	vunpack.i.l.bf16.f32 v0  }
0x37a: {  	v0 =	vunpack.i.u.bf16.f32 v0;
	v1 =	vadd.f32 v1, v3  }
0x37b: {  	v0 =	vadd.f32 v2, v0  }
0x37c: {  	v1 =	vmax.f32 v1, $0.0e+00  }
0x37d: {  	v0 =	vmax.f32 v0, $0.0e+00;
	[tilespmem:s3+$0xFFFFFFC0] =	vst v1  }
0x37e: {  	[tilespmem:s3+$0x40] =	vst v0  }
0x37f: {  	v0 =	vld [tilespmem:s28+$0x2450]  }
0x380: {  	v1 =	vld [tilespmem:s3+$0xFFFFFFD0]  }
0x381: {  	v2 =	vld [tilespmem:s3+$0x50];
	_ =	sdelay $0x2  }
0x382: {  	v3 =	vunpack.i.l.bf16.f32 v0  }
0x383: {  	v0 =	vunpack.i.u.bf16.f32 v0;
	v1 =	vadd.f32 v1, v3  }
0x384: {  	v0 =	vadd.f32 v2, v0  }
0x385: {  	v1 =	vmax.f32 v1, $0.0e+00  }
0x386: {  	v0 =	vmax.f32 v0, $0.0e+00;
	[tilespmem:s3+$0xFFFFFFD0] =	vst v1  }
0x387: {  	[tilespmem:s3+$0x50] =	vst v0  }
0x388: {  	v0 =	vld [tilespmem:s28+$0x2460]  }
0x389: {  	v1 =	vld [tilespmem:s3+$0xFFFFFFE0]  }
0x38a: {  	v2 =	vld [tilespmem:s3+$0x60];
	_ =	sdelay $0x2  }
0x38b: {  	v3 =	vunpack.i.l.bf16.f32 v0  }
0x38c: {  	v0 =	vunpack.i.u.bf16.f32 v0;
	v1 =	vadd.f32 v1, v3  }
0x38d: {  	v2 =	vadd.f32 v2, v0  }
0x38e: {  	v1 =	vmax.f32 v1, $0.0e+00  }
0x38f: {  	v0 =	vld [tilespmem:s3+$0xFFFFFFF0];
	v2 =	vmax.f32 v2, $0.0e+00;
	[tilespmem:s3+$0xFFFFFFE0] =	vst v1  }
0x390: {  	[tilespmem:s3+$0x60] =	vst v2;
	v1 =	vld [tilespmem:s3+$0x70]  }
0x391: {  	s12 =	simm.s32 $0x200;
	s11 =	simm.s32 $0x8480;
	s20 =	rddreg [dreg:$0x7];
	v2 =	vld [tilespmem:s28+$0x2470]  }
.LBB2_14:
0x392: {  	p2 =	sne.s32 s12, $0x7E00  }
0x393: {  	s3 =	sadd.s32 $0x100, s3;
	s13 =	smov.u32 s12;
	s12 =	sadd.s32 $0x200, s12  }
0x394: {  	_ =	sdelay $0x1  }
0x395: {  	v3 =	vunpack.i.u.bf16.f32 v2;
	v2 =	vunpack.i.l.bf16.f32 v2  }
0x396: {  	v0 =	vadd.f32 v0, v2;
	v1 =	vadd.f32 v1, v3;
	_ =	sdelay $0x1  }
0x397: {  	v0 =	vmax.f32 v0, $0.0e+00;
	v1 =	vmax.f32 v1, $0.0e+00  }
0x398: {  	[tilespmem:s11+$0xFFFFFFF0] =	vst v0  }
0x399: {  	s13 =	sshra.s32 s13, $0x2;
	v0 =	vld [tilespmem:s3+$0x0];
	[tilespmem:s11+$0x70] =	vst v1;
	s11 =	smov.u32 s3  }
0x39a: {  	v1 =	vld [tilespmem:s13+$0x2400]  }
0x39b: {  	v2 =	vld [tilespmem:s3+$0xFFFFFF80];
	_ =	sdelay $0x3  }
0x39c: {  	v3 =	vunpack.i.u.bf16.f32 v1;
	v1 =	vunpack.i.l.bf16.f32 v1  }
0x39d: {  	v1 =	vadd.f32 v2, v1;
	v0 =	vadd.f32 v0, v3;
	_ =	sdelay $0x1  }
0x39e: {  	v1 =	vmax.f32 v1, $0.0e+00;
	v0 =	vmax.f32 v0, $0.0e+00  }
0x39f: {  	[tilespmem:s3+$0xFFFFFF80] =	vst v1  }
0x3a0: {  	[tilespmem:s3+$0x0] =	vst v0;
	v0 =	vld [tilespmem:s3+$0x10]  }
0x3a1: {  	v1 =	vld [tilespmem:s13+$0x2410]  }
0x3a2: {  	v2 =	vld [tilespmem:s3+$0xFFFFFF90];
	_ =	sdelay $0x3  }
0x3a3: {  	v3 =	vunpack.i.u.bf16.f32 v1;
	v1 =	vunpack.i.l.bf16.f32 v1  }
0x3a4: {  	v1 =	vadd.f32 v2, v1;
	v0 =	vadd.f32 v0, v3;
	_ =	sdelay $0x1  }
0x3a5: {  	v1 =	vmax.f32 v1, $0.0e+00;
	v0 =	vmax.f32 v0, $0.0e+00  }
0x3a6: {  	[tilespmem:s3+$0xFFFFFF90] =	vst v1  }
0x3a7: {  	[tilespmem:s3+$0x10] =	vst v0;
	v0 =	vld [tilespmem:s3+$0x20]  }
0x3a8: {  	v1 =	vld [tilespmem:s13+$0x2420]  }
0x3a9: {  	v2 =	vld [tilespmem:s3+$0xFFFFFFA0];
	_ =	sdelay $0x3  }
0x3aa: {  	v3 =	vunpack.i.u.bf16.f32 v1;
	v1 =	vunpack.i.l.bf16.f32 v1  }
0x3ab: {  	v1 =	vadd.f32 v2, v1;
	v0 =	vadd.f32 v0, v3;
	_ =	sdelay $0x1  }
0x3ac: {  	v1 =	vmax.f32 v1, $0.0e+00;
	v0 =	vmax.f32 v0, $0.0e+00  }
0x3ad: {  	[tilespmem:s3+$0xFFFFFFA0] =	vst v1  }
0x3ae: {  	[tilespmem:s3+$0x20] =	vst v0;
	v0 =	vld [tilespmem:s3+$0x30]  }
0x3af: {  	v1 =	vld [tilespmem:s13+$0x2430]  }
0x3b0: {  	v2 =	vld [tilespmem:s3+$0xFFFFFFB0];
	_ =	sdelay $0x3  }
0x3b1: {  	v3 =	vunpack.i.u.bf16.f32 v1;
	v1 =	vunpack.i.l.bf16.f32 v1  }
0x3b2: {  	v1 =	vadd.f32 v2, v1;
	v0 =	vadd.f32 v0, v3;
	_ =	sdelay $0x1  }
0x3b3: {  	v1 =	vmax.f32 v1, $0.0e+00;
	v0 =	vmax.f32 v0, $0.0e+00  }
0x3b4: {  	[tilespmem:s3+$0xFFFFFFB0] =	vst v1  }
0x3b5: {  	[tilespmem:s3+$0x30] =	vst v0;
	v0 =	vld [tilespmem:s3+$0x40]  }
0x3b6: {  	v1 =	vld [tilespmem:s13+$0x2440]  }
0x3b7: {  	v2 =	vld [tilespmem:s3+$0xFFFFFFC0];
	_ =	sdelay $0x3  }
0x3b8: {  	v3 =	vunpack.i.u.bf16.f32 v1;
	v1 =	vunpack.i.l.bf16.f32 v1  }
0x3b9: {  	v1 =	vadd.f32 v2, v1;
	v0 =	vadd.f32 v0, v3;
	_ =	sdelay $0x1  }
0x3ba: {  	v1 =	vmax.f32 v1, $0.0e+00;
	v0 =	vmax.f32 v0, $0.0e+00  }
0x3bb: {  	[tilespmem:s3+$0xFFFFFFC0] =	vst v1  }
0x3bc: {  	[tilespmem:s3+$0x40] =	vst v0;
	v0 =	vld [tilespmem:s3+$0x50]  }
0x3bd: {  	v1 =	vld [tilespmem:s13+$0x2450]  }
0x3be: {  	v2 =	vld [tilespmem:s3+$0xFFFFFFD0];
	_ =	sdelay $0x3  }
0x3bf: {  	v3 =	vunpack.i.u.bf16.f32 v1;
	v1 =	vunpack.i.l.bf16.f32 v1  }
0x3c0: {  	v1 =	vadd.f32 v2, v1;
	v0 =	vadd.f32 v0, v3;
	_ =	sdelay $0x1  }
0x3c1: {  	v1 =	vmax.f32 v1, $0.0e+00;
	v0 =	vmax.f32 v0, $0.0e+00  }
0x3c2: {  	[tilespmem:s3+$0xFFFFFFD0] =	vst v1  }
0x3c3: {  	[tilespmem:s3+$0x50] =	vst v0;
	v1 =	vld [tilespmem:s3+$0x60]  }
0x3c4: {  	v0 =	vld [tilespmem:s13+$0x2460]  }
0x3c5: {  	v2 =	vld [tilespmem:s3+$0xFFFFFFE0];
	_ =	sdelay $0x3  }
0x3c6: {  	v3 =	vunpack.i.u.bf16.f32 v0;
	v4 =	vunpack.i.l.bf16.f32 v0;
	v0 =	vld [tilespmem:s3+$0xFFFFFFF0]  }
0x3c7: {  	v2 =	vadd.f32 v2, v4;
	v1 =	vadd.f32 v1, v3;
	_ =	sdelay $0x1  }
.Ltmp8:
0x3c8: {  	v2 =	vmax.f32 v2, $0.0e+00;
	v1 =	vmax.f32 v1, $0.0e+00;
	(pc) =	sbr.rel @p2 .LBB2_14-.Ltmp8, $4  }
0x3c9: {  	[tilespmem:s3+$0xFFFFFFE0] =	vst v2  }
0x3ca: {  	[tilespmem:s3+$0x60] =	vst v1  }
0x3cb: {  	v2 =	vld [tilespmem:s13+$0x2470]  }
0x3cc: {  	v1 =	vld [tilespmem:s3+$0x70]  }
0x3cd: {  	_ =	sdelay $0x2  }
0x3ce: {  	v3 =	vunpack.i.l.bf16.f32 v2  }
0x3cf: {  	v63 =	vunpack.i.u.bf16.f32 v2;
	v0 =	vadd.f32 v0, v3  }
0x3d0: {  	v1 =	vadd.f32 v1, v63  }
0x3d1: {  	v0 =	vmax.f32 v0, $0.0e+00  }
0x3d2: {  	v1 =	vmax.f32 v1, $0.0e+00;
	[tilespmem:s11+$0xFFFFFFF0] =	vst v0  }
.Ltmp9:
0x3d3: {  	[tilespmem:s11+$0x70] =	vst v1;
	(pc) =	sbr.rel @p0 .LBB2_19-.Ltmp9, $4  }
0x3d4: {  	[spmem:s2] =	stream.indirect.scatter.add.f32 [tilespmem:s17], [sflag:$0x9], $0x80, s0, s31, $0xb8;
	[tilespmem:$0x1FC80] =	vst v63  }
0x3d5: {  	_ =	swait.ge [sflag:s29], $0x4000  }
0x3d6: {  	[sflag:s29] =	ssyncset.done $0x0  }
0x3d7: {  	s12 =	rddreg [dreg:$0x17];
	[sflag:s29] =	ssyncadd.s32 $0xFFFFC000  }
0x3d8: {  	s3 =	simm.s32 $0x0;
	s11 =	rddreg [dreg:$0x10]  }
0x3d9: {  	[tilespmem:s3], [sflag:$0x1] =	stream.linear.gather [hbm4b:s11+s3], $0x80, $0x38;
	[tilespmem:$0x1FC80] =	vst v63  }
0x3da: {  	s24 =	rddreg [dreg:$0x11]  }
0x3db: {  	[tilespmem:s30], [sflag:$0x1] =	stream.linear.gather [hbm4b:s24+s3], $0x80, $0x38;
	[tilespmem:$0x1FC80] =	vst v63  }
0x3dc: {  	_ =	swait.ge [sflag:s4], $0x80  }
0x3dd: {  	[sflag:s4] =	ssyncset.done $0x0  }
0x3de: {  	[sflag:s4] =	ssyncadd.s32 $0xFFFFFF80  }
0x3df: {  	_ =	swait.ge [sflag:s4], $0x80  }
0x3e0: {  	[sflag:s4] =	ssyncset.done $0x0  }
0x3e1: {  	s26 =	rddreg [dreg:$0x12];
	[sflag:s4] =	ssyncadd.s32 $0xFFFFFF80  }
0x3e2: {  	[tilespmem:s21], [sflag:$0x5] =	stream.linear.gather [hbm4b:s26+s3], $0x2000, $0x38;
	[tilespmem:$0x1FC80] =	vst v63  }
0x3e3: {  	_ = 	snop  }
0x3e4: {  	[tilespmem:s22], [sflag:$0x7] =	stream.indirect.gather [hbm4b:s1+s31], $0x80, s3, s31, $0xb8;
	[tilespmem:$0x1FC80] =	vst v63  }
0x3e5: {  	_ =	swait.ge [sflag:s23], $0x2000  }
0x3e6: {  	[sflag:s23] =	ssyncset.done $0x0  }
0x3e7: {  	[sflag:s23] =	ssyncadd.s32 $0xFFFFE000  }
0x3e8: {  	_ =	swait.ge [sflag:s10], $0x4000  }
0x3e9: {  	[sflag:s10] =	ssyncset.done $0x0  }
0x3ea: {  	s28 =	simm.s32 $0x0;
	[sflag:s10] =	ssyncadd.s32 $0xFFFFC000  }
0x3eb: {  	s3 =	simm.s32 $0x4480;
	v0 =	vld [tilespmem:s28+$0x400]  }
0x3ec: {  	v1 =	vld [tilespmem:s3+$0xFFFFFF80]  }
0x3ed: {  	v2 =	vld [tilespmem:s3+$0x0];
	_ =	sdelay $0x2  }
0x3ee: {  	v3 =	vunpack.i.l.bf16.f32 v0  }
0x3ef: {  	v0 =	vunpack.i.u.bf16.f32 v0;
	v1 =	vadd.f32 v1, v3  }
0x3f0: {  	v0 =	vadd.f32 v2, v0  }
0x3f1: {  	v1 =	vmax.f32 v1, $0.0e+00  }
0x3f2: {  	v0 =	vmax.f32 v0, $0.0e+00;
	[tilespmem:s3+$0xFFFFFF80] =	vst v1  }
0x3f3: {  	[tilespmem:s3+$0x0] =	vst v0  }
0x3f4: {  	v0 =	vld [tilespmem:s28+$0x410]  }
0x3f5: {  	v1 =	vld [tilespmem:s3+$0xFFFFFF90]  }
0x3f6: {  	v2 =	vld [tilespmem:s3+$0x10];
	_ =	sdelay $0x2  }
0x3f7: {  	v3 =	vunpack.i.l.bf16.f32 v0  }
0x3f8: {  	v0 =	vunpack.i.u.bf16.f32 v0;
	v1 =	vadd.f32 v1, v3  }
0x3f9: {  	v0 =	vadd.f32 v2, v0  }
0x3fa: {  	v1 =	vmax.f32 v1, $0.0e+00  }
0x3fb: {  	v0 =	vmax.f32 v0, $0.0e+00;
	[tilespmem:s3+$0xFFFFFF90] =	vst v1  }
0x3fc: {  	[tilespmem:s3+$0x10] =	vst v0  }
0x3fd: {  	v0 =	vld [tilespmem:s28+$0x420]  }
0x3fe: {  	v1 =	vld [tilespmem:s3+$0xFFFFFFA0]  }
0x3ff: {  	v2 =	vld [tilespmem:s3+$0x20];
	_ =	sdelay $0x2  }
0x400: {  	v3 =	vunpack.i.l.bf16.f32 v0  }
0x401: {  	v0 =	vunpack.i.u.bf16.f32 v0;
	v1 =	vadd.f32 v1, v3  }
0x402: {  	v0 =	vadd.f32 v2, v0  }
0x403: {  	v1 =	vmax.f32 v1, $0.0e+00  }
0x404: {  	v0 =	vmax.f32 v0, $0.0e+00;
	[tilespmem:s3+$0xFFFFFFA0] =	vst v1  }
0x405: {  	[tilespmem:s3+$0x20] =	vst v0  }
0x406: {  	v0 =	vld [tilespmem:s28+$0x430]  }
0x407: {  	v1 =	vld [tilespmem:s3+$0xFFFFFFB0]  }
0x408: {  	v2 =	vld [tilespmem:s3+$0x30];
	_ =	sdelay $0x2  }
0x409: {  	v3 =	vunpack.i.l.bf16.f32 v0  }
0x40a: {  	v0 =	vunpack.i.u.bf16.f32 v0;
	v1 =	vadd.f32 v1, v3  }
0x40b: {  	v0 =	vadd.f32 v2, v0  }
0x40c: {  	v1 =	vmax.f32 v1, $0.0e+00  }
0x40d: {  	v0 =	vmax.f32 v0, $0.0e+00;
	[tilespmem:s3+$0xFFFFFFB0] =	vst v1  }
0x40e: {  	[tilespmem:s3+$0x30] =	vst v0  }
0x40f: {  	v0 =	vld [tilespmem:s28+$0x440]  }
0x410: {  	v1 =	vld [tilespmem:s3+$0xFFFFFFC0]  }
0x411: {  	v2 =	vld [tilespmem:s3+$0x40];
	_ =	sdelay $0x2  }
0x412: {  	v3 =	vunpack.i.l.bf16.f32 v0  }
0x413: {  	v0 =	vunpack.i.u.bf16.f32 v0;
	v1 =	vadd.f32 v1, v3  }
0x414: {  	v0 =	vadd.f32 v2, v0  }
0x415: {  	v1 =	vmax.f32 v1, $0.0e+00  }
0x416: {  	v0 =	vmax.f32 v0, $0.0e+00;
	[tilespmem:s3+$0xFFFFFFC0] =	vst v1  }
0x417: {  	[tilespmem:s3+$0x40] =	vst v0  }
0x418: {  	v0 =	vld [tilespmem:s28+$0x450]  }
0x419: {  	v1 =	vld [tilespmem:s3+$0xFFFFFFD0]  }
0x41a: {  	v2 =	vld [tilespmem:s3+$0x50];
	_ =	sdelay $0x2  }
0x41b: {  	v3 =	vunpack.i.l.bf16.f32 v0  }
0x41c: {  	v0 =	vunpack.i.u.bf16.f32 v0;
	v1 =	vadd.f32 v1, v3  }
0x41d: {  	v0 =	vadd.f32 v2, v0  }
0x41e: {  	v1 =	vmax.f32 v1, $0.0e+00  }
0x41f: {  	v0 =	vmax.f32 v0, $0.0e+00;
	[tilespmem:s3+$0xFFFFFFD0] =	vst v1  }
0x420: {  	[tilespmem:s3+$0x50] =	vst v0  }
0x421: {  	v0 =	vld [tilespmem:s28+$0x460]  }
0x422: {  	v1 =	vld [tilespmem:s3+$0xFFFFFFE0]  }
0x423: {  	v2 =	vld [tilespmem:s3+$0x60];
	_ =	sdelay $0x2  }
0x424: {  	v3 =	vunpack.i.l.bf16.f32 v0  }
0x425: {  	v0 =	vunpack.i.u.bf16.f32 v0;
	v1 =	vadd.f32 v1, v3  }
0x426: {  	v2 =	vadd.f32 v2, v0  }
0x427: {  	v1 =	vmax.f32 v1, $0.0e+00  }
0x428: {  	v0 =	vld [tilespmem:s3+$0xFFFFFFF0];
	v2 =	vmax.f32 v2, $0.0e+00;
	[tilespmem:s3+$0xFFFFFFE0] =	vst v1  }
0x429: {  	[tilespmem:s3+$0x60] =	vst v2;
	v1 =	vld [tilespmem:s3+$0x70]  }
0x42a: {  	s12 =	simm.s32 $0x200;
	s11 =	simm.s32 $0x4480;
	v2 =	vld [tilespmem:s28+$0x470]  }
.LBB2_17:
0x42b: {  	p2 =	sne.s32 s12, $0x7E00  }
0x42c: {  	s3 =	sadd.s32 $0x100, s3;
	s13 =	smov.u32 s12;
	s12 =	sadd.s32 $0x200, s12  }
0x42d: {  	_ =	sdelay $0x1  }
0x42e: {  	v3 =	vunpack.i.u.bf16.f32 v2;
	v2 =	vunpack.i.l.bf16.f32 v2  }
0x42f: {  	v0 =	vadd.f32 v0, v2;
	v1 =	vadd.f32 v1, v3;
	_ =	sdelay $0x1  }
0x430: {  	v0 =	vmax.f32 v0, $0.0e+00;
	v1 =	vmax.f32 v1, $0.0e+00  }
0x431: {  	[tilespmem:s11+$0xFFFFFFF0] =	vst v0  }
0x432: {  	s13 =	sshra.s32 s13, $0x2;
	v0 =	vld [tilespmem:s3+$0x0];
	[tilespmem:s11+$0x70] =	vst v1;
	s11 =	smov.u32 s3  }
0x433: {  	v1 =	vld [tilespmem:s13+$0x400]  }
0x434: {  	v2 =	vld [tilespmem:s3+$0xFFFFFF80];
	_ =	sdelay $0x3  }
0x435: {  	v3 =	vunpack.i.u.bf16.f32 v1;
	v1 =	vunpack.i.l.bf16.f32 v1  }
0x436: {  	v1 =	vadd.f32 v2, v1;
	v0 =	vadd.f32 v0, v3;
	_ =	sdelay $0x1  }
0x437: {  	v1 =	vmax.f32 v1, $0.0e+00;
	v0 =	vmax.f32 v0, $0.0e+00  }
0x438: {  	[tilespmem:s3+$0xFFFFFF80] =	vst v1  }
0x439: {  	[tilespmem:s3+$0x0] =	vst v0;
	v0 =	vld [tilespmem:s3+$0x10]  }
0x43a: {  	v1 =	vld [tilespmem:s13+$0x410]  }
0x43b: {  	v2 =	vld [tilespmem:s3+$0xFFFFFF90];
	_ =	sdelay $0x3  }
0x43c: {  	v3 =	vunpack.i.u.bf16.f32 v1;
	v1 =	vunpack.i.l.bf16.f32 v1  }
0x43d: {  	v1 =	vadd.f32 v2, v1;
	v0 =	vadd.f32 v0, v3;
	_ =	sdelay $0x1  }
0x43e: {  	v1 =	vmax.f32 v1, $0.0e+00;
	v0 =	vmax.f32 v0, $0.0e+00  }
0x43f: {  	[tilespmem:s3+$0xFFFFFF90] =	vst v1  }
0x440: {  	[tilespmem:s3+$0x10] =	vst v0;
	v0 =	vld [tilespmem:s3+$0x20]  }
0x441: {  	v1 =	vld [tilespmem:s13+$0x420]  }
0x442: {  	v2 =	vld [tilespmem:s3+$0xFFFFFFA0];
	_ =	sdelay $0x3  }
0x443: {  	v3 =	vunpack.i.u.bf16.f32 v1;
	v1 =	vunpack.i.l.bf16.f32 v1  }
0x444: {  	v1 =	vadd.f32 v2, v1;
	v0 =	vadd.f32 v0, v3;
	_ =	sdelay $0x1  }
0x445: {  	v1 =	vmax.f32 v1, $0.0e+00;
	v0 =	vmax.f32 v0, $0.0e+00  }
0x446: {  	[tilespmem:s3+$0xFFFFFFA0] =	vst v1  }
0x447: {  	[tilespmem:s3+$0x20] =	vst v0;
	v0 =	vld [tilespmem:s3+$0x30]  }
0x448: {  	v1 =	vld [tilespmem:s13+$0x430]  }
0x449: {  	v2 =	vld [tilespmem:s3+$0xFFFFFFB0];
	_ =	sdelay $0x3  }
0x44a: {  	v3 =	vunpack.i.u.bf16.f32 v1;
	v1 =	vunpack.i.l.bf16.f32 v1  }
0x44b: {  	v1 =	vadd.f32 v2, v1;
	v0 =	vadd.f32 v0, v3;
	_ =	sdelay $0x1  }
0x44c: {  	v1 =	vmax.f32 v1, $0.0e+00;
	v0 =	vmax.f32 v0, $0.0e+00  }
0x44d: {  	[tilespmem:s3+$0xFFFFFFB0] =	vst v1  }
0x44e: {  	[tilespmem:s3+$0x30] =	vst v0;
	v0 =	vld [tilespmem:s3+$0x40]  }
0x44f: {  	v1 =	vld [tilespmem:s13+$0x440]  }
0x450: {  	v2 =	vld [tilespmem:s3+$0xFFFFFFC0];
	_ =	sdelay $0x3  }
0x451: {  	v3 =	vunpack.i.u.bf16.f32 v1;
	v1 =	vunpack.i.l.bf16.f32 v1  }
0x452: {  	v1 =	vadd.f32 v2, v1;
	v0 =	vadd.f32 v0, v3;
	_ =	sdelay $0x1  }
0x453: {  	v1 =	vmax.f32 v1, $0.0e+00;
	v0 =	vmax.f32 v0, $0.0e+00  }
0x454: {  	[tilespmem:s3+$0xFFFFFFC0] =	vst v1  }
0x455: {  	[tilespmem:s3+$0x40] =	vst v0;
	v0 =	vld [tilespmem:s3+$0x50]  }
0x456: {  	v1 =	vld [tilespmem:s13+$0x450]  }
0x457: {  	v2 =	vld [tilespmem:s3+$0xFFFFFFD0];
	_ =	sdelay $0x3  }
0x458: {  	v3 =	vunpack.i.u.bf16.f32 v1;
	v1 =	vunpack.i.l.bf16.f32 v1  }
0x459: {  	v1 =	vadd.f32 v2, v1;
	v0 =	vadd.f32 v0, v3;
	_ =	sdelay $0x1  }
0x45a: {  	v1 =	vmax.f32 v1, $0.0e+00;
	v0 =	vmax.f32 v0, $0.0e+00  }
0x45b: {  	[tilespmem:s3+$0xFFFFFFD0] =	vst v1  }
0x45c: {  	[tilespmem:s3+$0x50] =	vst v0;
	v1 =	vld [tilespmem:s3+$0x60]  }
0x45d: {  	v0 =	vld [tilespmem:s13+$0x460]  }
0x45e: {  	v2 =	vld [tilespmem:s3+$0xFFFFFFE0];
	_ =	sdelay $0x3  }
0x45f: {  	v3 =	vunpack.i.u.bf16.f32 v0;
	v4 =	vunpack.i.l.bf16.f32 v0;
	v0 =	vld [tilespmem:s3+$0xFFFFFFF0]  }
0x460: {  	v2 =	vadd.f32 v2, v4;
	v1 =	vadd.f32 v1, v3;
	_ =	sdelay $0x1  }
.Ltmp10:
0x461: {  	v2 =	vmax.f32 v2, $0.0e+00;
	v1 =	vmax.f32 v1, $0.0e+00;
	(pc) =	sbr.rel @p2 .LBB2_17-.Ltmp10, $4  }
0x462: {  	[tilespmem:s3+$0xFFFFFFE0] =	vst v2  }
0x463: {  	[tilespmem:s3+$0x60] =	vst v1  }
0x464: {  	v2 =	vld [tilespmem:s13+$0x470]  }
0x465: {  	v1 =	vld [tilespmem:s3+$0x70]  }
0x466: {  	_ =	sdelay $0x2  }
0x467: {  	v3 =	vunpack.i.l.bf16.f32 v2  }
0x468: {  	v63 =	vunpack.i.u.bf16.f32 v2;
	v0 =	vadd.f32 v0, v3  }
0x469: {  	v1 =	vadd.f32 v1, v63  }
0x46a: {  	v0 =	vmax.f32 v0, $0.0e+00  }
0x46b: {  	v1 =	vmax.f32 v1, $0.0e+00;
	[tilespmem:s11+$0xFFFFFFF0] =	vst v0  }
.Ltmp11:
0x46c: {  	[tilespmem:s11+$0x70] =	vst v1;
	(pc) =	sbr.rel .LBB2_19-.Ltmp11, $4  }
0x46d: {  	[spmem:s2] =	stream.indirect.scatter.add.f32 [tilespmem:s22], [sflag:$0x9], $0x80, s30, s31, $0xb8;
	[tilespmem:$0x1FC80] =	vst v63  }
0x46e: {  	_ =	swait.ge [sflag:s29], $0x4000  }
0x46f: {  	[sflag:s29] =	ssyncset.done $0x0  }
0x470: {  	s12 =	rddreg [dreg:$0x17];
	[sflag:s29] =	ssyncadd.s32 $0xFFFFC000  }
.LBB2_20:
0x471: {  	_ =	sfence.sel $0x180000  }
0x472: {  	[bflag:$0x0] =	sbarrier.arrive $0xFFFF  }
0x473: {  	_ =	strace $0x90000047  }
0x474: {  	s0 =	stileid.u32;
	[bflag:$0x2] =	sbarrier.arrive $0xFFFF  }
0x475: {  	p0 =	sne.s32 s0, $0x0;
	s0 =	rddreg [dreg:$0x4]  }
0x476: {  	s0 =	sadd.s32 @!p0 $0x100000, s0  }
0x477: {  	[sflag:s0] =	ssyncadd.tile.s32 @!p0 $0x1;
	_ =	shalt  }
.Lfunc_end2:
_tile_overlayer_lowered:
.L_overlay_start_2:
0x478: {  	(tag) =	ssettag $0x2  }
0x479: {  	s0 =	rddreg [dreg:$0x0];
	s2 =	stileid.u32  }
0x47a: {  	s1 =	rddreg [dreg:$0x1];
	p0 =	sne.s32 s2, $0x0  }
0x47b: {  	s3 =	rddreg [dreg:$0x2];
	[bflag:$0x3] =	sbarrier.arrive $0xFFFF;
	s2 =	simm.s32 @!p0 $0x1C09  }
0x47c: {  	[timem:s3], [sflag:s2] =	dma.local @!p0 [hbm:s0], s1  }
0x47d: {  	s0 =	simm.s32 @!p0 $0x9  }
0x47e: {  	_ =	swait.ge @!p0 [sflag:s0], s1  }
0x47f: {  	s1 =	ssub.s32 @!p0 $0x0, s1;
	[sflag:s0] =	ssyncset.done @!p0 $0x0  }
0x480: {  	[sflag:s0] =	ssyncadd.s32 @!p0 s1  }
0x481: {  	[bflag:$0x3] =	sbarrier.arrive $0xFFFF  }
0x482: {  	_ =	shalt  }

</sc_bundles>
